<compile_context>
chip_gen: v7x
topology: tpu7x:2x2x1
jax: 0.10.2.dev20260603
libtpu: 0.0.44.dev20260713+nightly
codegen_flags: <defaults>
</compile_context>

<pallas_src>
import functools

import jax
import jax.numpy as jnp
from jax import lax
from jax.experimental import pallas as pl
from jax.experimental.pallas import tpu as pltpu
from jax.experimental.pallas import tpu_sc as plsc

T_STEPS = 4
NUM_CORES = 2
NUM_SUBCORES = 16
NW = NUM_CORES * NUM_SUBCORES
CHUNK = 128
BLK = 1000
SPAD = 512



def _trans_body(h_ref, A_ref, out_ref):
    h = h_ref[...]
    for t in range(out_ref.shape[0]):
        out_ref[t] = jnp.dot(h, A_ref[t], preferred_element_type=jnp.float32)


def _gru_math(h, m, Wz_ref, Uz_ref, bz_ref, Wr_ref, Ur_ref, br_ref,
              Wh_ref, Uh_ref, bh_ref):
    dot = lambda a, b: jnp.dot(a, b, preferred_element_type=jnp.float32)
    z = jax.nn.sigmoid(dot(m, Wz_ref[...]) + dot(h, Uz_ref[...]) + bz_ref[...])
    r = jax.nn.sigmoid(dot(m, Wr_ref[...]) + dot(h, Ur_ref[...]) + br_ref[...])
    h_t = jnp.tanh(dot(m, Wh_ref[...]) + dot(r * h, Uh_ref[...]) + bh_ref[...])
    return (1.0 - z) * h + z * h_t


def _gru_trans_body(h_ref, m2_ref, A_ref, Wz_ref, Uz_ref, bz_ref,
                    Wr_ref, Ur_ref, br_ref, Wh_ref, Uh_ref, bh_ref,
                    hout_ref, trans_ref):
    h = h_ref[...]
    m = m2_ref[0] + m2_ref[1]
    hn = _gru_math(h, m, Wz_ref, Uz_ref, bz_ref, Wr_ref, Ur_ref, br_ref,
                   Wh_ref, Uh_ref, bh_ref)
    hout_ref[...] = hn
    for t in range(trans_ref.shape[0]):
        trans_ref[t] = jnp.dot(hn, A_ref[t], preferred_element_type=jnp.float32)


def _gru_readout_body(h_ref, m2_ref, Wz_ref, Uz_ref, bz_ref,
                      Wr_ref, Ur_ref, br_ref, Wh_ref, Uh_ref, bh_ref,
                      Wg_ref, bg_ref, Wp_ref, bp_ref, starts_ref, out_ref):
    h = h_ref[...]
    m = m2_ref[0] + m2_ref[1]
    hn = _gru_math(h, m, Wz_ref, Uz_ref, bz_ref, Wr_ref, Ur_ref, br_ref,
                   Wh_ref, Uh_ref, bh_ref)
    dot = lambda a, b: jnp.dot(a, b, preferred_element_type=jnp.float32)
    gate = jax.nn.sigmoid(dot(hn, Wg_ref[...]) + bg_ref[0, 0])
    proj = dot(hn, Wp_ref[...]) + bp_ref[0, 0]
    gated = gate * proj
    i = pl.program_id(0)
    blk = h_ref.shape[0]
    rows = (i * blk
            + lax.broadcasted_iota(jnp.int32, (blk, 1), 0)).astype(jnp.float32)
    cnt = jnp.sum((rows >= starts_ref[...]).astype(jnp.float32),
                  axis=1, keepdims=True)
    seg = cnt - 1.0
    g = out_ref.shape[0]
    gidx = lax.broadcasted_iota(jnp.int32, (1, g), 1).astype(jnp.float32)
    onehot = (seg == gidx).astype(jnp.float32)
    contrib = jnp.sum(onehot * gated, axis=0).reshape(g, 1)

    @pl.when(i == 0)
    def _init():
        out_ref[...] = contrib

    @pl.when(i > 0)
    def _acc():
        out_ref[...] += contrib


def _trans0(h, A):
    n, d = h.shape
    nt = A.shape[0]
    return pl.pallas_call(
        _trans_body,
        grid=(n // BLK,),
        in_specs=[
            pl.BlockSpec((BLK, d), lambda i: (i, 0)),
            pl.BlockSpec((nt, d, d), lambda i: (0, 0, 0)),
        ],
        out_specs=pl.BlockSpec((nt, BLK, d), lambda i: (0, i, 0)),
        out_shape=jax.ShapeDtypeStruct((nt, n, d), jnp.float32),
    )(h, A)


def _gru_trans(h, m_parts, A, Wz, Uz, bz2, Wr, Ur, br2, Wh, Uh, bh2):
    n, d = h.shape
    nt = A.shape[0]
    wspec = pl.BlockSpec((d, d), lambda i: (0, 0))
    bspec = pl.BlockSpec((1, d), lambda i: (0, 0))
    return pl.pallas_call(
        _gru_trans_body,
        grid=(n // BLK,),
        in_specs=[
            pl.BlockSpec((BLK, d), lambda i: (i, 0)),
            pl.BlockSpec((2, BLK, d), lambda i: (0, i, 0)),
            pl.BlockSpec((nt, d, d), lambda i: (0, 0, 0)),
            wspec, wspec, bspec, wspec, wspec, bspec, wspec, wspec, bspec,
        ],
        out_specs=[
            pl.BlockSpec((BLK, d), lambda i: (i, 0)),
            pl.BlockSpec((nt, BLK, d), lambda i: (0, i, 0)),
        ],
        out_shape=[
            jax.ShapeDtypeStruct((n, d), jnp.float32),
            jax.ShapeDtypeStruct((nt, n, d), jnp.float32),
        ],
    )(h, m_parts, A, Wz, Uz, bz2, Wr, Ur, br2, Wh, Uh, bh2)


def _gru_readout(h, m_parts, Wz, Uz, bz2, Wr, Ur, br2, Wh, Uh, bh2,
                 Wg, bg2, Wp, bp2, starts_f, g):
    n, d = h.shape
    wspec = pl.BlockSpec((d, d), lambda i: (0, 0))
    bspec = pl.BlockSpec((1, d), lambda i: (0, 0))
    vspec = pl.BlockSpec((d, 1), lambda i: (0, 0))
    sspec = pl.BlockSpec((1, 1), lambda i: (0, 0))
    return pl.pallas_call(
        _gru_readout_body,
        grid=(n // BLK,),
        in_specs=[
            pl.BlockSpec((BLK, d), lambda i: (i, 0)),
            pl.BlockSpec((2, BLK, d), lambda i: (0, i, 0)),
            wspec, wspec, bspec, wspec, wspec, bspec, wspec, wspec, bspec,
            vspec, sspec, vspec, sspec,
            pl.BlockSpec((1, SPAD), lambda i: (0, 0)),
        ],
        out_specs=pl.BlockSpec((g, 1), lambda i: (0, 0)),
        out_shape=jax.ShapeDtypeStruct((g, 1), jnp.float32),
    )(h, m_parts, Wz, Uz, bz2, Wr, Ur, br2, Wh, Uh, bh2,
      Wg, bg2, Wp, bp2, starts_f)



CW0_FRAC = 0.62


@functools.lru_cache(maxsize=None)
def _make_sc_msg(n_pad, e_pad, d):
    chunks_total = e_pad // CHUNK
    per_pair = chunks_total // NUM_SUBCORES
    cw0 = max(1, int(per_pair * CW0_FRAC))
    cw1 = per_pair - cw0
    rows_per_tile = n_pad // NUM_SUBCORES
    nfull = rows_per_tile // CHUNK
    rem = rows_per_tile % CHUNK
    mesh = plsc.VectorSubcoreMesh(core_axis_name="c", subcore_axis_name="s")

    @functools.partial(
        pl.kernel,
        mesh=mesh,
        out_type=jax.ShapeDtypeStruct((NUM_CORES, n_pad, d), jnp.float32),
        scratch_types=[
            pltpu.VMEM((CHUNK,), jnp.int32),
            pltpu.VMEM((CHUNK,), jnp.int32),
            pltpu.VMEM((CHUNK, d), jnp.float32),
            pltpu.VMEM_SHARED((n_pad, d), jnp.float32),
            pltpu.SemaphoreType.DMA,
        ],
    )
    def sc_msg(comb_hbm, dst_hbm, trans_hbm, out_hbm,
               idx_v, dst_v, rows_v, acc_sh, sem):
        cid = lax.axis_index("c")
        sid = lax.axis_index("s")

        lanes = d // 16

        def zbody(j, carry):
            row = j // lanes
            col = j % lanes
            rows_v[row, pl.ds(col * 16, 16)] = jnp.zeros((16,), jnp.float32)
            return carry

        lax.fori_loop(0, CHUNK * lanes, zbody, 0)
        base_r = sid * rows_per_tile

        def zdma(k, carry):
            pltpu.sync_copy(rows_v, acc_sh.at[pl.ds(base_r + k * CHUNK, CHUNK)])
            return carry

        lax.fori_loop(0, nfull, zdma, 0)
        if rem:
            pltpu.sync_copy(rows_v.at[pl.ds(0, rem)],
                            acc_sh.at[pl.ds(base_r + nfull * CHUNK, rem)])
        plsc.subcore_barrier()

        def body_at(ebase):
            def body(j, carry):
                off = ebase + j * CHUNK
                pltpu.sync_copy(comb_hbm.at[pl.ds(off, CHUNK)], idx_v)
                pltpu.sync_copy(dst_hbm.at[pl.ds(off, CHUNK)], dst_v)
                pltpu.async_copy(trans_hbm.at[idx_v], rows_v, sem).wait()
                pltpu.sync_copy(rows_v, acc_sh.at[dst_v], add=True)
                return carry
            return body

        @pl.when(cid == 0)
        def _core0():
            lax.fori_loop(0, cw0, body_at(sid * cw0 * CHUNK), 0)

        @pl.when(cid == 1)
        def _core1():
            lax.fori_loop(0, cw1,
                          body_at((NUM_SUBCORES * cw0 + sid * cw1) * CHUNK), 0)

        plsc.subcore_barrier()
        pltpu.sync_copy(acc_sh.at[pl.ds(base_r, rows_per_tile)],
                        out_hbm.at[cid, pl.ds(base_r, rows_per_tile)])

    return sc_msg



def kernel(node_features, edge_index, edge_type, node_grp_start_with_end,
           A, Wz, Uz, bz, Wr, Ur, br, Wh, Uh, bh, Wp, bp, Wg, bg):
    n, d = node_features.shape
    nt = A.shape[0]
    e = edge_index.shape[1]
    g = node_grp_start_with_end.shape[0] - 1

    n_pad = 128 * ((n + 1 + 127) // 128)
    grain = NW * CHUNK
    e_pad = grain * ((e + grain - 1) // grain)

    src = edge_index[0].astype(jnp.int32)
    dst = edge_index[1].astype(jnp.int32)
    comb = edge_type.astype(jnp.int32) * n + src
    pad_e = e_pad - e
    comb_p = jnp.concatenate([comb, jnp.zeros((pad_e,), jnp.int32)])
    dst_p = jnp.concatenate([dst, jnp.full((pad_e,), n, jnp.int32)])

    bz2, br2, bh2 = bz.reshape(1, d), br.reshape(1, d), bh.reshape(1, d)
    bg2, bp2 = bg.reshape(1, 1), bp.reshape(1, 1)
    starts_f = jnp.full((1, SPAD), 2.0 * n, jnp.float32)
    starts_f = starts_f.at[0, : g + 1].set(
        node_grp_start_with_end.astype(jnp.float32))

    sc_msg = _make_sc_msg(n_pad, e_pad, d)

    h = node_features
    trans = _trans0(h, A).reshape(nt * n, d)
    out = None
    for s in range(T_STEPS):
        m_parts = sc_msg(comb_p, dst_p, trans)
        if s < T_STEPS - 1:
            h, trans4 = _gru_trans(h, m_parts, A, Wz, Uz, bz2,
                                   Wr, Ur, br2, Wh, Uh, bh2)
            trans = trans4.reshape(nt * n, d)
        else:
            out = _gru_readout(h, m_parts, Wz, Uz, bz2, Wr, Ur, br2,
                               Wh, Uh, bh2, Wg, bg2, Wp, bp2, starts_f, g)
    return out

# --- scband reference (transcript-rebuilt; emitter-appended) ---
"""Pipeline reference for scband-ggnnmodel-80101140070611 (READ-ONLY COPY).

The authoritative reference and input builder live on the scoring server;
editing this copy changes nothing except your own understanding.
"""

import jax, jax.numpy as jnp
import numpy as np

N = 10000
E = 320000
D = 128
NT = 4   # number of edge types (edge_names)
T = 4    # propagation steps
G = 256  # number of stacked graphs


def setup_inputs(seed: int = 0) -> dict:
    key = jax.random.key(seed)
    ks = jax.random.split(key, 20)
    node_features = jax.random.normal(ks[0], (N, D), dtype=jnp.float32)
    edge_index = jax.random.randint(ks[1], (2, E), 0, N)
    edge_type = jax.random.randint(ks[2], (E,), 0, NT)
    starts = jnp.sort(jax.random.randint(ks[3], (G + 1,), 0, N))
    starts = starts.at[0].set(0).at[-1].set(N)
    s = 1.0 / np.sqrt(D)
    # per-edge-type message transform matrices (GGNN)
    A = jax.random.normal(ks[4], (NT, D, D), dtype=jnp.float32) * s
    # GRU cell parameters
    Wz = jax.random.normal(ks[5], (D, D), dtype=jnp.float32) * s
    Uz = jax.random.normal(ks[6], (D, D), dtype=jnp.float32) * s
    bz = jnp.zeros((D,), dtype=jnp.float32)
    Wr = jax.random.normal(ks[7], (D, D), dtype=jnp.float32) * s
    Ur = jax.random.normal(ks[8], (D, D), dtype=jnp.float32) * s
    br = jnp.zeros((D,), dtype=jnp.float32)
    Wh = jax.random.normal(ks[9], (D, D), dtype=jnp.float32) * s
    Uh = jax.random.normal(ks[10], (D, D), dtype=jnp.float32) * s
    bh = jnp.zeros((D,), dtype=jnp.float32)
    # gated graph-level readout (GraphFeaturesStackCS): project-up MLP (D->1), gate MLP (D->1), mlp_down = identity
    Wp = jax.random.normal(ks[11], (D, 1), dtype=jnp.float32) * s
    bp = jnp.zeros((1,), dtype=jnp.float32)
    Wg = jax.random.normal(ks[12], (D, 1), dtype=jnp.float32) * s
    bg = jnp.zeros((1,), dtype=jnp.float32)
    return {
        "node_features": node_features,
        "edge_index": edge_index,
        "edge_type": edge_type,
        "node_grp_start_with_end": starts,
        "A": A,
        "Wz": Wz, "Uz": Uz, "bz": bz,
        "Wr": Wr, "Ur": Ur, "br": br,
        "Wh": Wh, "Uh": Uh, "bh": bh,
        "Wp": Wp, "bp": bp, "Wg": Wg, "bg": bg,
    }


def reference(node_features, edge_index, edge_type, node_grp_start_with_end,
              A, Wz, Uz, bz, Wr, Ur, br, Wh, Uh, bh, Wp, bp, Wg, bg):
    src = edge_index[0]
    dst = edge_index[1]
    h = node_features
    for _ in range(T):
        # per-edge-type linear transform of node states: (NT, N, D)
        trans = jnp.einsum('nd,tde->tne', h, A)
        # gather transformed source states per edge according to its edge type
        msgs = trans[edge_type, src]  # (E, D)
        # scatter-add messages into destination nodes
        m = jax.ops.segment_sum(msgs, dst, num_segments=N)
        # GRU update
        z = jax.nn.sigmoid(m @ Wz + h @ Uz + bz)
        r = jax.nn.sigmoid(m @ Wr + h @ Ur + br)
        h_tilde = jnp.tanh(m @ Wh + (r * h) @ Uh + bh)
        h = (1.0 - z) * h + z * h_tilde
    # gated graph-level readout over stacked-node groups
    gate = jax.nn.sigmoid(h @ Wg + bg)   # (N, 1)
    proj = h @ Wp + bp                    # (N, 1)
    gated = gate * proj
    starts = node_grp_start_with_end
    seg = jnp.searchsorted(starts, jnp.arange(N), side='right') - 1
    seg = jnp.clip(seg, 0, G - 1)
    graph_feats = jax.ops.segment_sum(gated, seg, num_segments=G)  # (G, 1)
    return graph_feats

if __name__ == "__main__":
    import jax
    _d = setup_inputs()
    print(jax.jit(kernel)(*tuple(_d.values())))

</pallas_src>

<mosaic_0001>
#map = affine_map<(d0, d1) -> (0)>
#map1 = affine_map<(d0, d1) -> (0, 0)>
#map2 = affine_map<(d0, d1) -> (0, 0, 0)>
module attributes {stable_mosaic.version = 14 : i64} {
  func.func @sc_msg(%arg0: i32, %arg1: i32, %arg2: memref<323584xi32, #tpu.memory_space<hbm>>, %arg3: memref<323584xi32, #tpu.memory_space<hbm>>, %arg4: memref<40000x128xf32, #tpu.memory_space<hbm>>, %arg5: memref<2x10112x128xf32, #tpu.memory_space<hbm>>, %arg6: memref<128xi32, #tpu.memory_space<vmem>>, %arg7: memref<128xi32, #tpu.memory_space<vmem>>, %arg8: memref<128x128xf32, #tpu.memory_space<vmem>>, %arg9: memref<10112x128xf32, #tpu.memory_space<vmem_shared>>, %arg10: memref<!tpu.dma_semaphore, #tpu.memory_space<semaphore_mem>>) attributes {dimension_semantics = [#tpu.dimension_semantics<core_parallel>, #tpu.dimension_semantics<subcore_parallel>], iteration_bounds = array<i64: 2, 16>, scalar_prefetch = 0 : i64, scratch_operands = 5 : i64, tpu.core_type = #tpu.core_type<sc_vector_subcore>, window_params = [{transform_indices = #map}, {transform_indices = #map}, {transform_indices = #map1}, {transform_indices = #map2}]} {
    %scan3A = arith.constant 0 : i32
    %scan3A_0 = arith.constant 0 : i32
    %scan3A_1 = arith.constant 1024 : i32
    %scan3A_2 = arith.addi %scan3A_0, %scan3A_1 : i32
    %scan3A_3 = arith.constant 1 : i32
    scf.for %scan3A_21 = %scan3A_0 to %scan3A_2 step %scan3A_3  : i32 {
      %jit3A = arith.constant 8 : i32
      %div3A = arith.divsi %scan3A_21, %jit3A : i32
      %sign3A = arith.constant 0 : i32
      %sign3A_22 = arith.cmpi sgt, %scan3A_21, %sign3A : i32
      %sign3A_23 = arith.extui %sign3A_22 : i1 to i32
      %sign3A_24 = arith.constant 0 : i32
      %sign3A_25 = arith.cmpi slt, %scan3A_21, %sign3A_24 : i32
      %sign3A_26 = arith.extui %sign3A_25 : i1 to i32
      %sign3A_27 = arith.subi %sign3A_23, %sign3A_26 : i32
      %sign3A_28 = arith.constant 0 : i32
      %sign3A_29 = arith.cmpi sgt, %jit3A, %sign3A_28 : i32
      %sign3A_30 = arith.extui %sign3A_29 : i1 to i32
      %sign3A_31 = arith.constant 0 : i32
      %sign3A_32 = arith.cmpi slt, %jit3A, %sign3A_31 : i32
      %sign3A_33 = arith.extui %sign3A_32 : i1 to i32
      %sign3A_34 = arith.subi %sign3A_30, %sign3A_33 : i32
      %ne3A = arith.cmpi ne, %sign3A_27, %sign3A_34 : i32
      %rem3A = arith.remsi %scan3A_21, %jit3A : i32
      %ne3A_35 = arith.constant 0 : i32
      %ne3A_36 = arith.cmpi ne, %rem3A, %ne3A_35 : i32
      %and3A = arith.andi %ne3A, %ne3A_36 : i1
      %sub3A = arith.constant 1 : i32
      %sub3A_37 = arith.subi %div3A, %sub3A : i32
      %select_n3A = arith.select %and3A, %sub3A_37, %div3A : i32
      %jit3A_38 = arith.constant 8 : i32
      %eq3A_39 = arith.constant 0 : i32
      %eq3A_40 = arith.cmpi eq, %jit3A_38, %eq3A_39 : i32
      %jit3A_41 = arith.constant 1 : i32
      %select_n3A_42 = arith.select %eq3A_40, %jit3A_41, %jit3A_38 : i32
      %rem3A_43 = arith.remsi %scan3A_21, %select_n3A_42 : i32
      %ne3A_44 = arith.constant 0 : i32
      %ne3A_45 = arith.cmpi ne, %rem3A_43, %ne3A_44 : i32
      %lt3A = arith.constant 0 : i32
      %lt3A_46 = arith.cmpi slt, %rem3A_43, %lt3A : i32
      %lt3A_47 = arith.constant 0 : i32
      %lt3A_48 = arith.cmpi slt, %select_n3A_42, %lt3A_47 : i32
      %ne3A_49 = arith.xori %lt3A_46, %lt3A_48 : i1
      %and3A_50 = arith.andi %ne3A_49, %ne3A_45 : i1
      %add3A_51 = arith.addi %rem3A_43, %select_n3A_42 : i32
      %select_n3A_52 = arith.select %and3A_50, %add3A_51, %rem3A_43 : i32
      %broadcast_in_dim3A = arith.constant 0.000000e+00 : f32
      %broadcast_in_dim3A_53 = vector.broadcast %broadcast_in_dim3A : f32 to vector<16xf32>
      %mul3A_54 = arith.constant 16 : i32
      %mul3A_55 = arith.muli %select_n3A_52, %mul3A_54 : i32
      %swap3A = arith.index_cast %select_n3A : i32 to index
      %swap3A_56 = arith.index_cast %mul3A_55 : i32 to index
      %swap3A_57 = tpu.vector_load %arg8[%swap3A, %swap3A_56] {strides = array<i32>} : memref<128x128xf32, #tpu.memory_space<vmem>>, vector<1x16xf32>,
      %swap3A_58 = vector.shape_cast %swap3A_57 : vector<1x16xf32> to vector<16xf32>
      %swap3A_59 = vector.shape_cast %broadcast_in_dim3A_53 : vector<16xf32> to vector<1x16xf32>
      tpu.vector_store %arg8[%swap3A, %swap3A_56], %swap3A_59 {strides = array<i32>} : memref<128x128xf32, #tpu.memory_space<vmem>>, vector<1x16xf32>,
    }
    %scan3A_4 = arith.constant 1024 : i32
    %mul3A = arith.constant 632 : i32
    %mul3A_5 = arith.muli %arg1, %mul3A : i32
    %scan3A_6 = arith.constant 0 : i32
    %scan3A_7 = arith.constant 0 : i32
    %scan3A_8 = arith.constant 4 : i32
    %scan3A_9 = arith.addi %scan3A_7, %scan3A_8 : i32
    %scan3A_10 = arith.constant 1 : i32
    scf.for %scan3A_21 = %scan3A_7 to %scan3A_9 step %scan3A_10  : i32 {
      %mul3A_22 = arith.constant 128 : i32
      %mul3A_23 = arith.muli %scan3A_21, %mul3A_22 : i32
      %add3A_24 = arith.addi %mul3A_5, %mul3A_23 : i32
      "tpu.region"() ({
        %run_scoped3A = tpu.sem_alloc : memref<!tpu.dma_semaphore, #tpu.memory_space<semaphore_mem>>
        %dma_start3A = arith.constant 0 : i32
        %dma_start3A_25 = tpu.memref_slice %arg9[%add3A_24, %dma_start3A] : memref<10112x128xf32, #tpu.memory_space<vmem_shared>> -> memref<128x128xf32, #tpu.memory_space<vmem_shared>>
        %dma_start3A_26 = arith.constant 0 : i32
        %dma_start3A_27 = tpu.memref_slice %arg9[%add3A_24, %dma_start3A_26] : memref<10112x128xf32, #tpu.memory_space<vmem_shared>> -> memref<128x128xf32, #tpu.memory_space<vmem_shared>>
        tpu.enqueue_dma source(%arg8 : memref<128x128xf32, #tpu.memory_space<vmem>>) target(%dma_start3A_27 : memref<128x128xf32, #tpu.memory_space<vmem_shared>>) target_semaphore(%run_scoped3A : memref<!tpu.dma_semaphore, #tpu.memory_space<semaphore_mem>>)
        %dma_wait3A = arith.constant 0 : i32
        %dma_wait3A_28 = tpu.memref_slice %arg9[%add3A_24, %dma_wait3A] : memref<10112x128xf32, #tpu.memory_space<vmem_shared>> -> memref<128x128xf32, #tpu.memory_space<vmem_shared>>
        %dma_wait3A_29 = arith.constant 0 : i32
        %dma_wait3A_30 = tpu.memref_slice %arg9[%add3A_24, %dma_wait3A_29] : memref<10112x128xf32, #tpu.memory_space<vmem_shared>> -> memref<128x128xf32, #tpu.memory_space<vmem_shared>>
        tpu.wait_dma2 semaphore(%run_scoped3A : memref<!tpu.dma_semaphore, #tpu.memory_space<semaphore_mem>>) src(%arg8 : memref<128x128xf32, #tpu.memory_space<vmem>>) dst(%dma_wait3A_30 : memref<128x128xf32, #tpu.memory_space<vmem_shared>>)
        tpu.yield
      }) : () -> ()
    }
    %scan3A_11 = arith.constant 4 : i32
    %add3A = arith.constant 512 : i32
    %add3A_12 = arith.addi %mul3A_5, %add3A : i32
    "tpu.region"() ({
      %run_scoped3A = tpu.sem_alloc : memref<!tpu.dma_semaphore, #tpu.memory_space<semaphore_mem>>
      %dma_start3A = arith.constant 0 : i32
      %dma_start3A_21 = arith.constant 0 : i32
      %dma_start3A_22 = tpu.memref_slice %arg8[%dma_start3A, %dma_start3A_21] : memref<128x128xf32, #tpu.memory_space<vmem>> -> memref<120x128xf32, #tpu.memory_space<vmem>>
      %dma_start3A_23 = arith.constant 0 : i32
      %dma_start3A_24 = tpu.memref_slice %arg9[%add3A_12, %dma_start3A_23] : memref<10112x128xf32, #tpu.memory_space<vmem_shared>> -> memref<120x128xf32, #tpu.memory_space<vmem_shared>>
      %dma_start3A_25 = arith.constant 0 : i32
      %dma_start3A_26 = tpu.memref_slice %arg9[%add3A_12, %dma_start3A_25] : memref<10112x128xf32, #tpu.memory_space<vmem_shared>> -> memref<120x128xf32, #tpu.memory_space<vmem_shared>>
      %dma_start3A_27 = arith.constant 0 : i32
      %dma_start3A_28 = arith.constant 0 : i32
      %dma_start3A_29 = tpu.memref_slice %arg8[%dma_start3A_27, %dma_start3A_28] : memref<128x128xf32, #tpu.memory_space<vmem>> -> memref<120x128xf32, #tpu.memory_space<vmem>>
      tpu.enqueue_dma source(%dma_start3A_29 : memref<120x128xf32, #tpu.memory_space<vmem>>) target(%dma_start3A_26 : memref<120x128xf32, #tpu.memory_space<vmem_shared>>) target_semaphore(%run_scoped3A : memref<!tpu.dma_semaphore, #tpu.memory_space<semaphore_mem>>)
      %dma_wait3A = arith.constant 0 : i32
      %dma_wait3A_30 = arith.constant 0 : i32
      %dma_wait3A_31 = tpu.memref_slice %arg8[%dma_wait3A, %dma_wait3A_30] : memref<128x128xf32, #tpu.memory_space<vmem>> -> memref<120x128xf32, #tpu.memory_space<vmem>>
      %dma_wait3A_32 = arith.constant 0 : i32
      %dma_wait3A_33 = tpu.memref_slice %arg9[%add3A_12, %dma_wait3A_32] : memref<10112x128xf32, #tpu.memory_space<vmem_shared>> -> memref<120x128xf32, #tpu.memory_space<vmem_shared>>
      %dma_wait3A_34 = arith.constant 0 : i32
      %dma_wait3A_35 = tpu.memref_slice %arg9[%add3A_12, %dma_wait3A_34] : memref<10112x128xf32, #tpu.memory_space<vmem_shared>> -> memref<120x128xf32, #tpu.memory_space<vmem_shared>>
      %dma_wait3A_36 = arith.constant 0 : i32
      %dma_wait3A_37 = arith.constant 0 : i32
      %dma_wait3A_38 = tpu.memref_slice %arg8[%dma_wait3A_36, %dma_wait3A_37] : memref<128x128xf32, #tpu.memory_space<vmem>> -> memref<120x128xf32, #tpu.memory_space<vmem>>
      tpu.wait_dma2 semaphore(%run_scoped3A : memref<!tpu.dma_semaphore, #tpu.memory_space<semaphore_mem>>) src(%dma_wait3A_38 : memref<120x128xf32, #tpu.memory_space<vmem>>) dst(%dma_wait3A_35 : memref<120x128xf32, #tpu.memory_space<vmem_shared>>)
      tpu.yield
    }) : () -> ()
    %barrier3A = arith.constant 0 : index
    tpu.barrier barrier_id(%barrier3A)
    %eq3A = arith.constant 0 : i32
    %eq3A_13 = arith.cmpi eq, %arg0, %eq3A : i32
    %convert_element_type3A = arith.extui %eq3A_13 : i1 to i32
    %cond3A = arith.constant 0 : i32
    %cond3A_14 = arith.cmpi ne, %convert_element_type3A, %cond3A : i32
    scf.if %cond3A_14 {
      %mul3A_21 = arith.constant 97 : i32
      %mul3A_22 = arith.muli %arg1, %mul3A_21 : i32
      %mul3A_23 = arith.constant 128 : i32
      %mul3A_24 = arith.muli %mul3A_22, %mul3A_23 : i32
      %scan3A_25 = arith.constant 0 : i32
      %scan3A_26 = arith.constant 0 : i32
      %scan3A_27 = arith.constant 97 : i32
      %scan3A_28 = arith.addi %scan3A_26, %scan3A_27 : i32
      %scan3A_29 = arith.constant 1 : i32
      scf.for %scan3A_31 = %scan3A_26 to %scan3A_28 step %scan3A_29  : i32 {
        %mul3A_32 = arith.constant 128 : i32
        %mul3A_33 = arith.muli %scan3A_31, %mul3A_32 : i32
        %add3A_34 = arith.addi %mul3A_24, %mul3A_33 : i32
        "tpu.region"() ({
          %run_scoped3A = tpu.sem_alloc : memref<!tpu.dma_semaphore, #tpu.memory_space<semaphore_mem>>
          %dma_start3A_39 = tpu.memref_slice %arg2[%add3A_34] : memref<323584xi32, #tpu.memory_space<hbm>> -> memref<128xi32, #tpu.memory_space<hbm>>
          %dma_start3A_40 = tpu.memref_slice %arg2[%add3A_34] : memref<323584xi32, #tpu.memory_space<hbm>> -> memref<128xi32, #tpu.memory_space<hbm>>
          tpu.enqueue_dma source(%dma_start3A_40 : memref<128xi32, #tpu.memory_space<hbm>>) target(%arg6 : memref<128xi32, #tpu.memory_space<vmem>>) target_semaphore(%run_scoped3A : memref<!tpu.dma_semaphore, #tpu.memory_space<semaphore_mem>>)
          %dma_wait3A_41 = tpu.memref_slice %arg2[%add3A_34] : memref<323584xi32, #tpu.memory_space<hbm>> -> memref<128xi32, #tpu.memory_space<hbm>>
          %dma_wait3A_42 = tpu.memref_slice %arg2[%add3A_34] : memref<323584xi32, #tpu.memory_space<hbm>> -> memref<128xi32, #tpu.memory_space<hbm>>
          tpu.wait_dma2 semaphore(%run_scoped3A : memref<!tpu.dma_semaphore, #tpu.memory_space<semaphore_mem>>) src(%dma_wait3A_42 : memref<128xi32, #tpu.memory_space<hbm>>) dst(%arg6 : memref<128xi32, #tpu.memory_space<vmem>>)
          tpu.yield
        }) : () -> ()
        "tpu.region"() ({
          %run_scoped3A = tpu.sem_alloc : memref<!tpu.dma_semaphore, #tpu.memory_space<semaphore_mem>>
          %dma_start3A_39 = tpu.memref_slice %arg3[%add3A_34] : memref<323584xi32, #tpu.memory_space<hbm>> -> memref<128xi32, #tpu.memory_space<hbm>>
          %dma_start3A_40 = tpu.memref_slice %arg3[%add3A_34] : memref<323584xi32, #tpu.memory_space<hbm>> -> memref<128xi32, #tpu.memory_space<hbm>>
          tpu.enqueue_dma source(%dma_start3A_40 : memref<128xi32, #tpu.memory_space<hbm>>) target(%arg7 : memref<128xi32, #tpu.memory_space<vmem>>) target_semaphore(%run_scoped3A : memref<!tpu.dma_semaphore, #tpu.memory_space<semaphore_mem>>)
          %dma_wait3A_41 = tpu.memref_slice %arg3[%add3A_34] : memref<323584xi32, #tpu.memory_space<hbm>> -> memref<128xi32, #tpu.memory_space<hbm>>
          %dma_wait3A_42 = tpu.memref_slice %arg3[%add3A_34] : memref<323584xi32, #tpu.memory_space<hbm>> -> memref<128xi32, #tpu.memory_space<hbm>>
          tpu.wait_dma2 semaphore(%run_scoped3A : memref<!tpu.dma_semaphore, #tpu.memory_space<semaphore_mem>>) src(%dma_wait3A_42 : memref<128xi32, #tpu.memory_space<hbm>>) dst(%arg7 : memref<128xi32, #tpu.memory_space<vmem>>)
          tpu.yield
        }) : () -> ()
        %dma_start3A = arith.constant 0 : i32
        %dma_start3A_35 = arith.constant 0 : i32
        %dma_start3A_36 = tpu.memref_slice %arg4[%dma_start3A, %dma_start3A_35] : memref<40000x128xf32, #tpu.memory_space<hbm>> -> memref<40000x128xf32, #tpu.memory_space<hbm>>
        tpu.enqueue_indirect_dma source(%dma_start3A_36 : memref<40000x128xf32, #tpu.memory_space<hbm>>) target(%arg8 : memref<128x128xf32, #tpu.memory_space<vmem>>) offsets(%arg6 : memref<128xi32, #tpu.memory_space<vmem>>) semaphore(%arg10 : memref<!tpu.dma_semaphore, #tpu.memory_space<semaphore_mem>>)
        %dma_wait3A = arith.constant 0 : i32
        %dma_wait3A_37 = arith.constant 0 : i32
        %dma_wait3A_38 = tpu.memref_slice %arg4[%dma_wait3A, %dma_wait3A_37] : memref<40000x128xf32, #tpu.memory_space<hbm>> -> memref<40000x128xf32, #tpu.memory_space<hbm>>
        tpu.wait_indirect_dma semaphore(%arg10 : memref<!tpu.dma_semaphore, #tpu.memory_space<semaphore_mem>>) src(%dma_wait3A_38 : memref<40000x128xf32, #tpu.memory_space<hbm>>) dst(%arg8 : memref<128x128xf32, #tpu.memory_space<vmem>>)
        "tpu.region"() ({
          %run_scoped3A = tpu.sem_alloc : memref<!tpu.dma_semaphore, #tpu.memory_space<semaphore_mem>>
          %dma_start3A_39 = arith.constant 0 : i32
          %dma_start3A_40 = arith.constant 0 : i32
          %dma_start3A_41 = tpu.memref_slice %arg9[%dma_start3A_39, %dma_start3A_40] : memref<10112x128xf32, #tpu.memory_space<vmem_shared>> -> memref<10112x128xf32, #tpu.memory_space<vmem_shared>>
          tpu.enqueue_indirect_dma source(%arg8 : memref<128x128xf32, #tpu.memory_space<vmem>>) target(%dma_start3A_41 : memref<10112x128xf32, #tpu.memory_space<vmem_shared>>) offsets(%arg7 : memref<128xi32, #tpu.memory_space<vmem>>) semaphore(%run_scoped3A : memref<!tpu.dma_semaphore, #tpu.memory_space<semaphore_mem>>) {add = true}
          %dma_wait3A_42 = arith.constant 0 : i32
          %dma_wait3A_43 = arith.constant 0 : i32
          %dma_wait3A_44 = tpu.memref_slice %arg9[%dma_wait3A_42, %dma_wait3A_43] : memref<10112x128xf32, #tpu.memory_space<vmem_shared>> -> memref<10112x128xf32, #tpu.memory_space<vmem_shared>>
          tpu.wait_indirect_dma semaphore(%run_scoped3A : memref<!tpu.dma_semaphore, #tpu.memory_space<semaphore_mem>>) src(%arg8 : memref<128x128xf32, #tpu.memory_space<vmem>>) dst(%dma_wait3A_44 : memref<10112x128xf32, #tpu.memory_space<vmem_shared>>)
          tpu.yield
        }) : () -> ()
      }
      %scan3A_30 = arith.constant 97 : i32
    } else {
    }
    %eq3A_15 = arith.constant 1 : i32
    %eq3A_16 = arith.cmpi eq, %arg0, %eq3A_15 : i32
    %convert_element_type3A_17 = arith.extui %eq3A_16 : i1 to i32
    %cond3A_18 = arith.constant 0 : i32
    %cond3A_19 = arith.cmpi ne, %convert_element_type3A_17, %cond3A_18 : i32
    scf.if %cond3A_19 {
      %mul3A_21 = arith.constant 61 : i32
      %mul3A_22 = arith.muli %arg1, %mul3A_21 : i32
      %add3A_23 = arith.constant 1552 : i32
      %add3A_24 = arith.addi %add3A_23, %mul3A_22 : i32
      %mul3A_25 = arith.constant 128 : i32
      %mul3A_26 = arith.muli %add3A_24, %mul3A_25 : i32
      %scan3A_27 = arith.constant 0 : i32
      %scan3A_28 = arith.constant 0 : i32
      %scan3A_29 = arith.constant 61 : i32
      %scan3A_30 = arith.addi %scan3A_28, %scan3A_29 : i32
      %scan3A_31 = arith.constant 1 : i32
      scf.for %scan3A_33 = %scan3A_28 to %scan3A_30 step %scan3A_31  : i32 {
        %mul3A_34 = arith.constant 128 : i32
        %mul3A_35 = arith.muli %scan3A_33, %mul3A_34 : i32
        %add3A_36 = arith.addi %mul3A_26, %mul3A_35 : i32
        "tpu.region"() ({
          %run_scoped3A = tpu.sem_alloc : memref<!tpu.dma_semaphore, #tpu.memory_space<semaphore_mem>>
          %dma_start3A_41 = tpu.memref_slice %arg2[%add3A_36] : memref<323584xi32, #tpu.memory_space<hbm>> -> memref<128xi32, #tpu.memory_space<hbm>>
          %dma_start3A_42 = tpu.memref_slice %arg2[%add3A_36] : memref<323584xi32, #tpu.memory_space<hbm>> -> memref<128xi32, #tpu.memory_space<hbm>>
          tpu.enqueue_dma source(%dma_start3A_42 : memref<128xi32, #tpu.memory_space<hbm>>) target(%arg6 : memref<128xi32, #tpu.memory_space<vmem>>) target_semaphore(%run_scoped3A : memref<!tpu.dma_semaphore, #tpu.memory_space<semaphore_mem>>)
          %dma_wait3A_43 = tpu.memref_slice %arg2[%add3A_36] : memref<323584xi32, #tpu.memory_space<hbm>> -> memref<128xi32, #tpu.memory_space<hbm>>
          %dma_wait3A_44 = tpu.memref_slice %arg2[%add3A_36] : memref<323584xi32, #tpu.memory_space<hbm>> -> memref<128xi32, #tpu.memory_space<hbm>>
          tpu.wait_dma2 semaphore(%run_scoped3A : memref<!tpu.dma_semaphore, #tpu.memory_space<semaphore_mem>>) src(%dma_wait3A_44 : memref<128xi32, #tpu.memory_space<hbm>>) dst(%arg6 : memref<128xi32, #tpu.memory_space<vmem>>)
          tpu.yield
        }) : () -> ()
        "tpu.region"() ({
          %run_scoped3A = tpu.sem_alloc : memref<!tpu.dma_semaphore, #tpu.memory_space<semaphore_mem>>
          %dma_start3A_41 = tpu.memref_slice %arg3[%add3A_36] : memref<323584xi32, #tpu.memory_space<hbm>> -> memref<128xi32, #tpu.memory_space<hbm>>
          %dma_start3A_42 = tpu.memref_slice %arg3[%add3A_36] : memref<323584xi32, #tpu.memory_space<hbm>> -> memref<128xi32, #tpu.memory_space<hbm>>
          tpu.enqueue_dma source(%dma_start3A_42 : memref<128xi32, #tpu.memory_space<hbm>>) target(%arg7 : memref<128xi32, #tpu.memory_space<vmem>>) target_semaphore(%run_scoped3A : memref<!tpu.dma_semaphore, #tpu.memory_space<semaphore_mem>>)
          %dma_wait3A_43 = tpu.memref_slice %arg3[%add3A_36] : memref<323584xi32, #tpu.memory_space<hbm>> -> memref<128xi32, #tpu.memory_space<hbm>>
          %dma_wait3A_44 = tpu.memref_slice %arg3[%add3A_36] : memref<323584xi32, #tpu.memory_space<hbm>> -> memref<128xi32, #tpu.memory_space<hbm>>
          tpu.wait_dma2 semaphore(%run_scoped3A : memref<!tpu.dma_semaphore, #tpu.memory_space<semaphore_mem>>) src(%dma_wait3A_44 : memref<128xi32, #tpu.memory_space<hbm>>) dst(%arg7 : memref<128xi32, #tpu.memory_space<vmem>>)
          tpu.yield
        }) : () -> ()
        %dma_start3A = arith.constant 0 : i32
        %dma_start3A_37 = arith.constant 0 : i32
        %dma_start3A_38 = tpu.memref_slice %arg4[%dma_start3A, %dma_start3A_37] : memref<40000x128xf32, #tpu.memory_space<hbm>> -> memref<40000x128xf32, #tpu.memory_space<hbm>>
        tpu.enqueue_indirect_dma source(%dma_start3A_38 : memref<40000x128xf32, #tpu.memory_space<hbm>>) target(%arg8 : memref<128x128xf32, #tpu.memory_space<vmem>>) offsets(%arg6 : memref<128xi32, #tpu.memory_space<vmem>>) semaphore(%arg10 : memref<!tpu.dma_semaphore, #tpu.memory_space<semaphore_mem>>)
        %dma_wait3A = arith.constant 0 : i32
        %dma_wait3A_39 = arith.constant 0 : i32
        %dma_wait3A_40 = tpu.memref_slice %arg4[%dma_wait3A, %dma_wait3A_39] : memref<40000x128xf32, #tpu.memory_space<hbm>> -> memref<40000x128xf32, #tpu.memory_space<hbm>>
        tpu.wait_indirect_dma semaphore(%arg10 : memref<!tpu.dma_semaphore, #tpu.memory_space<semaphore_mem>>) src(%dma_wait3A_40 : memref<40000x128xf32, #tpu.memory_space<hbm>>) dst(%arg8 : memref<128x128xf32, #tpu.memory_space<vmem>>)
        "tpu.region"() ({
          %run_scoped3A = tpu.sem_alloc : memref<!tpu.dma_semaphore, #tpu.memory_space<semaphore_mem>>
          %dma_start3A_41 = arith.constant 0 : i32
          %dma_start3A_42 = arith.constant 0 : i32
          %dma_start3A_43 = tpu.memref_slice %arg9[%dma_start3A_41, %dma_start3A_42] : memref<10112x128xf32, #tpu.memory_space<vmem_shared>> -> memref<10112x128xf32, #tpu.memory_space<vmem_shared>>
          tpu.enqueue_indirect_dma source(%arg8 : memref<128x128xf32, #tpu.memory_space<vmem>>) target(%dma_start3A_43 : memref<10112x128xf32, #tpu.memory_space<vmem_shared>>) offsets(%arg7 : memref<128xi32, #tpu.memory_space<vmem>>) semaphore(%run_scoped3A : memref<!tpu.dma_semaphore, #tpu.memory_space<semaphore_mem>>) {add = true}
          %dma_wait3A_44 = arith.constant 0 : i32
          %dma_wait3A_45 = arith.constant 0 : i32
          %dma_wait3A_46 = tpu.memref_slice %arg9[%dma_wait3A_44, %dma_wait3A_45] : memref<10112x128xf32, #tpu.memory_space<vmem_shared>> -> memref<10112x128xf32, #tpu.memory_space<vmem_shared>>
          tpu.wait_indirect_dma semaphore(%run_scoped3A : memref<!tpu.dma_semaphore, #tpu.memory_space<semaphore_mem>>) src(%arg8 : memref<128x128xf32, #tpu.memory_space<vmem>>) dst(%dma_wait3A_46 : memref<10112x128xf32, #tpu.memory_space<vmem_shared>>)
          tpu.yield
        }) : () -> ()
      }
      %scan3A_32 = arith.constant 61 : i32
    } else {
    }
    %barrier3A_20 = arith.constant 0 : index
    tpu.barrier barrier_id(%barrier3A_20)
    "tpu.region"() ({
      %run_scoped3A = tpu.sem_alloc : memref<!tpu.dma_semaphore, #tpu.memory_space<semaphore_mem>>
      %dma_start3A = arith.constant 0 : i32
      %dma_start3A_21 = tpu.memref_slice %arg5[%arg0, %mul3A_5, %dma_start3A] : memref<2x10112x128xf32, #tpu.memory_space<hbm>> -> memref<1x632x128xf32, #tpu.memory_space<hbm>>
      %dma_start3A_22 = tpu.memref_squeeze %dma_start3A_21 : memref<1x632x128xf32, #tpu.memory_space<hbm>> -> memref<632x128xf32, #tpu.memory_space<hbm>>
      %dma_start3A_23 = arith.constant 0 : i32
      %dma_start3A_24 = tpu.memref_slice %arg9[%mul3A_5, %dma_start3A_23] : memref<10112x128xf32, #tpu.memory_space<vmem_shared>> -> memref<632x128xf32, #tpu.memory_space<vmem_shared>>
      tpu.enqueue_dma source(%dma_start3A_24 : memref<632x128xf32, #tpu.memory_space<vmem_shared>>) target(%dma_start3A_22 : memref<632x128xf32, #tpu.memory_space<hbm>>) target_semaphore(%run_scoped3A : memref<!tpu.dma_semaphore, #tpu.memory_space<semaphore_mem>>)
      %dma_wait3A = arith.constant 0 : i32
      %dma_wait3A_25 = tpu.memref_slice %arg5[%arg0, %mul3A_5, %dma_wait3A] : memref<2x10112x128xf32, #tpu.memory_space<hbm>> -> memref<1x632x128xf32, #tpu.memory_space<hbm>>
      %dma_wait3A_26 = tpu.memref_squeeze %dma_wait3A_25 : memref<1x632x128xf32, #tpu.memory_space<hbm>> -> memref<632x128xf32, #tpu.memory_space<hbm>>
      %dma_wait3A_27 = arith.constant 0 : i32
      %dma_wait3A_28 = tpu.memref_slice %arg9[%mul3A_5, %dma_wait3A_27] : memref<10112x128xf32, #tpu.memory_space<vmem_shared>> -> memref<632x128xf32, #tpu.memory_space<vmem_shared>>
      tpu.wait_dma2 semaphore(%run_scoped3A : memref<!tpu.dma_semaphore, #tpu.memory_space<semaphore_mem>>) src(%dma_wait3A_28 : memref<632x128xf32, #tpu.memory_space<vmem_shared>>) dst(%dma_wait3A_26 : memref<632x128xf32, #tpu.memory_space<hbm>>)
      tpu.yield
    }) : () -> ()
    return
  }
}

#map = affine_map<(d0, d1) -> (0)>
#map1 = affine_map<(d0, d1) -> (0, 0)>
#map2 = affine_map<(d0, d1) -> (0, 0, 0)>
module attributes {stable_mosaic.version = 14 : i64} {
  func.func @sc_msg(%arg0: i32, %arg1: i32, %arg2: memref<323584xi32, #tpu.memory_space<hbm>>, %arg3: memref<323584xi32, #tpu.memory_space<hbm>>, %arg4: memref<40000x128xf32, #tpu.memory_space<hbm>>, %arg5: memref<2x10112x128xf32, #tpu.memory_space<hbm>>, %arg6: memref<128xi32, #tpu.memory_space<vmem>>, %arg7: memref<128xi32, #tpu.memory_space<vmem>>, %arg8: memref<128x128xf32, #tpu.memory_space<vmem>>, %arg9: memref<10112x128xf32, #tpu.memory_space<vmem_shared>>, %arg10: memref<!tpu.dma_semaphore, #tpu.memory_space<semaphore_mem>>) attributes {dimension_semantics = [#tpu.dimension_semantics<core_parallel>, #tpu.dimension_semantics<subcore_parallel>], iteration_bounds = array<i64: 2, 16>, scalar_prefetch = 0 : i64, scratch_operands = 5 : i64, tpu.core_type = #tpu.core_type<sc_vector_subcore>, window_params = [{transform_indices = #map}, {transform_indices = #map}, {transform_indices = #map1}, {transform_indices = #map2}]} {
    %scan3A = arith.constant 0 : i32
    %scan3A_0 = arith.constant 0 : i32
    %scan3A_1 = arith.constant 1024 : i32
    %scan3A_2 = arith.addi %scan3A_0, %scan3A_1 : i32
    %scan3A_3 = arith.constant 1 : i32
    scf.for %scan3A_21 = %scan3A_0 to %scan3A_2 step %scan3A_3  : i32 {
      %jit3A = arith.constant 8 : i32
      %div3A = arith.divsi %scan3A_21, %jit3A : i32
      %sign3A = arith.constant 0 : i32
      %sign3A_22 = arith.cmpi sgt, %scan3A_21, %sign3A : i32
      %sign3A_23 = arith.extui %sign3A_22 : i1 to i32
      %sign3A_24 = arith.constant 0 : i32
      %sign3A_25 = arith.cmpi slt, %scan3A_21, %sign3A_24 : i32
      %sign3A_26 = arith.extui %sign3A_25 : i1 to i32
      %sign3A_27 = arith.subi %sign3A_23, %sign3A_26 : i32
      %sign3A_28 = arith.constant 0 : i32
      %sign3A_29 = arith.cmpi sgt, %jit3A, %sign3A_28 : i32
      %sign3A_30 = arith.extui %sign3A_29 : i1 to i32
      %sign3A_31 = arith.constant 0 : i32
      %sign3A_32 = arith.cmpi slt, %jit3A, %sign3A_31 : i32
      %sign3A_33 = arith.extui %sign3A_32 : i1 to i32
      %sign3A_34 = arith.subi %sign3A_30, %sign3A_33 : i32
      %ne3A = arith.cmpi ne, %sign3A_27, %sign3A_34 : i32
      %rem3A = arith.remsi %scan3A_21, %jit3A : i32
      %ne3A_35 = arith.constant 0 : i32
      %ne3A_36 = arith.cmpi ne, %rem3A, %ne3A_35 : i32
      %and3A = arith.andi %ne3A, %ne3A_36 : i1
      %sub3A = arith.constant 1 : i32
      %sub3A_37 = arith.subi %div3A, %sub3A : i32
      %select_n3A = arith.select %and3A, %sub3A_37, %div3A : i32
      %jit3A_38 = arith.constant 8 : i32
      %eq3A_39 = arith.constant 0 : i32
      %eq3A_40 = arith.cmpi eq, %jit3A_38, %eq3A_39 : i32
      %jit3A_41 = arith.constant 1 : i32
      %select_n3A_42 = arith.select %eq3A_40, %jit3A_41, %jit3A_38 : i32
      %rem3A_43 = arith.remsi %scan3A_21, %select_n3A_42 : i32
      %ne3A_44 = arith.constant 0 : i32
      %ne3A_45 = arith.cmpi ne, %rem3A_43, %ne3A_44 : i32
      %lt3A = arith.constant 0 : i32
      %lt3A_46 = arith.cmpi slt, %rem3A_43, %lt3A : i32
      %lt3A_47 = arith.constant 0 : i32
      %lt3A_48 = arith.cmpi slt, %select_n3A_42, %lt3A_47 : i32
      %ne3A_49 = arith.xori %lt3A_46, %lt3A_48 : i1
      %and3A_50 = arith.andi %ne3A_49, %ne3A_45 : i1
      %add3A_51 = arith.addi %rem3A_43, %select_n3A_42 : i32
      %select_n3A_52 = arith.select %and3A_50, %add3A_51, %rem3A_43 : i32
      %broadcast_in_dim3A = arith.constant 0.000000e+00 : f32
      %broadcast_in_dim3A_53 = vector.broadcast %broadcast_in_dim3A : f32 to vector<16xf32>
      %mul3A_54 = arith.constant 16 : i32
      %mul3A_55 = arith.muli %select_n3A_52, %mul3A_54 : i32
      %swap3A = arith.index_cast %select_n3A : i32 to index
      %swap3A_56 = arith.index_cast %mul3A_55 : i32 to index
      %swap3A_57 = tpu.vector_load %arg8[%swap3A, %swap3A_56] {strides = array<i32>} : memref<128x128xf32, #tpu.memory_space<vmem>>, vector<1x16xf32>,
      %swap3A_58 = vector.shape_cast %swap3A_57 : vector<1x16xf32> to vector<16xf32>
      %swap3A_59 = vector.shape_cast %broadcast_in_dim3A_53 : vector<16xf32> to vector<1x16xf32>
      tpu.vector_store %arg8[%swap3A, %swap3A_56], %swap3A_59 {strides = array<i32>} : memref<128x128xf32, #tpu.memory_space<vmem>>, vector<1x16xf32>,
    }
    %scan3A_4 = arith.constant 1024 : i32
    %mul3A = arith.constant 632 : i32
    %mul3A_5 = arith.muli %arg1, %mul3A : i32
    %scan3A_6 = arith.constant 0 : i32
    %scan3A_7 = arith.constant 0 : i32
    %scan3A_8 = arith.constant 4 : i32
    %scan3A_9 = arith.addi %scan3A_7, %scan3A_8 : i32
    %scan3A_10 = arith.constant 1 : i32
    scf.for %scan3A_21 = %scan3A_7 to %scan3A_9 step %scan3A_10  : i32 {
      %mul3A_22 = arith.constant 128 : i32
      %mul3A_23 = arith.muli %scan3A_21, %mul3A_22 : i32
      %add3A_24 = arith.addi %mul3A_5, %mul3A_23 : i32
      "tpu.region"() ({
        %run_scoped3A = tpu.sem_alloc : memref<!tpu.dma_semaphore, #tpu.memory_space<semaphore_mem>>
        %dma_start3A = arith.constant 0 : i32
        %dma_start3A_25 = tpu.memref_slice %arg9[%add3A_24, %dma_start3A] : memref<10112x128xf32, #tpu.memory_space<vmem_shared>> -> memref<128x128xf32, #tpu.memory_space<vmem_shared>>
        %dma_start3A_26 = arith.constant 0 : i32
        %dma_start3A_27 = tpu.memref_slice %arg9[%add3A_24, %dma_start3A_26] : memref<10112x128xf32, #tpu.memory_space<vmem_shared>> -> memref<128x128xf32, #tpu.memory_space<vmem_shared>>
        tpu.enqueue_dma source(%arg8 : memref<128x128xf32, #tpu.memory_space<vmem>>) target(%dma_start3A_27 : memref<128x128xf32, #tpu.memory_space<vmem_shared>>) target_semaphore(%run_scoped3A : memref<!tpu.dma_semaphore, #tpu.memory_space<semaphore_mem>>)
        %dma_wait3A = arith.constant 0 : i32
        %dma_wait3A_28 = tpu.memref_slice %arg9[%add3A_24, %dma_wait3A] : memref<10112x128xf32, #tpu.memory_space<vmem_shared>> -> memref<128x128xf32, #tpu.memory_space<vmem_shared>>
        %dma_wait3A_29 = arith.constant 0 : i32
        %dma_wait3A_30 = tpu.memref_slice %arg9[%add3A_24, %dma_wait3A_29] : memref<10112x128xf32, #tpu.memory_space<vmem_shared>> -> memref<128x128xf32, #tpu.memory_space<vmem_shared>>
        tpu.wait_dma2 semaphore(%run_scoped3A : memref<!tpu.dma_semaphore, #tpu.memory_space<semaphore_mem>>) src(%arg8 : memref<128x128xf32, #tpu.memory_space<vmem>>) dst(%dma_wait3A_30 : memref<128x128xf32, #tpu.memory_space<vmem_shared>>)
        tpu.yield
      }) : () -> ()
    }
    %scan3A_11 = arith.constant 4 : i32
    %add3A = arith.constant 512 : i32
    %add3A_12 = arith.addi %mul3A_5, %add3A : i32
    "tpu.region"() ({
      %run_scoped3A = tpu.sem_alloc : memref<!tpu.dma_semaphore, #tpu.memory_space<semaphore_mem>>
      %dma_start3A = arith.constant 0 : i32
      %dma_start3A_21 = arith.constant 0 : i32
      %dma_start3A_22 = tpu.memref_slice %arg8[%dma_start3A, %dma_start3A_21] : memref<128x128xf32, #tpu.memory_space<vmem>> -> memref<120x128xf32, #tpu.memory_space<vmem>>
      %dma_start3A_23 = arith.constant 0 : i32
      %dma_start3A_24 = tpu.memref_slice %arg9[%add3A_12, %dma_start3A_23] : memref<10112x128xf32, #tpu.memory_space<vmem_shared>> -> memref<120x128xf32, #tpu.memory_space<vmem_shared>>
      %dma_start3A_25 = arith.constant 0 : i32
      %dma_start3A_26 = tpu.memref_slice %arg9[%add3A_12, %dma_start3A_25] : memref<10112x128xf32, #tpu.memory_space<vmem_shared>> -> memref<120x128xf32, #tpu.memory_space<vmem_shared>>
      %dma_start3A_27 = arith.constant 0 : i32
      %dma_start3A_28 = arith.constant 0 : i32
      %dma_start3A_29 = tpu.memref_slice %arg8[%dma_start3A_27, %dma_start3A_28] : memref<128x128xf32, #tpu.memory_space<vmem>> -> memref<120x128xf32, #tpu.memory_space<vmem>>
      tpu.enqueue_dma source(%dma_start3A_29 : memref<120x128xf32, #tpu.memory_space<vmem>>) target(%dma_start3A_26 : memref<120x128xf32, #tpu.memory_space<vmem_shared>>) target_semaphore(%run_scoped3A : memref<!tpu.dma_semaphore, #tpu.memory_space<semaphore_mem>>)
      %dma_wait3A = arith.constant 0 : i32
      %dma_wait3A_30 = arith.constant 0 : i32
      %dma_wait3A_31 = tpu.memref_slice %arg8[%dma_wait3A, %dma_wait3A_30] : memref<128x128xf32, #tpu.memory_space<vmem>> -> memref<120x128xf32, #tpu.memory_space<vmem>>
      %dma_wait3A_32 = arith.constant 0 : i32
      %dma_wait3A_33 = tpu.memref_slice %arg9[%add3A_12, %dma_wait3A_32] : memref<10112x128xf32, #tpu.memory_space<vmem_shared>> -> memref<120x128xf32, #tpu.memory_space<vmem_shared>>
      %dma_wait3A_34 = arith.constant 0 : i32
      %dma_wait3A_35 = tpu.memref_slice %arg9[%add3A_12, %dma_wait3A_34] : memref<10112x128xf32, #tpu.memory_space<vmem_shared>> -> memref<120x128xf32, #tpu.memory_space<vmem_shared>>
      %dma_wait3A_36 = arith.constant 0 : i32
      %dma_wait3A_37 = arith.constant 0 : i32
      %dma_wait3A_38 = tpu.memref_slice %arg8[%dma_wait3A_36, %dma_wait3A_37] : memref<128x128xf32, #tpu.memory_space<vmem>> -> memref<120x128xf32, #tpu.memory_space<vmem>>
      tpu.wait_dma2 semaphore(%run_scoped3A : memref<!tpu.dma_semaphore, #tpu.memory_space<semaphore_mem>>) src(%dma_wait3A_38 : memref<120x128xf32, #tpu.memory_space<vmem>>) dst(%dma_wait3A_35 : memref<120x128xf32, #tpu.memory_space<vmem_shared>>)
      tpu.yield
    }) : () -> ()
    %barrier3A = arith.constant 0 : index
    tpu.barrier barrier_id(%barrier3A)
    %eq3A = arith.constant 0 : i32
    %eq3A_13 = arith.cmpi eq, %arg0, %eq3A : i32
    %convert_element_type3A = arith.extui %eq3A_13 : i1 to i32
    %cond3A = arith.constant 0 : i32
    %cond3A_14 = arith.cmpi ne, %convert_element_type3A, %cond3A : i32
    scf.if %cond3A_14 {
      %mul3A_21 = arith.constant 97 : i32
      %mul3A_22 = arith.muli %arg1, %mul3A_21 : i32
      %mul3A_23 = arith.constant 128 : i32
      %mul3A_24 = arith.muli %mul3A_22, %mul3A_23 : i32
      %scan3A_25 = arith.constant 0 : i32
      %scan3A_26 = arith.constant 0 : i32
      %scan3A_27 = arith.constant 97 : i32
      %scan3A_28 = arith.addi %scan3A_26, %scan3A_27 : i32
      %scan3A_29 = arith.constant 1 : i32
      scf.for %scan3A_31 = %scan3A_26 to %scan3A_28 step %scan3A_29  : i32 {
        %mul3A_32 = arith.constant 128 : i32
        %mul3A_33 = arith.muli %scan3A_31, %mul3A_32 : i32
        %add3A_34 = arith.addi %mul3A_24, %mul3A_33 : i32
        "tpu.region"() ({
          %run_scoped3A = tpu.sem_alloc : memref<!tpu.dma_semaphore, #tpu.memory_space<semaphore_mem>>
          %dma_start3A_39 = tpu.memref_slice %arg2[%add3A_34] : memref<323584xi32, #tpu.memory_space<hbm>> -> memref<128xi32, #tpu.memory_space<hbm>>
          %dma_start3A_40 = tpu.memref_slice %arg2[%add3A_34] : memref<323584xi32, #tpu.memory_space<hbm>> -> memref<128xi32, #tpu.memory_space<hbm>>
          tpu.enqueue_dma source(%dma_start3A_40 : memref<128xi32, #tpu.memory_space<hbm>>) target(%arg6 : memref<128xi32, #tpu.memory_space<vmem>>) target_semaphore(%run_scoped3A : memref<!tpu.dma_semaphore, #tpu.memory_space<semaphore_mem>>)
          %dma_wait3A_41 = tpu.memref_slice %arg2[%add3A_34] : memref<323584xi32, #tpu.memory_space<hbm>> -> memref<128xi32, #tpu.memory_space<hbm>>
          %dma_wait3A_42 = tpu.memref_slice %arg2[%add3A_34] : memref<323584xi32, #tpu.memory_space<hbm>> -> memref<128xi32, #tpu.memory_space<hbm>>
          tpu.wait_dma2 semaphore(%run_scoped3A : memref<!tpu.dma_semaphore, #tpu.memory_space<semaphore_mem>>) src(%dma_wait3A_42 : memref<128xi32, #tpu.memory_space<hbm>>) dst(%arg6 : memref<128xi32, #tpu.memory_space<vmem>>)
          tpu.yield
        }) : () -> ()
        "tpu.region"() ({
          %run_scoped3A = tpu.sem_alloc : memref<!tpu.dma_semaphore, #tpu.memory_space<semaphore_mem>>
          %dma_start3A_39 = tpu.memref_slice %arg3[%add3A_34] : memref<323584xi32, #tpu.memory_space<hbm>> -> memref<128xi32, #tpu.memory_space<hbm>>
          %dma_start3A_40 = tpu.memref_slice %arg3[%add3A_34] : memref<323584xi32, #tpu.memory_space<hbm>> -> memref<128xi32, #tpu.memory_space<hbm>>
          tpu.enqueue_dma source(%dma_start3A_40 : memref<128xi32, #tpu.memory_space<hbm>>) target(%arg7 : memref<128xi32, #tpu.memory_space<vmem>>) target_semaphore(%run_scoped3A : memref<!tpu.dma_semaphore, #tpu.memory_space<semaphore_mem>>)
          %dma_wait3A_41 = tpu.memref_slice %arg3[%add3A_34] : memref<323584xi32, #tpu.memory_space<hbm>> -> memref<128xi32, #tpu.memory_space<hbm>>
          %dma_wait3A_42 = tpu.memref_slice %arg3[%add3A_34] : memref<323584xi32, #tpu.memory_space<hbm>> -> memref<128xi32, #tpu.memory_space<hbm>>
          tpu.wait_dma2 semaphore(%run_scoped3A : memref<!tpu.dma_semaphore, #tpu.memory_space<semaphore_mem>>) src(%dma_wait3A_42 : memref<128xi32, #tpu.memory_space<hbm>>) dst(%arg7 : memref<128xi32, #tpu.memory_space<vmem>>)
          tpu.yield
        }) : () -> ()
        %dma_start3A = arith.constant 0 : i32
        %dma_start3A_35 = arith.constant 0 : i32
        %dma_start3A_36 = tpu.memref_slice %arg4[%dma_start3A, %dma_start3A_35] : memref<40000x128xf32, #tpu.memory_space<hbm>> -> memref<40000x128xf32, #tpu.memory_space<hbm>>
        tpu.enqueue_indirect_dma source(%dma_start3A_36 : memref<40000x128xf32, #tpu.memory_space<hbm>>) target(%arg8 : memref<128x128xf32, #tpu.memory_space<vmem>>) offsets(%arg6 : memref<128xi32, #tpu.memory_space<vmem>>) semaphore(%arg10 : memref<!tpu.dma_semaphore, #tpu.memory_space<semaphore_mem>>)
        %dma_wait3A = arith.constant 0 : i32
        %dma_wait3A_37 = arith.constant 0 : i32
        %dma_wait3A_38 = tpu.memref_slice %arg4[%dma_wait3A, %dma_wait3A_37] : memref<40000x128xf32, #tpu.memory_space<hbm>> -> memref<40000x128xf32, #tpu.memory_space<hbm>>
        tpu.wait_indirect_dma semaphore(%arg10 : memref<!tpu.dma_semaphore, #tpu.memory_space<semaphore_mem>>) src(%dma_wait3A_38 : memref<40000x128xf32, #tpu.memory_space<hbm>>) dst(%arg8 : memref<128x128xf32, #tpu.memory_space<vmem>>)
        "tpu.region"() ({
          %run_scoped3A = tpu.sem_alloc : memref<!tpu.dma_semaphore, #tpu.memory_space<semaphore_mem>>
          %dma_start3A_39 = arith.constant 0 : i32
          %dma_start3A_40 = arith.constant 0 : i32
          %dma_start3A_41 = tpu.memref_slice %arg9[%dma_start3A_39, %dma_start3A_40] : memref<10112x128xf32, #tpu.memory_space<vmem_shared>> -> memref<10112x128xf32, #tpu.memory_space<vmem_shared>>
          tpu.enqueue_indirect_dma source(%arg8 : memref<128x128xf32, #tpu.memory_space<vmem>>) target(%dma_start3A_41 : memref<10112x128xf32, #tpu.memory_space<vmem_shared>>) offsets(%arg7 : memref<128xi32, #tpu.memory_space<vmem>>) semaphore(%run_scoped3A : memref<!tpu.dma_semaphore, #tpu.memory_space<semaphore_mem>>) {add = true}
          %dma_wait3A_42 = arith.constant 0 : i32
          %dma_wait3A_43 = arith.constant 0 : i32
          %dma_wait3A_44 = tpu.memref_slice %arg9[%dma_wait3A_42, %dma_wait3A_43] : memref<10112x128xf32, #tpu.memory_space<vmem_shared>> -> memref<10112x128xf32, #tpu.memory_space<vmem_shared>>
          tpu.wait_indirect_dma semaphore(%run_scoped3A : memref<!tpu.dma_semaphore, #tpu.memory_space<semaphore_mem>>) src(%arg8 : memref<128x128xf32, #tpu.memory_space<vmem>>) dst(%dma_wait3A_44 : memref<10112x128xf32, #tpu.memory_space<vmem_shared>>)
          tpu.yield
        }) : () -> ()
      }
      %scan3A_30 = arith.constant 97 : i32
    } else {
    }
    %eq3A_15 = arith.constant 1 : i32
    %eq3A_16 = arith.cmpi eq, %arg0, %eq3A_15 : i32
    %convert_element_type3A_17 = arith.extui %eq3A_16 : i1 to i32
    %cond3A_18 = arith.constant 0 : i32
    %cond3A_19 = arith.cmpi ne, %convert_element_type3A_17, %cond3A_18 : i32
    scf.if %cond3A_19 {
      %mul3A_21 = arith.constant 61 : i32
      %mul3A_22 = arith.muli %arg1, %mul3A_21 : i32
      %add3A_23 = arith.constant 1552 : i32
      %add3A_24 = arith.addi %add3A_23, %mul3A_22 : i32
      %mul3A_25 = arith.constant 128 : i32
      %mul3A_26 = arith.muli %add3A_24, %mul3A_25 : i32
      %scan3A_27 = arith.constant 0 : i32
      %scan3A_28 = arith.constant 0 : i32
      %scan3A_29 = arith.constant 61 : i32
      %scan3A_30 = arith.addi %scan3A_28, %scan3A_29 : i32
      %scan3A_31 = arith.constant 1 : i32
      scf.for %scan3A_33 = %scan3A_28 to %scan3A_30 step %scan3A_31  : i32 {
        %mul3A_34 = arith.constant 128 : i32
        %mul3A_35 = arith.muli %scan3A_33, %mul3A_34 : i32
        %add3A_36 = arith.addi %mul3A_26, %mul3A_35 : i32
        "tpu.region"() ({
          %run_scoped3A = tpu.sem_alloc : memref<!tpu.dma_semaphore, #tpu.memory_space<semaphore_mem>>
          %dma_start3A_41 = tpu.memref_slice %arg2[%add3A_36] : memref<323584xi32, #tpu.memory_space<hbm>> -> memref<128xi32, #tpu.memory_space<hbm>>
          %dma_start3A_42 = tpu.memref_slice %arg2[%add3A_36] : memref<323584xi32, #tpu.memory_space<hbm>> -> memref<128xi32, #tpu.memory_space<hbm>>
          tpu.enqueue_dma source(%dma_start3A_42 : memref<128xi32, #tpu.memory_space<hbm>>) target(%arg6 : memref<128xi32, #tpu.memory_space<vmem>>) target_semaphore(%run_scoped3A : memref<!tpu.dma_semaphore, #tpu.memory_space<semaphore_mem>>)
          %dma_wait3A_43 = tpu.memref_slice %arg2[%add3A_36] : memref<323584xi32, #tpu.memory_space<hbm>> -> memref<128xi32, #tpu.memory_space<hbm>>
          %dma_wait3A_44 = tpu.memref_slice %arg2[%add3A_36] : memref<323584xi32, #tpu.memory_space<hbm>> -> memref<128xi32, #tpu.memory_space<hbm>>
          tpu.wait_dma2 semaphore(%run_scoped3A : memref<!tpu.dma_semaphore, #tpu.memory_space<semaphore_mem>>) src(%dma_wait3A_44 : memref<128xi32, #tpu.memory_space<hbm>>) dst(%arg6 : memref<128xi32, #tpu.memory_space<vmem>>)
          tpu.yield
        }) : () -> ()
        "tpu.region"() ({
          %run_scoped3A = tpu.sem_alloc : memref<!tpu.dma_semaphore, #tpu.memory_space<semaphore_mem>>
          %dma_start3A_41 = tpu.memref_slice %arg3[%add3A_36] : memref<323584xi32, #tpu.memory_space<hbm>> -> memref<128xi32, #tpu.memory_space<hbm>>
          %dma_start3A_42 = tpu.memref_slice %arg3[%add3A_36] : memref<323584xi32, #tpu.memory_space<hbm>> -> memref<128xi32, #tpu.memory_space<hbm>>
          tpu.enqueue_dma source(%dma_start3A_42 : memref<128xi32, #tpu.memory_space<hbm>>) target(%arg7 : memref<128xi32, #tpu.memory_space<vmem>>) target_semaphore(%run_scoped3A : memref<!tpu.dma_semaphore, #tpu.memory_space<semaphore_mem>>)
          %dma_wait3A_43 = tpu.memref_slice %arg3[%add3A_36] : memref<323584xi32, #tpu.memory_space<hbm>> -> memref<128xi32, #tpu.memory_space<hbm>>
          %dma_wait3A_44 = tpu.memref_slice %arg3[%add3A_36] : memref<323584xi32, #tpu.memory_space<hbm>> -> memref<128xi32, #tpu.memory_space<hbm>>
          tpu.wait_dma2 semaphore(%run_scoped3A : memref<!tpu.dma_semaphore, #tpu.memory_space<semaphore_mem>>) src(%dma_wait3A_44 : memref<128xi32, #tpu.memory_space<hbm>>) dst(%arg7 : memref<128xi32, #tpu.memory_space<vmem>>)
          tpu.yield
        }) : () -> ()
        %dma_start3A = arith.constant 0 : i32
        %dma_start3A_37 = arith.constant 0 : i32
        %dma_start3A_38 = tpu.memref_slice %arg4[%dma_start3A, %dma_start3A_37] : memref<40000x128xf32, #tpu.memory_space<hbm>> -> memref<40000x128xf32, #tpu.memory_space<hbm>>
        tpu.enqueue_indirect_dma source(%dma_start3A_38 : memref<40000x128xf32, #tpu.memory_space<hbm>>) target(%arg8 : memref<128x128xf32, #tpu.memory_space<vmem>>) offsets(%arg6 : memref<128xi32, #tpu.memory_space<vmem>>) semaphore(%arg10 : memref<!tpu.dma_semaphore, #tpu.memory_space<semaphore_mem>>)
        %dma_wait3A = arith.constant 0 : i32
        %dma_wait3A_39 = arith.constant 0 : i32
        %dma_wait3A_40 = tpu.memref_slice %arg4[%dma_wait3A, %dma_wait3A_39] : memref<40000x128xf32, #tpu.memory_space<hbm>> -> memref<40000x128xf32, #tpu.memory_space<hbm>>
        tpu.wait_indirect_dma semaphore(%arg10 : memref<!tpu.dma_semaphore, #tpu.memory_space<semaphore_mem>>) src(%dma_wait3A_40 : memref<40000x128xf32, #tpu.memory_space<hbm>>) dst(%arg8 : memref<128x128xf32, #tpu.memory_space<vmem>>)
        "tpu.region"() ({
          %run_scoped3A = tpu.sem_alloc : memref<!tpu.dma_semaphore, #tpu.memory_space<semaphore_mem>>
          %dma_start3A_41 = arith.constant 0 : i32
          %dma_start3A_42 = arith.constant 0 : i32
          %dma_start3A_43 = tpu.memref_slice %arg9[%dma_start3A_41, %dma_start3A_42] : memref<10112x128xf32, #tpu.memory_space<vmem_shared>> -> memref<10112x128xf32, #tpu.memory_space<vmem_shared>>
          tpu.enqueue_indirect_dma source(%arg8 : memref<128x128xf32, #tpu.memory_space<vmem>>) target(%dma_start3A_43 : memref<10112x128xf32, #tpu.memory_space<vmem_shared>>) offsets(%arg7 : memref<128xi32, #tpu.memory_space<vmem>>) semaphore(%run_scoped3A : memref<!tpu.dma_semaphore, #tpu.memory_space<semaphore_mem>>) {add = true}
          %dma_wait3A_44 = arith.constant 0 : i32
          %dma_wait3A_45 = arith.constant 0 : i32
          %dma_wait3A_46 = tpu.memref_slice %arg9[%dma_wait3A_44, %dma_wait3A_45] : memref<10112x128xf32, #tpu.memory_space<vmem_shared>> -> memref<10112x128xf32, #tpu.memory_space<vmem_shared>>
          tpu.wait_indirect_dma semaphore(%run_scoped3A : memref<!tpu.dma_semaphore, #tpu.memory_space<semaphore_mem>>) src(%arg8 : memref<128x128xf32, #tpu.memory_space<vmem>>) dst(%dma_wait3A_46 : memref<10112x128xf32, #tpu.memory_space<vmem_shared>>)
          tpu.yield
        }) : () -> ()
      }
      %scan3A_32 = arith.constant 61 : i32
    } else {
    }
    %barrier3A_20 = arith.constant 0 : index
    tpu.barrier barrier_id(%barrier3A_20)
    "tpu.region"() ({
      %run_scoped3A = tpu.sem_alloc : memref<!tpu.dma_semaphore, #tpu.memory_space<semaphore_mem>>
      %dma_start3A = arith.constant 0 : i32
      %dma_start3A_21 = tpu.memref_slice %arg5[%arg0, %mul3A_5, %dma_start3A] : memref<2x10112x128xf32, #tpu.memory_space<hbm>> -> memref<1x632x128xf32, #tpu.memory_space<hbm>>
      %dma_start3A_22 = tpu.memref_squeeze %dma_start3A_21 : memref<1x632x128xf32, #tpu.memory_space<hbm>> -> memref<632x128xf32, #tpu.memory_space<hbm>>
      %dma_start3A_23 = arith.constant 0 : i32
      %dma_start3A_24 = tpu.memref_slice %arg9[%mul3A_5, %dma_start3A_23] : memref<10112x128xf32, #tpu.memory_space<vmem_shared>> -> memref<632x128xf32, #tpu.memory_space<vmem_shared>>
      tpu.enqueue_dma source(%dma_start3A_24 : memref<632x128xf32, #tpu.memory_space<vmem_shared>>) target(%dma_start3A_22 : memref<632x128xf32, #tpu.memory_space<hbm>>) target_semaphore(%run_scoped3A : memref<!tpu.dma_semaphore, #tpu.memory_space<semaphore_mem>>)
      %dma_wait3A = arith.constant 0 : i32
      %dma_wait3A_25 = tpu.memref_slice %arg5[%arg0, %mul3A_5, %dma_wait3A] : memref<2x10112x128xf32, #tpu.memory_space<hbm>> -> memref<1x632x128xf32, #tpu.memory_space<hbm>>
      %dma_wait3A_26 = tpu.memref_squeeze %dma_wait3A_25 : memref<1x632x128xf32, #tpu.memory_space<hbm>> -> memref<632x128xf32, #tpu.memory_space<hbm>>
      %dma_wait3A_27 = arith.constant 0 : i32
      %dma_wait3A_28 = tpu.memref_slice %arg9[%mul3A_5, %dma_wait3A_27] : memref<10112x128xf32, #tpu.memory_space<vmem_shared>> -> memref<632x128xf32, #tpu.memory_space<vmem_shared>>
      tpu.wait_dma2 semaphore(%run_scoped3A : memref<!tpu.dma_semaphore, #tpu.memory_space<semaphore_mem>>) src(%dma_wait3A_28 : memref<632x128xf32, #tpu.memory_space<vmem_shared>>) dst(%dma_wait3A_26 : memref<632x128xf32, #tpu.memory_space<hbm>>)
      tpu.yield
    }) : () -> ()
    return
  }
}

#map = affine_map<(d0, d1) -> (0)>
#map1 = affine_map<(d0, d1) -> (0, 0)>
#map2 = affine_map<(d0, d1) -> (0, 0, 0)>
module attributes {stable_mosaic.version = 14 : i64} {
  func.func @sc_msg(%arg0: i32, %arg1: i32, %arg2: memref<323584xi32, #tpu.memory_space<hbm>>, %arg3: memref<323584xi32, #tpu.memory_space<hbm>>, %arg4: memref<40000x128xf32, #tpu.memory_space<hbm>>, %arg5: memref<2x10112x128xf32, #tpu.memory_space<hbm>>, %arg6: memref<128xi32, #tpu.memory_space<vmem>>, %arg7: memref<128xi32, #tpu.memory_space<vmem>>, %arg8: memref<128x128xf32, #tpu.memory_space<vmem>>, %arg9: memref<10112x128xf32, #tpu.memory_space<vmem_shared>>, %arg10: memref<!tpu.dma_semaphore, #tpu.memory_space<semaphore_mem>>) attributes {dimension_semantics = [#tpu.dimension_semantics<core_parallel>, #tpu.dimension_semantics<subcore_parallel>], iteration_bounds = array<i64: 2, 16>, scalar_prefetch = 0 : i64, scratch_operands = 5 : i64, tpu.core_type = #tpu.core_type<sc_vector_subcore>, window_params = [{transform_indices = #map}, {transform_indices = #map}, {transform_indices = #map1}, {transform_indices = #map2}]} {
    %scan3A = arith.constant 0 : i32
    %scan3A_0 = arith.constant 0 : i32
    %scan3A_1 = arith.constant 1024 : i32
    %scan3A_2 = arith.addi %scan3A_0, %scan3A_1 : i32
    %scan3A_3 = arith.constant 1 : i32
    scf.for %scan3A_21 = %scan3A_0 to %scan3A_2 step %scan3A_3  : i32 {
      %jit3A = arith.constant 8 : i32
      %div3A = arith.divsi %scan3A_21, %jit3A : i32
      %sign3A = arith.constant 0 : i32
      %sign3A_22 = arith.cmpi sgt, %scan3A_21, %sign3A : i32
      %sign3A_23 = arith.extui %sign3A_22 : i1 to i32
      %sign3A_24 = arith.constant 0 : i32
      %sign3A_25 = arith.cmpi slt, %scan3A_21, %sign3A_24 : i32
      %sign3A_26 = arith.extui %sign3A_25 : i1 to i32
      %sign3A_27 = arith.subi %sign3A_23, %sign3A_26 : i32
      %sign3A_28 = arith.constant 0 : i32
      %sign3A_29 = arith.cmpi sgt, %jit3A, %sign3A_28 : i32
      %sign3A_30 = arith.extui %sign3A_29 : i1 to i32
      %sign3A_31 = arith.constant 0 : i32
      %sign3A_32 = arith.cmpi slt, %jit3A, %sign3A_31 : i32
      %sign3A_33 = arith.extui %sign3A_32 : i1 to i32
      %sign3A_34 = arith.subi %sign3A_30, %sign3A_33 : i32
      %ne3A = arith.cmpi ne, %sign3A_27, %sign3A_34 : i32
      %rem3A = arith.remsi %scan3A_21, %jit3A : i32
      %ne3A_35 = arith.constant 0 : i32
      %ne3A_36 = arith.cmpi ne, %rem3A, %ne3A_35 : i32
      %and3A = arith.andi %ne3A, %ne3A_36 : i1
      %sub3A = arith.constant 1 : i32
      %sub3A_37 = arith.subi %div3A, %sub3A : i32
      %select_n3A = arith.select %and3A, %sub3A_37, %div3A : i32
      %jit3A_38 = arith.constant 8 : i32
      %eq3A_39 = arith.constant 0 : i32
      %eq3A_40 = arith.cmpi eq, %jit3A_38, %eq3A_39 : i32
      %jit3A_41 = arith.constant 1 : i32
      %select_n3A_42 = arith.select %eq3A_40, %jit3A_41, %jit3A_38 : i32
      %rem3A_43 = arith.remsi %scan3A_21, %select_n3A_42 : i32
      %ne3A_44 = arith.constant 0 : i32
      %ne3A_45 = arith.cmpi ne, %rem3A_43, %ne3A_44 : i32
      %lt3A = arith.constant 0 : i32
      %lt3A_46 = arith.cmpi slt, %rem3A_43, %lt3A : i32
      %lt3A_47 = arith.constant 0 : i32
      %lt3A_48 = arith.cmpi slt, %select_n3A_42, %lt3A_47 : i32
      %ne3A_49 = arith.xori %lt3A_46, %lt3A_48 : i1
      %and3A_50 = arith.andi %ne3A_49, %ne3A_45 : i1
      %add3A_51 = arith.addi %rem3A_43, %select_n3A_42 : i32
      %select_n3A_52 = arith.select %and3A_50, %add3A_51, %rem3A_43 : i32
      %broadcast_in_dim3A = arith.constant 0.000000e+00 : f32
      %broadcast_in_dim3A_53 = vector.broadcast %broadcast_in_dim3A : f32 to vector<16xf32>
      %mul3A_54 = arith.constant 16 : i32
      %mul3A_55 = arith.muli %select_n3A_52, %mul3A_54 : i32
      %swap3A = arith.index_cast %select_n3A : i32 to index
      %swap3A_56 = arith.index_cast %mul3A_55 : i32 to index
      %swap3A_57 = tpu.vector_load %arg8[%swap3A, %swap3A_56] {strides = array<i32>} : memref<128x128xf32, #tpu.memory_space<vmem>>, vector<1x16xf32>,
      %swap3A_58 = vector.shape_cast %swap3A_57 : vector<1x16xf32> to vector<16xf32>
      %swap3A_59 = vector.shape_cast %broadcast_in_dim3A_53 : vector<16xf32> to vector<1x16xf32>
      tpu.vector_store %arg8[%swap3A, %swap3A_56], %swap3A_59 {strides = array<i32>} : memref<128x128xf32, #tpu.memory_space<vmem>>, vector<1x16xf32>,
    }
    %scan3A_4 = arith.constant 1024 : i32
    %mul3A = arith.constant 632 : i32
    %mul3A_5 = arith.muli %arg1, %mul3A : i32
    %scan3A_6 = arith.constant 0 : i32
    %scan3A_7 = arith.constant 0 : i32
    %scan3A_8 = arith.constant 4 : i32
    %scan3A_9 = arith.addi %scan3A_7, %scan3A_8 : i32
    %scan3A_10 = arith.constant 1 : i32
    scf.for %scan3A_21 = %scan3A_7 to %scan3A_9 step %scan3A_10  : i32 {
      %mul3A_22 = arith.constant 128 : i32
      %mul3A_23 = arith.muli %scan3A_21, %mul3A_22 : i32
      %add3A_24 = arith.addi %mul3A_5, %mul3A_23 : i32
      "tpu.region"() ({
        %run_scoped3A = tpu.sem_alloc : memref<!tpu.dma_semaphore, #tpu.memory_space<semaphore_mem>>
        %dma_start3A = arith.constant 0 : i32
        %dma_start3A_25 = tpu.memref_slice %arg9[%add3A_24, %dma_start3A] : memref<10112x128xf32, #tpu.memory_space<vmem_shared>> -> memref<128x128xf32, #tpu.memory_space<vmem_shared>>
        %dma_start3A_26 = arith.constant 0 : i32
        %dma_start3A_27 = tpu.memref_slice %arg9[%add3A_24, %dma_start3A_26] : memref<10112x128xf32, #tpu.memory_space<vmem_shared>> -> memref<128x128xf32, #tpu.memory_space<vmem_shared>>
        tpu.enqueue_dma source(%arg8 : memref<128x128xf32, #tpu.memory_space<vmem>>) target(%dma_start3A_27 : memref<128x128xf32, #tpu.memory_space<vmem_shared>>) target_semaphore(%run_scoped3A : memref<!tpu.dma_semaphore, #tpu.memory_space<semaphore_mem>>)
        %dma_wait3A = arith.constant 0 : i32
        %dma_wait3A_28 = tpu.memref_slice %arg9[%add3A_24, %dma_wait3A] : memref<10112x128xf32, #tpu.memory_space<vmem_shared>> -> memref<128x128xf32, #tpu.memory_space<vmem_shared>>
        %dma_wait3A_29 = arith.constant 0 : i32
        %dma_wait3A_30 = tpu.memref_slice %arg9[%add3A_24, %dma_wait3A_29] : memref<10112x128xf32, #tpu.memory_space<vmem_shared>> -> memref<128x128xf32, #tpu.memory_space<vmem_shared>>
        tpu.wait_dma2 semaphore(%run_scoped3A : memref<!tpu.dma_semaphore, #tpu.memory_space<semaphore_mem>>) src(%arg8 : memref<128x128xf32, #tpu.memory_space<vmem>>) dst(%dma_wait3A_30 : memref<128x128xf32, #tpu.memory_space<vmem_shared>>)
        tpu.yield
      }) : () -> ()
    }
    %scan3A_11 = arith.constant 4 : i32
    %add3A = arith.constant 512 : i32
    %add3A_12 = arith.addi %mul3A_5, %add3A : i32
    "tpu.region"() ({
      %run_scoped3A = tpu.sem_alloc : memref<!tpu.dma_semaphore, #tpu.memory_space<semaphore_mem>>
      %dma_start3A = arith.constant 0 : i32
      %dma_start3A_21 = arith.constant 0 : i32
      %dma_start3A_22 = tpu.memref_slice %arg8[%dma_start3A, %dma_start3A_21] : memref<128x128xf32, #tpu.memory_space<vmem>> -> memref<120x128xf32, #tpu.memory_space<vmem>>
      %dma_start3A_23 = arith.constant 0 : i32
      %dma_start3A_24 = tpu.memref_slice %arg9[%add3A_12, %dma_start3A_23] : memref<10112x128xf32, #tpu.memory_space<vmem_shared>> -> memref<120x128xf32, #tpu.memory_space<vmem_shared>>
      %dma_start3A_25 = arith.constant 0 : i32
      %dma_start3A_26 = tpu.memref_slice %arg9[%add3A_12, %dma_start3A_25] : memref<10112x128xf32, #tpu.memory_space<vmem_shared>> -> memref<120x128xf32, #tpu.memory_space<vmem_shared>>
      %dma_start3A_27 = arith.constant 0 : i32
      %dma_start3A_28 = arith.constant 0 : i32
      %dma_start3A_29 = tpu.memref_slice %arg8[%dma_start3A_27, %dma_start3A_28] : memref<128x128xf32, #tpu.memory_space<vmem>> -> memref<120x128xf32, #tpu.memory_space<vmem>>
      tpu.enqueue_dma source(%dma_start3A_29 : memref<120x128xf32, #tpu.memory_space<vmem>>) target(%dma_start3A_26 : memref<120x128xf32, #tpu.memory_space<vmem_shared>>) target_semaphore(%run_scoped3A : memref<!tpu.dma_semaphore, #tpu.memory_space<semaphore_mem>>)
      %dma_wait3A = arith.constant 0 : i32
      %dma_wait3A_30 = arith.constant 0 : i32
      %dma_wait3A_31 = tpu.memref_slice %arg8[%dma_wait3A, %dma_wait3A_30] : memref<128x128xf32, #tpu.memory_space<vmem>> -> memref<120x128xf32, #tpu.memory_space<vmem>>
      %dma_wait3A_32 = arith.constant 0 : i32
      %dma_wait3A_33 = tpu.memref_slice %arg9[%add3A_12, %dma_wait3A_32] : memref<10112x128xf32, #tpu.memory_space<vmem_shared>> -> memref<120x128xf32, #tpu.memory_space<vmem_shared>>
      %dma_wait3A_34 = arith.constant 0 : i32
      %dma_wait3A_35 = tpu.memref_slice %arg9[%add3A_12, %dma_wait3A_34] : memref<10112x128xf32, #tpu.memory_space<vmem_shared>> -> memref<120x128xf32, #tpu.memory_space<vmem_shared>>
      %dma_wait3A_36 = arith.constant 0 : i32
      %dma_wait3A_37 = arith.constant 0 : i32
      %dma_wait3A_38 = tpu.memref_slice %arg8[%dma_wait3A_36, %dma_wait3A_37] : memref<128x128xf32, #tpu.memory_space<vmem>> -> memref<120x128xf32, #tpu.memory_space<vmem>>
      tpu.wait_dma2 semaphore(%run_scoped3A : memref<!tpu.dma_semaphore, #tpu.memory_space<semaphore_mem>>) src(%dma_wait3A_38 : memref<120x128xf32, #tpu.memory_space<vmem>>) dst(%dma_wait3A_35 : memref<120x128xf32, #tpu.memory_space<vmem_shared>>)
      tpu.yield
    }) : () -> ()
    %barrier3A = arith.constant 0 : index
    tpu.barrier barrier_id(%barrier3A)
    %eq3A = arith.constant 0 : i32
    %eq3A_13 = arith.cmpi eq, %arg0, %eq3A : i32
    %convert_element_type3A = arith.extui %eq3A_13 : i1 to i32
    %cond3A = arith.constant 0 : i32
    %cond3A_14 = arith.cmpi ne, %convert_element_type3A, %cond3A : i32
    scf.if %cond3A_14 {
      %mul3A_21 = arith.constant 97 : i32
      %mul3A_22 = arith.muli %arg1, %mul3A_21 : i32
      %mul3A_23 = arith.constant 128 : i32
      %mul3A_24 = arith.muli %mul3A_22, %mul3A_23 : i32
      %scan3A_25 = arith.constant 0 : i32
      %scan3A_26 = arith.constant 0 : i32
      %scan3A_27 = arith.constant 97 : i32
      %scan3A_28 = arith.addi %scan3A_26, %scan3A_27 : i32
      %scan3A_29 = arith.constant 1 : i32
      scf.for %scan3A_31 = %scan3A_26 to %scan3A_28 step %scan3A_29  : i32 {
        %mul3A_32 = arith.constant 128 : i32
        %mul3A_33 = arith.muli %scan3A_31, %mul3A_32 : i32
        %add3A_34 = arith.addi %mul3A_24, %mul3A_33 : i32
        "tpu.region"() ({
          %run_scoped3A = tpu.sem_alloc : memref<!tpu.dma_semaphore, #tpu.memory_space<semaphore_mem>>
          %dma_start3A_39 = tpu.memref_slice %arg2[%add3A_34] : memref<323584xi32, #tpu.memory_space<hbm>> -> memref<128xi32, #tpu.memory_space<hbm>>
          %dma_start3A_40 = tpu.memref_slice %arg2[%add3A_34] : memref<323584xi32, #tpu.memory_space<hbm>> -> memref<128xi32, #tpu.memory_space<hbm>>
          tpu.enqueue_dma source(%dma_start3A_40 : memref<128xi32, #tpu.memory_space<hbm>>) target(%arg6 : memref<128xi32, #tpu.memory_space<vmem>>) target_semaphore(%run_scoped3A : memref<!tpu.dma_semaphore, #tpu.memory_space<semaphore_mem>>)
          %dma_wait3A_41 = tpu.memref_slice %arg2[%add3A_34] : memref<323584xi32, #tpu.memory_space<hbm>> -> memref<128xi32, #tpu.memory_space<hbm>>
          %dma_wait3A_42 = tpu.memref_slice %arg2[%add3A_34] : memref<323584xi32, #tpu.memory_space<hbm>> -> memref<128xi32, #tpu.memory_space<hbm>>
          tpu.wait_dma2 semaphore(%run_scoped3A : memref<!tpu.dma_semaphore, #tpu.memory_space<semaphore_mem>>) src(%dma_wait3A_42 : memref<128xi32, #tpu.memory_space<hbm>>) dst(%arg6 : memref<128xi32, #tpu.memory_space<vmem>>)
          tpu.yield
        }) : () -> ()
        "tpu.region"() ({
          %run_scoped3A = tpu.sem_alloc : memref<!tpu.dma_semaphore, #tpu.memory_space<semaphore_mem>>
          %dma_start3A_39 = tpu.memref_slice %arg3[%add3A_34] : memref<323584xi32, #tpu.memory_space<hbm>> -> memref<128xi32, #tpu.memory_space<hbm>>
          %dma_start3A_40 = tpu.memref_slice %arg3[%add3A_34] : memref<323584xi32, #tpu.memory_space<hbm>> -> memref<128xi32, #tpu.memory_space<hbm>>
          tpu.enqueue_dma source(%dma_start3A_40 : memref<128xi32, #tpu.memory_space<hbm>>) target(%arg7 : memref<128xi32, #tpu.memory_space<vmem>>) target_semaphore(%run_scoped3A : memref<!tpu.dma_semaphore, #tpu.memory_space<semaphore_mem>>)
          %dma_wait3A_41 = tpu.memref_slice %arg3[%add3A_34] : memref<323584xi32, #tpu.memory_space<hbm>> -> memref<128xi32, #tpu.memory_space<hbm>>
          %dma_wait3A_42 = tpu.memref_slice %arg3[%add3A_34] : memref<323584xi32, #tpu.memory_space<hbm>> -> memref<128xi32, #tpu.memory_space<hbm>>
          tpu.wait_dma2 semaphore(%run_scoped3A : memref<!tpu.dma_semaphore, #tpu.memory_space<semaphore_mem>>) src(%dma_wait3A_42 : memref<128xi32, #tpu.memory_space<hbm>>) dst(%arg7 : memref<128xi32, #tpu.memory_space<vmem>>)
          tpu.yield
        }) : () -> ()
        %dma_start3A = arith.constant 0 : i32
        %dma_start3A_35 = arith.constant 0 : i32
        %dma_start3A_36 = tpu.memref_slice %arg4[%dma_start3A, %dma_start3A_35] : memref<40000x128xf32, #tpu.memory_space<hbm>> -> memref<40000x128xf32, #tpu.memory_space<hbm>>
        tpu.enqueue_indirect_dma source(%dma_start3A_36 : memref<40000x128xf32, #tpu.memory_space<hbm>>) target(%arg8 : memref<128x128xf32, #tpu.memory_space<vmem>>) offsets(%arg6 : memref<128xi32, #tpu.memory_space<vmem>>) semaphore(%arg10 : memref<!tpu.dma_semaphore, #tpu.memory_space<semaphore_mem>>)
        %dma_wait3A = arith.constant 0 : i32
        %dma_wait3A_37 = arith.constant 0 : i32
        %dma_wait3A_38 = tpu.memref_slice %arg4[%dma_wait3A, %dma_wait3A_37] : memref<40000x128xf32, #tpu.memory_space<hbm>> -> memref<40000x128xf32, #tpu.memory_space<hbm>>
        tpu.wait_indirect_dma semaphore(%arg10 : memref<!tpu.dma_semaphore, #tpu.memory_space<semaphore_mem>>) src(%dma_wait3A_38 : memref<40000x128xf32, #tpu.memory_space<hbm>>) dst(%arg8 : memref<128x128xf32, #tpu.memory_space<vmem>>)
        "tpu.region"() ({
          %run_scoped3A = tpu.sem_alloc : memref<!tpu.dma_semaphore, #tpu.memory_space<semaphore_mem>>
          %dma_start3A_39 = arith.constant 0 : i32
          %dma_start3A_40 = arith.constant 0 : i32
          %dma_start3A_41 = tpu.memref_slice %arg9[%dma_start3A_39, %dma_start3A_40] : memref<10112x128xf32, #tpu.memory_space<vmem_shared>> -> memref<10112x128xf32, #tpu.memory_space<vmem_shared>>
          tpu.enqueue_indirect_dma source(%arg8 : memref<128x128xf32, #tpu.memory_space<vmem>>) target(%dma_start3A_41 : memref<10112x128xf32, #tpu.memory_space<vmem_shared>>) offsets(%arg7 : memref<128xi32, #tpu.memory_space<vmem>>) semaphore(%run_scoped3A : memref<!tpu.dma_semaphore, #tpu.memory_space<semaphore_mem>>) {add = true}
          %dma_wait3A_42 = arith.constant 0 : i32
          %dma_wait3A_43 = arith.constant 0 : i32
          %dma_wait3A_44 = tpu.memref_slice %arg9[%dma_wait3A_42, %dma_wait3A_43] : memref<10112x128xf32, #tpu.memory_space<vmem_shared>> -> memref<10112x128xf32, #tpu.memory_space<vmem_shared>>
          tpu.wait_indirect_dma semaphore(%run_scoped3A : memref<!tpu.dma_semaphore, #tpu.memory_space<semaphore_mem>>) src(%arg8 : memref<128x128xf32, #tpu.memory_space<vmem>>) dst(%dma_wait3A_44 : memref<10112x128xf32, #tpu.memory_space<vmem_shared>>)
          tpu.yield
        }) : () -> ()
      }
      %scan3A_30 = arith.constant 97 : i32
    } else {
    }
    %eq3A_15 = arith.constant 1 : i32
    %eq3A_16 = arith.cmpi eq, %arg0, %eq3A_15 : i32
    %convert_element_type3A_17 = arith.extui %eq3A_16 : i1 to i32
    %cond3A_18 = arith.constant 0 : i32
    %cond3A_19 = arith.cmpi ne, %convert_element_type3A_17, %cond3A_18 : i32
    scf.if %cond3A_19 {
      %mul3A_21 = arith.constant 61 : i32
      %mul3A_22 = arith.muli %arg1, %mul3A_21 : i32
      %add3A_23 = arith.constant 1552 : i32
      %add3A_24 = arith.addi %add3A_23, %mul3A_22 : i32
      %mul3A_25 = arith.constant 128 : i32
      %mul3A_26 = arith.muli %add3A_24, %mul3A_25 : i32
      %scan3A_27 = arith.constant 0 : i32
      %scan3A_28 = arith.constant 0 : i32
      %scan3A_29 = arith.constant 61 : i32
      %scan3A_30 = arith.addi %scan3A_28, %scan3A_29 : i32
      %scan3A_31 = arith.constant 1 : i32
      scf.for %scan3A_33 = %scan3A_28 to %scan3A_30 step %scan3A_31  : i32 {
        %mul3A_34 = arith.constant 128 : i32
        %mul3A_35 = arith.muli %scan3A_33, %mul3A_34 : i32
        %add3A_36 = arith.addi %mul3A_26, %mul3A_35 : i32
        "tpu.region"() ({
          %run_scoped3A = tpu.sem_alloc : memref<!tpu.dma_semaphore, #tpu.memory_space<semaphore_mem>>
          %dma_start3A_41 = tpu.memref_slice %arg2[%add3A_36] : memref<323584xi32, #tpu.memory_space<hbm>> -> memref<128xi32, #tpu.memory_space<hbm>>
          %dma_start3A_42 = tpu.memref_slice %arg2[%add3A_36] : memref<323584xi32, #tpu.memory_space<hbm>> -> memref<128xi32, #tpu.memory_space<hbm>>
          tpu.enqueue_dma source(%dma_start3A_42 : memref<128xi32, #tpu.memory_space<hbm>>) target(%arg6 : memref<128xi32, #tpu.memory_space<vmem>>) target_semaphore(%run_scoped3A : memref<!tpu.dma_semaphore, #tpu.memory_space<semaphore_mem>>)
          %dma_wait3A_43 = tpu.memref_slice %arg2[%add3A_36] : memref<323584xi32, #tpu.memory_space<hbm>> -> memref<128xi32, #tpu.memory_space<hbm>>
          %dma_wait3A_44 = tpu.memref_slice %arg2[%add3A_36] : memref<323584xi32, #tpu.memory_space<hbm>> -> memref<128xi32, #tpu.memory_space<hbm>>
          tpu.wait_dma2 semaphore(%run_scoped3A : memref<!tpu.dma_semaphore, #tpu.memory_space<semaphore_mem>>) src(%dma_wait3A_44 : memref<128xi32, #tpu.memory_space<hbm>>) dst(%arg6 : memref<128xi32, #tpu.memory_space<vmem>>)
          tpu.yield
        }) : () -> ()
        "tpu.region"() ({
          %run_scoped3A = tpu.sem_alloc : memref<!tpu.dma_semaphore, #tpu.memory_space<semaphore_mem>>
          %dma_start3A_41 = tpu.memref_slice %arg3[%add3A_36] : memref<323584xi32, #tpu.memory_space<hbm>> -> memref<128xi32, #tpu.memory_space<hbm>>
          %dma_start3A_42 = tpu.memref_slice %arg3[%add3A_36] : memref<323584xi32, #tpu.memory_space<hbm>> -> memref<128xi32, #tpu.memory_space<hbm>>
          tpu.enqueue_dma source(%dma_start3A_42 : memref<128xi32, #tpu.memory_space<hbm>>) target(%arg7 : memref<128xi32, #tpu.memory_space<vmem>>) target_semaphore(%run_scoped3A : memref<!tpu.dma_semaphore, #tpu.memory_space<semaphore_mem>>)
          %dma_wait3A_43 = tpu.memref_slice %arg3[%add3A_36] : memref<323584xi32, #tpu.memory_space<hbm>> -> memref<128xi32, #tpu.memory_space<hbm>>
          %dma_wait3A_44 = tpu.memref_slice %arg3[%add3A_36] : memref<323584xi32, #tpu.memory_space<hbm>> -> memref<128xi32, #tpu.memory_space<hbm>>
          tpu.wait_dma2 semaphore(%run_scoped3A : memref<!tpu.dma_semaphore, #tpu.memory_space<semaphore_mem>>) src(%dma_wait3A_44 : memref<128xi32, #tpu.memory_space<hbm>>) dst(%arg7 : memref<128xi32, #tpu.memory_space<vmem>>)
          tpu.yield
        }) : () -> ()
        %dma_start3A = arith.constant 0 : i32
        %dma_start3A_37 = arith.constant 0 : i32
        %dma_start3A_38 = tpu.memref_slice %arg4[%dma_start3A, %dma_start3A_37] : memref<40000x128xf32, #tpu.memory_space<hbm>> -> memref<40000x128xf32, #tpu.memory_space<hbm>>
        tpu.enqueue_indirect_dma source(%dma_start3A_38 : memref<40000x128xf32, #tpu.memory_space<hbm>>) target(%arg8 : memref<128x128xf32, #tpu.memory_space<vmem>>) offsets(%arg6 : memref<128xi32, #tpu.memory_space<vmem>>) semaphore(%arg10 : memref<!tpu.dma_semaphore, #tpu.memory_space<semaphore_mem>>)
        %dma_wait3A = arith.constant 0 : i32
        %dma_wait3A_39 = arith.constant 0 : i32
        %dma_wait3A_40 = tpu.memref_slice %arg4[%dma_wait3A, %dma_wait3A_39] : memref<40000x128xf32, #tpu.memory_space<hbm>> -> memref<40000x128xf32, #tpu.memory_space<hbm>>
        tpu.wait_indirect_dma semaphore(%arg10 : memref<!tpu.dma_semaphore, #tpu.memory_space<semaphore_mem>>) src(%dma_wait3A_40 : memref<40000x128xf32, #tpu.memory_space<hbm>>) dst(%arg8 : memref<128x128xf32, #tpu.memory_space<vmem>>)
        "tpu.region"() ({
          %run_scoped3A = tpu.sem_alloc : memref<!tpu.dma_semaphore, #tpu.memory_space<semaphore_mem>>
          %dma_start3A_41 = arith.constant 0 : i32
          %dma_start3A_42 = arith.constant 0 : i32
          %dma_start3A_43 = tpu.memref_slice %arg9[%dma_start3A_41, %dma_start3A_42] : memref<10112x128xf32, #tpu.memory_space<vmem_shared>> -> memref<10112x128xf32, #tpu.memory_space<vmem_shared>>
          tpu.enqueue_indirect_dma source(%arg8 : memref<128x128xf32, #tpu.memory_space<vmem>>) target(%dma_start3A_43 : memref<10112x128xf32, #tpu.memory_space<vmem_shared>>) offsets(%arg7 : memref<128xi32, #tpu.memory_space<vmem>>) semaphore(%run_scoped3A : memref<!tpu.dma_semaphore, #tpu.memory_space<semaphore_mem>>) {add = true}
          %dma_wait3A_44 = arith.constant 0 : i32
          %dma_wait3A_45 = arith.constant 0 : i32
          %dma_wait3A_46 = tpu.memref_slice %arg9[%dma_wait3A_44, %dma_wait3A_45] : memref<10112x128xf32, #tpu.memory_space<vmem_shared>> -> memref<10112x128xf32, #tpu.memory_space<vmem_shared>>
          tpu.wait_indirect_dma semaphore(%run_scoped3A : memref<!tpu.dma_semaphore, #tpu.memory_space<semaphore_mem>>) src(%arg8 : memref<128x128xf32, #tpu.memory_space<vmem>>) dst(%dma_wait3A_46 : memref<10112x128xf32, #tpu.memory_space<vmem_shared>>)
          tpu.yield
        }) : () -> ()
      }
      %scan3A_32 = arith.constant 61 : i32
    } else {
    }
    %barrier3A_20 = arith.constant 0 : index
    tpu.barrier barrier_id(%barrier3A_20)
    "tpu.region"() ({
      %run_scoped3A = tpu.sem_alloc : memref<!tpu.dma_semaphore, #tpu.memory_space<semaphore_mem>>
      %dma_start3A = arith.constant 0 : i32
      %dma_start3A_21 = tpu.memref_slice %arg5[%arg0, %mul3A_5, %dma_start3A] : memref<2x10112x128xf32, #tpu.memory_space<hbm>> -> memref<1x632x128xf32, #tpu.memory_space<hbm>>
      %dma_start3A_22 = tpu.memref_squeeze %dma_start3A_21 : memref<1x632x128xf32, #tpu.memory_space<hbm>> -> memref<632x128xf32, #tpu.memory_space<hbm>>
      %dma_start3A_23 = arith.constant 0 : i32
      %dma_start3A_24 = tpu.memref_slice %arg9[%mul3A_5, %dma_start3A_23] : memref<10112x128xf32, #tpu.memory_space<vmem_shared>> -> memref<632x128xf32, #tpu.memory_space<vmem_shared>>
      tpu.enqueue_dma source(%dma_start3A_24 : memref<632x128xf32, #tpu.memory_space<vmem_shared>>) target(%dma_start3A_22 : memref<632x128xf32, #tpu.memory_space<hbm>>) target_semaphore(%run_scoped3A : memref<!tpu.dma_semaphore, #tpu.memory_space<semaphore_mem>>)
      %dma_wait3A = arith.constant 0 : i32
      %dma_wait3A_25 = tpu.memref_slice %arg5[%arg0, %mul3A_5, %dma_wait3A] : memref<2x10112x128xf32, #tpu.memory_space<hbm>> -> memref<1x632x128xf32, #tpu.memory_space<hbm>>
      %dma_wait3A_26 = tpu.memref_squeeze %dma_wait3A_25 : memref<1x632x128xf32, #tpu.memory_space<hbm>> -> memref<632x128xf32, #tpu.memory_space<hbm>>
      %dma_wait3A_27 = arith.constant 0 : i32
      %dma_wait3A_28 = tpu.memref_slice %arg9[%mul3A_5, %dma_wait3A_27] : memref<10112x128xf32, #tpu.memory_space<vmem_shared>> -> memref<632x128xf32, #tpu.memory_space<vmem_shared>>
      tpu.wait_dma2 semaphore(%run_scoped3A : memref<!tpu.dma_semaphore, #tpu.memory_space<semaphore_mem>>) src(%dma_wait3A_28 : memref<632x128xf32, #tpu.memory_space<vmem_shared>>) dst(%dma_wait3A_26 : memref<632x128xf32, #tpu.memory_space<hbm>>)
      tpu.yield
    }) : () -> ()
    return
  }
}

#map = affine_map<(d0, d1) -> (0)>
#map1 = affine_map<(d0, d1) -> (0, 0)>
#map2 = affine_map<(d0, d1) -> (0, 0, 0)>
module attributes {stable_mosaic.version = 14 : i64} {
  func.func @sc_msg(%arg0: i32, %arg1: i32, %arg2: memref<323584xi32, #tpu.memory_space<hbm>>, %arg3: memref<323584xi32, #tpu.memory_space<hbm>>, %arg4: memref<40000x128xf32, #tpu.memory_space<hbm>>, %arg5: memref<2x10112x128xf32, #tpu.memory_space<hbm>>, %arg6: memref<128xi32, #tpu.memory_space<vmem>>, %arg7: memref<128xi32, #tpu.memory_space<vmem>>, %arg8: memref<128x128xf32, #tpu.memory_space<vmem>>, %arg9: memref<10112x128xf32, #tpu.memory_space<vmem_shared>>, %arg10: memref<!tpu.dma_semaphore, #tpu.memory_space<semaphore_mem>>) attributes {dimension_semantics = [#tpu.dimension_semantics<core_parallel>, #tpu.dimension_semantics<subcore_parallel>], iteration_bounds = array<i64: 2, 16>, scalar_prefetch = 0 : i64, scratch_operands = 5 : i64, tpu.core_type = #tpu.core_type<sc_vector_subcore>, window_params = [{transform_indices = #map}, {transform_indices = #map}, {transform_indices = #map1}, {transform_indices = #map2}]} {
    %scan3A = arith.constant 0 : i32
    %scan3A_0 = arith.constant 0 : i32
    %scan3A_1 = arith.constant 1024 : i32
    %scan3A_2 = arith.addi %scan3A_0, %scan3A_1 : i32
    %scan3A_3 = arith.constant 1 : i32
    scf.for %scan3A_21 = %scan3A_0 to %scan3A_2 step %scan3A_3  : i32 {
      %jit3A = arith.constant 8 : i32
      %div3A = arith.divsi %scan3A_21, %jit3A : i32
      %sign3A = arith.constant 0 : i32
      %sign3A_22 = arith.cmpi sgt, %scan3A_21, %sign3A : i32
      %sign3A_23 = arith.extui %sign3A_22 : i1 to i32
      %sign3A_24 = arith.constant 0 : i32
      %sign3A_25 = arith.cmpi slt, %scan3A_21, %sign3A_24 : i32
      %sign3A_26 = arith.extui %sign3A_25 : i1 to i32
      %sign3A_27 = arith.subi %sign3A_23, %sign3A_26 : i32
      %sign3A_28 = arith.constant 0 : i32
      %sign3A_29 = arith.cmpi sgt, %jit3A, %sign3A_28 : i32
      %sign3A_30 = arith.extui %sign3A_29 : i1 to i32
      %sign3A_31 = arith.constant 0 : i32
      %sign3A_32 = arith.cmpi slt, %jit3A, %sign3A_31 : i32
      %sign3A_33 = arith.extui %sign3A_32 : i1 to i32
      %sign3A_34 = arith.subi %sign3A_30, %sign3A_33 : i32
      %ne3A = arith.cmpi ne, %sign3A_27, %sign3A_34 : i32
      %rem3A = arith.remsi %scan3A_21, %jit3A : i32
      %ne3A_35 = arith.constant 0 : i32
      %ne3A_36 = arith.cmpi ne, %rem3A, %ne3A_35 : i32
      %and3A = arith.andi %ne3A, %ne3A_36 : i1
      %sub3A = arith.constant 1 : i32
      %sub3A_37 = arith.subi %div3A, %sub3A : i32
      %select_n3A = arith.select %and3A, %sub3A_37, %div3A : i32
      %jit3A_38 = arith.constant 8 : i32
      %eq3A_39 = arith.constant 0 : i32
      %eq3A_40 = arith.cmpi eq, %jit3A_38, %eq3A_39 : i32
      %jit3A_41 = arith.constant 1 : i32
      %select_n3A_42 = arith.select %eq3A_40, %jit3A_41, %jit3A_38 : i32
      %rem3A_43 = arith.remsi %scan3A_21, %select_n3A_42 : i32
      %ne3A_44 = arith.constant 0 : i32
      %ne3A_45 = arith.cmpi ne, %rem3A_43, %ne3A_44 : i32
      %lt3A = arith.constant 0 : i32
      %lt3A_46 = arith.cmpi slt, %rem3A_43, %lt3A : i32
      %lt3A_47 = arith.constant 0 : i32
      %lt3A_48 = arith.cmpi slt, %select_n3A_42, %lt3A_47 : i32
      %ne3A_49 = arith.xori %lt3A_46, %lt3A_48 : i1
      %and3A_50 = arith.andi %ne3A_49, %ne3A_45 : i1
      %add3A_51 = arith.addi %rem3A_43, %select_n3A_42 : i32
      %select_n3A_52 = arith.select %and3A_50, %add3A_51, %rem3A_43 : i32
      %broadcast_in_dim3A = arith.constant 0.000000e+00 : f32
      %broadcast_in_dim3A_53 = vector.broadcast %broadcast_in_dim3A : f32 to vector<16xf32>
      %mul3A_54 = arith.constant 16 : i32
      %mul3A_55 = arith.muli %select_n3A_52, %mul3A_54 : i32
      %swap3A = arith.index_cast %select_n3A : i32 to index
      %swap3A_56 = arith.index_cast %mul3A_55 : i32 to index
      %swap3A_57 = tpu.vector_load %arg8[%swap3A, %swap3A_56] {strides = array<i32>} : memref<128x128xf32, #tpu.memory_space<vmem>>, vector<1x16xf32>,
      %swap3A_58 = vector.shape_cast %swap3A_57 : vector<1x16xf32> to vector<16xf32>
      %swap3A_59 = vector.shape_cast %broadcast_in_dim3A_53 : vector<16xf32> to vector<1x16xf32>
      tpu.vector_store %arg8[%swap3A, %swap3A_56], %swap3A_59 {strides = array<i32>} : memref<128x128xf32, #tpu.memory_space<vmem>>, vector<1x16xf32>,
    }
    %scan3A_4 = arith.constant 1024 : i32
    %mul3A = arith.constant 632 : i32
    %mul3A_5 = arith.muli %arg1, %mul3A : i32
    %scan3A_6 = arith.constant 0 : i32
    %scan3A_7 = arith.constant 0 : i32
    %scan3A_8 = arith.constant 4 : i32
    %scan3A_9 = arith.addi %scan3A_7, %scan3A_8 : i32
    %scan3A_10 = arith.constant 1 : i32
    scf.for %scan3A_21 = %scan3A_7 to %scan3A_9 step %scan3A_10  : i32 {
      %mul3A_22 = arith.constant 128 : i32
      %mul3A_23 = arith.muli %scan3A_21, %mul3A_22 : i32
      %add3A_24 = arith.addi %mul3A_5, %mul3A_23 : i32
      "tpu.region"() ({
        %run_scoped3A = tpu.sem_alloc : memref<!tpu.dma_semaphore, #tpu.memory_space<semaphore_mem>>
        %dma_start3A = arith.constant 0 : i32
        %dma_start3A_25 = tpu.memref_slice %arg9[%add3A_24, %dma_start3A] : memref<10112x128xf32, #tpu.memory_space<vmem_shared>> -> memref<128x128xf32, #tpu.memory_space<vmem_shared>>
        %dma_start3A_26 = arith.constant 0 : i32
        %dma_start3A_27 = tpu.memref_slice %arg9[%add3A_24, %dma_start3A_26] : memref<10112x128xf32, #tpu.memory_space<vmem_shared>> -> memref<128x128xf32, #tpu.memory_space<vmem_shared>>
        tpu.enqueue_dma source(%arg8 : memref<128x128xf32, #tpu.memory_space<vmem>>) target(%dma_start3A_27 : memref<128x128xf32, #tpu.memory_space<vmem_shared>>) target_semaphore(%run_scoped3A : memref<!tpu.dma_semaphore, #tpu.memory_space<semaphore_mem>>)
        %dma_wait3A = arith.constant 0 : i32
        %dma_wait3A_28 = tpu.memref_slice %arg9[%add3A_24, %dma_wait3A] : memref<10112x128xf32, #tpu.memory_space<vmem_shared>> -> memref<128x128xf32, #tpu.memory_space<vmem_shared>>
        %dma_wait3A_29 = arith.constant 0 : i32
        %dma_wait3A_30 = tpu.memref_slice %arg9[%add3A_24, %dma_wait3A_29] : memref<10112x128xf32, #tpu.memory_space<vmem_shared>> -> memref<128x128xf32, #tpu.memory_space<vmem_shared>>
        tpu.wait_dma2 semaphore(%run_scoped3A : memref<!tpu.dma_semaphore, #tpu.memory_space<semaphore_mem>>) src(%arg8 : memref<128x128xf32, #tpu.memory_space<vmem>>) dst(%dma_wait3A_30 : memref<128x128xf32, #tpu.memory_space<vmem_shared>>)
        tpu.yield
      }) : () -> ()
    }
    %scan3A_11 = arith.constant 4 : i32
    %add3A = arith.constant 512 : i32
    %add3A_12 = arith.addi %mul3A_5, %add3A : i32
    "tpu.region"() ({
      %run_scoped3A = tpu.sem_alloc : memref<!tpu.dma_semaphore, #tpu.memory_space<semaphore_mem>>
      %dma_start3A = arith.constant 0 : i32
      %dma_start3A_21 = arith.constant 0 : i32
      %dma_start3A_22 = tpu.memref_slice %arg8[%dma_start3A, %dma_start3A_21] : memref<128x128xf32, #tpu.memory_space<vmem>> -> memref<120x128xf32, #tpu.memory_space<vmem>>
      %dma_start3A_23 = arith.constant 0 : i32
      %dma_start3A_24 = tpu.memref_slice %arg9[%add3A_12, %dma_start3A_23] : memref<10112x128xf32, #tpu.memory_space<vmem_shared>> -> memref<120x128xf32, #tpu.memory_space<vmem_shared>>
      %dma_start3A_25 = arith.constant 0 : i32
      %dma_start3A_26 = tpu.memref_slice %arg9[%add3A_12, %dma_start3A_25] : memref<10112x128xf32, #tpu.memory_space<vmem_shared>> -> memref<120x128xf32, #tpu.memory_space<vmem_shared>>
      %dma_start3A_27 = arith.constant 0 : i32
      %dma_start3A_28 = arith.constant 0 : i32
      %dma_start3A_29 = tpu.memref_slice %arg8[%dma_start3A_27, %dma_start3A_28] : memref<128x128xf32, #tpu.memory_space<vmem>> -> memref<120x128xf32, #tpu.memory_space<vmem>>
      tpu.enqueue_dma source(%dma_start3A_29 : memref<120x128xf32, #tpu.memory_space<vmem>>) target(%dma_start3A_26 : memref<120x128xf32, #tpu.memory_space<vmem_shared>>) target_semaphore(%run_scoped3A : memref<!tpu.dma_semaphore, #tpu.memory_space<semaphore_mem>>)
      %dma_wait3A = arith.constant 0 : i32
      %dma_wait3A_30 = arith.constant 0 : i32
      %dma_wait3A_31 = tpu.memref_slice %arg8[%dma_wait3A, %dma_wait3A_30] : memref<128x128xf32, #tpu.memory_space<vmem>> -> memref<120x128xf32, #tpu.memory_space<vmem>>
      %dma_wait3A_32 = arith.constant 0 : i32
      %dma_wait3A_33 = tpu.memref_slice %arg9[%add3A_12, %dma_wait3A_32] : memref<10112x128xf32, #tpu.memory_space<vmem_shared>> -> memref<120x128xf32, #tpu.memory_space<vmem_shared>>
      %dma_wait3A_34 = arith.constant 0 : i32
      %dma_wait3A_35 = tpu.memref_slice %arg9[%add3A_12, %dma_wait3A_34] : memref<10112x128xf32, #tpu.memory_space<vmem_shared>> -> memref<120x128xf32, #tpu.memory_space<vmem_shared>>
      %dma_wait3A_36 = arith.constant 0 : i32
      %dma_wait3A_37 = arith.constant 0 : i32
      %dma_wait3A_38 = tpu.memref_slice %arg8[%dma_wait3A_36, %dma_wait3A_37] : memref<128x128xf32, #tpu.memory_space<vmem>> -> memref<120x128xf32, #tpu.memory_space<vmem>>
      tpu.wait_dma2 semaphore(%run_scoped3A : memref<!tpu.dma_semaphore, #tpu.memory_space<semaphore_mem>>) src(%dma_wait3A_38 : memref<120x128xf32, #tpu.memory_space<vmem>>) dst(%dma_wait3A_35 : memref<120x128xf32, #tpu.memory_space<vmem_shared>>)
      tpu.yield
    }) : () -> ()
    %barrier3A = arith.constant 0 : index
    tpu.barrier barrier_id(%barrier3A)
    %eq3A = arith.constant 0 : i32
    %eq3A_13 = arith.cmpi eq, %arg0, %eq3A : i32
    %convert_element_type3A = arith.extui %eq3A_13 : i1 to i32
    %cond3A = arith.constant 0 : i32
    %cond3A_14 = arith.cmpi ne, %convert_element_type3A, %cond3A : i32
    scf.if %cond3A_14 {
      %mul3A_21 = arith.constant 97 : i32
      %mul3A_22 = arith.muli %arg1, %mul3A_21 : i32
      %mul3A_23 = arith.constant 128 : i32
      %mul3A_24 = arith.muli %mul3A_22, %mul3A_23 : i32
      %scan3A_25 = arith.constant 0 : i32
      %scan3A_26 = arith.constant 0 : i32
      %scan3A_27 = arith.constant 97 : i32
      %scan3A_28 = arith.addi %scan3A_26, %scan3A_27 : i32
      %scan3A_29 = arith.constant 1 : i32
      scf.for %scan3A_31 = %scan3A_26 to %scan3A_28 step %scan3A_29  : i32 {
        %mul3A_32 = arith.constant 128 : i32
        %mul3A_33 = arith.muli %scan3A_31, %mul3A_32 : i32
        %add3A_34 = arith.addi %mul3A_24, %mul3A_33 : i32
        "tpu.region"() ({
          %run_scoped3A = tpu.sem_alloc : memref<!tpu.dma_semaphore, #tpu.memory_space<semaphore_mem>>
          %dma_start3A_39 = tpu.memref_slice %arg2[%add3A_34] : memref<323584xi32, #tpu.memory_space<hbm>> -> memref<128xi32, #tpu.memory_space<hbm>>
          %dma_start3A_40 = tpu.memref_slice %arg2[%add3A_34] : memref<323584xi32, #tpu.memory_space<hbm>> -> memref<128xi32, #tpu.memory_space<hbm>>
          tpu.enqueue_dma source(%dma_start3A_40 : memref<128xi32, #tpu.memory_space<hbm>>) target(%arg6 : memref<128xi32, #tpu.memory_space<vmem>>) target_semaphore(%run_scoped3A : memref<!tpu.dma_semaphore, #tpu.memory_space<semaphore_mem>>)
          %dma_wait3A_41 = tpu.memref_slice %arg2[%add3A_34] : memref<323584xi32, #tpu.memory_space<hbm>> -> memref<128xi32, #tpu.memory_space<hbm>>
          %dma_wait3A_42 = tpu.memref_slice %arg2[%add3A_34] : memref<323584xi32, #tpu.memory_space<hbm>> -> memref<128xi32, #tpu.memory_space<hbm>>
          tpu.wait_dma2 semaphore(%run_scoped3A : memref<!tpu.dma_semaphore, #tpu.memory_space<semaphore_mem>>) src(%dma_wait3A_42 : memref<128xi32, #tpu.memory_space<hbm>>) dst(%arg6 : memref<128xi32, #tpu.memory_space<vmem>>)
          tpu.yield
        }) : () -> ()
        "tpu.region"() ({
          %run_scoped3A = tpu.sem_alloc : memref<!tpu.dma_semaphore, #tpu.memory_space<semaphore_mem>>
          %dma_start3A_39 = tpu.memref_slice %arg3[%add3A_34] : memref<323584xi32, #tpu.memory_space<hbm>> -> memref<128xi32, #tpu.memory_space<hbm>>
          %dma_start3A_40 = tpu.memref_slice %arg3[%add3A_34] : memref<323584xi32, #tpu.memory_space<hbm>> -> memref<128xi32, #tpu.memory_space<hbm>>
          tpu.enqueue_dma source(%dma_start3A_40 : memref<128xi32, #tpu.memory_space<hbm>>) target(%arg7 : memref<128xi32, #tpu.memory_space<vmem>>) target_semaphore(%run_scoped3A : memref<!tpu.dma_semaphore, #tpu.memory_space<semaphore_mem>>)
          %dma_wait3A_41 = tpu.memref_slice %arg3[%add3A_34] : memref<323584xi32, #tpu.memory_space<hbm>> -> memref<128xi32, #tpu.memory_space<hbm>>
          %dma_wait3A_42 = tpu.memref_slice %arg3[%add3A_34] : memref<323584xi32, #tpu.memory_space<hbm>> -> memref<128xi32, #tpu.memory_space<hbm>>
          tpu.wait_dma2 semaphore(%run_scoped3A : memref<!tpu.dma_semaphore, #tpu.memory_space<semaphore_mem>>) src(%dma_wait3A_42 : memref<128xi32, #tpu.memory_space<hbm>>) dst(%arg7 : memref<128xi32, #tpu.memory_space<vmem>>)
          tpu.yield
        }) : () -> ()
        %dma_start3A = arith.constant 0 : i32
        %dma_start3A_35 = arith.constant 0 : i32
        %dma_start3A_36 = tpu.memref_slice %arg4[%dma_start3A, %dma_start3A_35] : memref<40000x128xf32, #tpu.memory_space<hbm>> -> memref<40000x128xf32, #tpu.memory_space<hbm>>
        tpu.enqueue_indirect_dma source(%dma_start3A_36 : memref<40000x128xf32, #tpu.memory_space<hbm>>) target(%arg8 : memref<128x128xf32, #tpu.memory_space<vmem>>) offsets(%arg6 : memref<128xi32, #tpu.memory_space<vmem>>) semaphore(%arg10 : memref<!tpu.dma_semaphore, #tpu.memory_space<semaphore_mem>>)
        %dma_wait3A = arith.constant 0 : i32
        %dma_wait3A_37 = arith.constant 0 : i32
        %dma_wait3A_38 = tpu.memref_slice %arg4[%dma_wait3A, %dma_wait3A_37] : memref<40000x128xf32, #tpu.memory_space<hbm>> -> memref<40000x128xf32, #tpu.memory_space<hbm>>
        tpu.wait_indirect_dma semaphore(%arg10 : memref<!tpu.dma_semaphore, #tpu.memory_space<semaphore_mem>>) src(%dma_wait3A_38 : memref<40000x128xf32, #tpu.memory_space<hbm>>) dst(%arg8 : memref<128x128xf32, #tpu.memory_space<vmem>>)
        "tpu.region"() ({
          %run_scoped3A = tpu.sem_alloc : memref<!tpu.dma_semaphore, #tpu.memory_space<semaphore_mem>>
          %dma_start3A_39 = arith.constant 0 : i32
          %dma_start3A_40 = arith.constant 0 : i32
          %dma_start3A_41 = tpu.memref_slice %arg9[%dma_start3A_39, %dma_start3A_40] : memref<10112x128xf32, #tpu.memory_space<vmem_shared>> -> memref<10112x128xf32, #tpu.memory_space<vmem_shared>>
          tpu.enqueue_indirect_dma source(%arg8 : memref<128x128xf32, #tpu.memory_space<vmem>>) target(%dma_start3A_41 : memref<10112x128xf32, #tpu.memory_space<vmem_shared>>) offsets(%arg7 : memref<128xi32, #tpu.memory_space<vmem>>) semaphore(%run_scoped3A : memref<!tpu.dma_semaphore, #tpu.memory_space<semaphore_mem>>) {add = true}
          %dma_wait3A_42 = arith.constant 0 : i32
          %dma_wait3A_43 = arith.constant 0 : i32
          %dma_wait3A_44 = tpu.memref_slice %arg9[%dma_wait3A_42, %dma_wait3A_43] : memref<10112x128xf32, #tpu.memory_space<vmem_shared>> -> memref<10112x128xf32, #tpu.memory_space<vmem_shared>>
          tpu.wait_indirect_dma semaphore(%run_scoped3A : memref<!tpu.dma_semaphore, #tpu.memory_space<semaphore_mem>>) src(%arg8 : memref<128x128xf32, #tpu.memory_space<vmem>>) dst(%dma_wait3A_44 : memref<10112x128xf32, #tpu.memory_space<vmem_shared>>)
          tpu.yield
        }) : () -> ()
      }
      %scan3A_30 = arith.constant 97 : i32
    } else {
    }
    %eq3A_15 = arith.constant 1 : i32
    %eq3A_16 = arith.cmpi eq, %arg0, %eq3A_15 : i32
    %convert_element_type3A_17 = arith.extui %eq3A_16 : i1 to i32
    %cond3A_18 = arith.constant 0 : i32
    %cond3A_19 = arith.cmpi ne, %convert_element_type3A_17, %cond3A_18 : i32
    scf.if %cond3A_19 {
      %mul3A_21 = arith.constant 61 : i32
      %mul3A_22 = arith.muli %arg1, %mul3A_21 : i32
      %add3A_23 = arith.constant 1552 : i32
      %add3A_24 = arith.addi %add3A_23, %mul3A_22 : i32
      %mul3A_25 = arith.constant 128 : i32
      %mul3A_26 = arith.muli %add3A_24, %mul3A_25 : i32
      %scan3A_27 = arith.constant 0 : i32
      %scan3A_28 = arith.constant 0 : i32
      %scan3A_29 = arith.constant 61 : i32
      %scan3A_30 = arith.addi %scan3A_28, %scan3A_29 : i32
      %scan3A_31 = arith.constant 1 : i32
      scf.for %scan3A_33 = %scan3A_28 to %scan3A_30 step %scan3A_31  : i32 {
        %mul3A_34 = arith.constant 128 : i32
        %mul3A_35 = arith.muli %scan3A_33, %mul3A_34 : i32
        %add3A_36 = arith.addi %mul3A_26, %mul3A_35 : i32
        "tpu.region"() ({
          %run_scoped3A = tpu.sem_alloc : memref<!tpu.dma_semaphore, #tpu.memory_space<semaphore_mem>>
          %dma_start3A_41 = tpu.memref_slice %arg2[%add3A_36] : memref<323584xi32, #tpu.memory_space<hbm>> -> memref<128xi32, #tpu.memory_space<hbm>>
          %dma_start3A_42 = tpu.memref_slice %arg2[%add3A_36] : memref<323584xi32, #tpu.memory_space<hbm>> -> memref<128xi32, #tpu.memory_space<hbm>>
          tpu.enqueue_dma source(%dma_start3A_42 : memref<128xi32, #tpu.memory_space<hbm>>) target(%arg6 : memref<128xi32, #tpu.memory_space<vmem>>) target_semaphore(%run_scoped3A : memref<!tpu.dma_semaphore, #tpu.memory_space<semaphore_mem>>)
          %dma_wait3A_43 = tpu.memref_slice %arg2[%add3A_36] : memref<323584xi32, #tpu.memory_space<hbm>> -> memref<128xi32, #tpu.memory_space<hbm>>
          %dma_wait3A_44 = tpu.memref_slice %arg2[%add3A_36] : memref<323584xi32, #tpu.memory_space<hbm>> -> memref<128xi32, #tpu.memory_space<hbm>>
          tpu.wait_dma2 semaphore(%run_scoped3A : memref<!tpu.dma_semaphore, #tpu.memory_space<semaphore_mem>>) src(%dma_wait3A_44 : memref<128xi32, #tpu.memory_space<hbm>>) dst(%arg6 : memref<128xi32, #tpu.memory_space<vmem>>)
          tpu.yield
        }) : () -> ()
        "tpu.region"() ({
          %run_scoped3A = tpu.sem_alloc : memref<!tpu.dma_semaphore, #tpu.memory_space<semaphore_mem>>
          %dma_start3A_41 = tpu.memref_slice %arg3[%add3A_36] : memref<323584xi32, #tpu.memory_space<hbm>> -> memref<128xi32, #tpu.memory_space<hbm>>
          %dma_start3A_42 = tpu.memref_slice %arg3[%add3A_36] : memref<323584xi32, #tpu.memory_space<hbm>> -> memref<128xi32, #tpu.memory_space<hbm>>
          tpu.enqueue_dma source(%dma_start3A_42 : memref<128xi32, #tpu.memory_space<hbm>>) target(%arg7 : memref<128xi32, #tpu.memory_space<vmem>>) target_semaphore(%run_scoped3A : memref<!tpu.dma_semaphore, #tpu.memory_space<semaphore_mem>>)
          %dma_wait3A_43 = tpu.memref_slice %arg3[%add3A_36] : memref<323584xi32, #tpu.memory_space<hbm>> -> memref<128xi32, #tpu.memory_space<hbm>>
          %dma_wait3A_44 = tpu.memref_slice %arg3[%add3A_36] : memref<323584xi32, #tpu.memory_space<hbm>> -> memref<128xi32, #tpu.memory_space<hbm>>
          tpu.wait_dma2 semaphore(%run_scoped3A : memref<!tpu.dma_semaphore, #tpu.memory_space<semaphore_mem>>) src(%dma_wait3A_44 : memref<128xi32, #tpu.memory_space<hbm>>) dst(%arg7 : memref<128xi32, #tpu.memory_space<vmem>>)
          tpu.yield
        }) : () -> ()
        %dma_start3A = arith.constant 0 : i32
        %dma_start3A_37 = arith.constant 0 : i32
        %dma_start3A_38 = tpu.memref_slice %arg4[%dma_start3A, %dma_start3A_37] : memref<40000x128xf32, #tpu.memory_space<hbm>> -> memref<40000x128xf32, #tpu.memory_space<hbm>>
        tpu.enqueue_indirect_dma source(%dma_start3A_38 : memref<40000x128xf32, #tpu.memory_space<hbm>>) target(%arg8 : memref<128x128xf32, #tpu.memory_space<vmem>>) offsets(%arg6 : memref<128xi32, #tpu.memory_space<vmem>>) semaphore(%arg10 : memref<!tpu.dma_semaphore, #tpu.memory_space<semaphore_mem>>)
        %dma_wait3A = arith.constant 0 : i32
        %dma_wait3A_39 = arith.constant 0 : i32
        %dma_wait3A_40 = tpu.memref_slice %arg4[%dma_wait3A, %dma_wait3A_39] : memref<40000x128xf32, #tpu.memory_space<hbm>> -> memref<40000x128xf32, #tpu.memory_space<hbm>>
        tpu.wait_indirect_dma semaphore(%arg10 : memref<!tpu.dma_semaphore, #tpu.memory_space<semaphore_mem>>) src(%dma_wait3A_40 : memref<40000x128xf32, #tpu.memory_space<hbm>>) dst(%arg8 : memref<128x128xf32, #tpu.memory_space<vmem>>)
        "tpu.region"() ({
          %run_scoped3A = tpu.sem_alloc : memref<!tpu.dma_semaphore, #tpu.memory_space<semaphore_mem>>
          %dma_start3A_41 = arith.constant 0 : i32
          %dma_start3A_42 = arith.constant 0 : i32
          %dma_start3A_43 = tpu.memref_slice %arg9[%dma_start3A_41, %dma_start3A_42] : memref<10112x128xf32, #tpu.memory_space<vmem_shared>> -> memref<10112x128xf32, #tpu.memory_space<vmem_shared>>
          tpu.enqueue_indirect_dma source(%arg8 : memref<128x128xf32, #tpu.memory_space<vmem>>) target(%dma_start3A_43 : memref<10112x128xf32, #tpu.memory_space<vmem_shared>>) offsets(%arg7 : memref<128xi32, #tpu.memory_space<vmem>>) semaphore(%run_scoped3A : memref<!tpu.dma_semaphore, #tpu.memory_space<semaphore_mem>>) {add = true}
          %dma_wait3A_44 = arith.constant 0 : i32
          %dma_wait3A_45 = arith.constant 0 : i32
          %dma_wait3A_46 = tpu.memref_slice %arg9[%dma_wait3A_44, %dma_wait3A_45] : memref<10112x128xf32, #tpu.memory_space<vmem_shared>> -> memref<10112x128xf32, #tpu.memory_space<vmem_shared>>
          tpu.wait_indirect_dma semaphore(%run_scoped3A : memref<!tpu.dma_semaphore, #tpu.memory_space<semaphore_mem>>) src(%arg8 : memref<128x128xf32, #tpu.memory_space<vmem>>) dst(%dma_wait3A_46 : memref<10112x128xf32, #tpu.memory_space<vmem_shared>>)
          tpu.yield
        }) : () -> ()
      }
      %scan3A_32 = arith.constant 61 : i32
    } else {
    }
    %barrier3A_20 = arith.constant 0 : index
    tpu.barrier barrier_id(%barrier3A_20)
    "tpu.region"() ({
      %run_scoped3A = tpu.sem_alloc : memref<!tpu.dma_semaphore, #tpu.memory_space<semaphore_mem>>
      %dma_start3A = arith.constant 0 : i32
      %dma_start3A_21 = tpu.memref_slice %arg5[%arg0, %mul3A_5, %dma_start3A] : memref<2x10112x128xf32, #tpu.memory_space<hbm>> -> memref<1x632x128xf32, #tpu.memory_space<hbm>>
      %dma_start3A_22 = tpu.memref_squeeze %dma_start3A_21 : memref<1x632x128xf32, #tpu.memory_space<hbm>> -> memref<632x128xf32, #tpu.memory_space<hbm>>
      %dma_start3A_23 = arith.constant 0 : i32
      %dma_start3A_24 = tpu.memref_slice %arg9[%mul3A_5, %dma_start3A_23] : memref<10112x128xf32, #tpu.memory_space<vmem_shared>> -> memref<632x128xf32, #tpu.memory_space<vmem_shared>>
      tpu.enqueue_dma source(%dma_start3A_24 : memref<632x128xf32, #tpu.memory_space<vmem_shared>>) target(%dma_start3A_22 : memref<632x128xf32, #tpu.memory_space<hbm>>) target_semaphore(%run_scoped3A : memref<!tpu.dma_semaphore, #tpu.memory_space<semaphore_mem>>)
      %dma_wait3A = arith.constant 0 : i32
      %dma_wait3A_25 = tpu.memref_slice %arg5[%arg0, %mul3A_5, %dma_wait3A] : memref<2x10112x128xf32, #tpu.memory_space<hbm>> -> memref<1x632x128xf32, #tpu.memory_space<hbm>>
      %dma_wait3A_26 = tpu.memref_squeeze %dma_wait3A_25 : memref<1x632x128xf32, #tpu.memory_space<hbm>> -> memref<632x128xf32, #tpu.memory_space<hbm>>
      %dma_wait3A_27 = arith.constant 0 : i32
      %dma_wait3A_28 = tpu.memref_slice %arg9[%mul3A_5, %dma_wait3A_27] : memref<10112x128xf32, #tpu.memory_space<vmem_shared>> -> memref<632x128xf32, #tpu.memory_space<vmem_shared>>
      tpu.wait_dma2 semaphore(%run_scoped3A : memref<!tpu.dma_semaphore, #tpu.memory_space<semaphore_mem>>) src(%dma_wait3A_28 : memref<632x128xf32, #tpu.memory_space<vmem_shared>>) dst(%dma_wait3A_26 : memref<632x128xf32, #tpu.memory_space<hbm>>)
      tpu.yield
    }) : () -> ()
    return
  }
}

module attributes {stable_mosaic.version = 14 : i64} {
  func.func @_trans_body(%arg0: i32, %arg1: memref<1000x128xf32, #tpu.memory_space<vmem>>, %arg2: memref<4x128x128xf32, #tpu.memory_space<vmem>>, %arg3: memref<4x1000x128xf32, #tpu.memory_space<vmem>>) attributes {dimension_semantics = [#tpu.dimension_semantics<arbitrary>], iteration_bounds = array<i64: 10>, scalar_prefetch = 0 : i64, scratch_operands = 0 : i64, tpu.core_type = #tpu.core_type<tc>, window_params = [{transform_indices = @transform_0, window_bounds = array<i64: 1000, 128>}, {pipeline_mode = #tpu.pipeline_mode<synchronous>, transform_indices = @transform_1, window_bounds = array<i64: 4, 128, 128>}, {transform_indices = @transform_2, window_bounds = array<i64: 4, 1000, 128>}]} {
    %get3A = arith.constant 0 : index
    %get3A_0 = arith.constant 0 : index
    %get3A_1 = vector.load %arg1[%get3A, %get3A_0] : memref<1000x128xf32, #tpu.memory_space<vmem>>, vector<1000x128xf32>
    %get3A_2 = arith.constant 0 : index
    %get3A_3 = arith.constant 0 : index
    %get3A_4 = arith.constant 0 : index
    %get3A_5 = vector.load %arg2[%get3A_2, %get3A_3, %get3A_4] : memref<4x128x128xf32, #tpu.memory_space<vmem>>, vector<1x128x128xf32>
    %get3A_6 = vector.shape_cast %get3A_5 : vector<1x128x128xf32> to vector<128x128xf32>
    %dot_general3A = arith.constant dense<0.000000e+00> : vector<1000x128xf32>
    %dot_general3A_7 = tpu.matmul %get3A_1, %get3A_6, %dot_general3A {dimension_numbers = #tpu.dot_dimension_numbers<[1], [0], [0], [1], [0, 0, 1, 1], [], []>, transpose_lhs_hint = false} : vector<1000x128xf32>, vector<128x128xf32>, vector<1000x128xf32> -> vector<1000x128xf32>
    %swap3A = arith.constant 0 : index
    %swap3A_8 = arith.constant 0 : index
    %swap3A_9 = arith.constant 0 : index
    %swap3A_10 = vector.load %arg3[%swap3A, %swap3A_8, %swap3A_9] : memref<4x1000x128xf32, #tpu.memory_space<vmem>>, vector<1x1000x128xf32>
    %swap3A_11 = vector.shape_cast %swap3A_10 : vector<1x1000x128xf32> to vector<1000x128xf32>
    %swap3A_12 = vector.shape_cast %dot_general3A_7 : vector<1000x128xf32> to vector<1x1000x128xf32>
    tpu.vector_store %arg3[%swap3A, %swap3A_8, %swap3A_9], %swap3A_12 {strides = array<i32>} : memref<4x1000x128xf32, #tpu.memory_space<vmem>>, vector<1x1000x128xf32>,
    %get3A_13 = arith.constant 1 : index
    %get3A_14 = arith.constant 0 : index
    %get3A_15 = arith.constant 0 : index
    %get3A_16 = vector.load %arg2[%get3A_13, %get3A_14, %get3A_15] : memref<4x128x128xf32, #tpu.memory_space<vmem>>, vector<1x128x128xf32>
    %get3A_17 = vector.shape_cast %get3A_16 : vector<1x128x128xf32> to vector<128x128xf32>
    %dot_general3A_18 = arith.constant dense<0.000000e+00> : vector<1000x128xf32>
    %dot_general3A_19 = tpu.matmul %get3A_1, %get3A_17, %dot_general3A_18 {dimension_numbers = #tpu.dot_dimension_numbers<[1], [0], [0], [1], [0, 0, 1, 1], [], []>, transpose_lhs_hint = false} : vector<1000x128xf32>, vector<128x128xf32>, vector<1000x128xf32> -> vector<1000x128xf32>
    %swap3A_20 = arith.constant 1 : index
    %swap3A_21 = arith.constant 0 : index
    %swap3A_22 = arith.constant 0 : index
    %swap3A_23 = vector.load %arg3[%swap3A_20, %swap3A_21, %swap3A_22] : memref<4x1000x128xf32, #tpu.memory_space<vmem>>, vector<1x1000x128xf32>
    %swap3A_24 = vector.shape_cast %swap3A_23 : vector<1x1000x128xf32> to vector<1000x128xf32>
    %swap3A_25 = vector.shape_cast %dot_general3A_19 : vector<1000x128xf32> to vector<1x1000x128xf32>
    tpu.vector_store %arg3[%swap3A_20, %swap3A_21, %swap3A_22], %swap3A_25 {strides = array<i32>} : memref<4x1000x128xf32, #tpu.memory_space<vmem>>, vector<1x1000x128xf32>,
    %get3A_26 = arith.constant 2 : index
    %get3A_27 = arith.constant 0 : index
    %get3A_28 = arith.constant 0 : index
    %get3A_29 = vector.load %arg2[%get3A_26, %get3A_27, %get3A_28] : memref<4x128x128xf32, #tpu.memory_space<vmem>>, vector<1x128x128xf32>
    %get3A_30 = vector.shape_cast %get3A_29 : vector<1x128x128xf32> to vector<128x128xf32>
    %dot_general3A_31 = arith.constant dense<0.000000e+00> : vector<1000x128xf32>
    %dot_general3A_32 = tpu.matmul %get3A_1, %get3A_30, %dot_general3A_31 {dimension_numbers = #tpu.dot_dimension_numbers<[1], [0], [0], [1], [0, 0, 1, 1], [], []>, transpose_lhs_hint = false} : vector<1000x128xf32>, vector<128x128xf32>, vector<1000x128xf32> -> vector<1000x128xf32>
    %swap3A_33 = arith.constant 2 : index
    %swap3A_34 = arith.constant 0 : index
    %swap3A_35 = arith.constant 0 : index
    %swap3A_36 = vector.load %arg3[%swap3A_33, %swap3A_34, %swap3A_35] : memref<4x1000x128xf32, #tpu.memory_space<vmem>>, vector<1x1000x128xf32>
    %swap3A_37 = vector.shape_cast %swap3A_36 : vector<1x1000x128xf32> to vector<1000x128xf32>
    %swap3A_38 = vector.shape_cast %dot_general3A_32 : vector<1000x128xf32> to vector<1x1000x128xf32>
    tpu.vector_store %arg3[%swap3A_33, %swap3A_34, %swap3A_35], %swap3A_38 {strides = array<i32>} : memref<4x1000x128xf32, #tpu.memory_space<vmem>>, vector<1x1000x128xf32>,
    %get3A_39 = arith.constant 3 : index
    %get3A_40 = arith.constant 0 : index
    %get3A_41 = arith.constant 0 : index
    %get3A_42 = vector.load %arg2[%get3A_39, %get3A_40, %get3A_41] : memref<4x128x128xf32, #tpu.memory_space<vmem>>, vector<1x128x128xf32>
    %get3A_43 = vector.shape_cast %get3A_42 : vector<1x128x128xf32> to vector<128x128xf32>
    %dot_general3A_44 = arith.constant dense<0.000000e+00> : vector<1000x128xf32>
    %dot_general3A_45 = tpu.matmul %get3A_1, %get3A_43, %dot_general3A_44 {dimension_numbers = #tpu.dot_dimension_numbers<[1], [0], [0], [1], [0, 0, 1, 1], [], []>, transpose_lhs_hint = false} : vector<1000x128xf32>, vector<128x128xf32>, vector<1000x128xf32> -> vector<1000x128xf32>
    %swap3A_46 = arith.constant 3 : index
    %swap3A_47 = arith.constant 0 : index
    %swap3A_48 = arith.constant 0 : index
    %swap3A_49 = vector.load %arg3[%swap3A_46, %swap3A_47, %swap3A_48] : memref<4x1000x128xf32, #tpu.memory_space<vmem>>, vector<1x1000x128xf32>
    %swap3A_50 = vector.shape_cast %swap3A_49 : vector<1x1000x128xf32> to vector<1000x128xf32>
    %swap3A_51 = vector.shape_cast %dot_general3A_45 : vector<1000x128xf32> to vector<1x1000x128xf32>
    tpu.vector_store %arg3[%swap3A_46, %swap3A_47, %swap3A_48], %swap3A_51 {strides = array<i32>} : memref<4x1000x128xf32, #tpu.memory_space<vmem>>, vector<1x1000x128xf32>,
    return
  }
  func.func @transform_0(%arg0: i32) -> (i32, i32) {
    %c0_i32 = arith.constant 0 : i32
    %c0_i32_0 = arith.constant 0 : i32
    return %arg0, %c0_i32 : i32, i32
  }
  func.func @transform_1(%arg0: i32) -> (i32, i32, i32) {
    %c0_i32 = arith.constant 0 : i32
    %c0_i32_0 = arith.constant 0 : i32
    %c0_i32_1 = arith.constant 0 : i32
    %c0_i32_2 = arith.constant 0 : i32
    return %c0_i32, %c0_i32_0, %c0_i32_1 : i32, i32, i32
  }
  func.func @transform_2(%arg0: i32) -> (i32, i32, i32) {
    %c0_i32 = arith.constant 0 : i32
    %c0_i32_0 = arith.constant 0 : i32
    %c0_i32_1 = arith.constant 0 : i32
    return %c0_i32, %arg0, %c0_i32_0 : i32, i32, i32
  }
}

module attributes {stable_mosaic.version = 14 : i64} {
  func.func @_gru_trans_body(%arg0: i32, %arg1: memref<1000x128xf32, #tpu.memory_space<vmem>>, %arg2: memref<2x1000x128xf32, #tpu.memory_space<vmem>>, %arg3: memref<4x128x128xf32, #tpu.memory_space<vmem>>, %arg4: memref<128x128xf32, #tpu.memory_space<vmem>>, %arg5: memref<128x128xf32, #tpu.memory_space<vmem>>, %arg6: memref<1x128xf32, #tpu.memory_space<vmem>>, %arg7: memref<128x128xf32, #tpu.memory_space<vmem>>, %arg8: memref<128x128xf32, #tpu.memory_space<vmem>>, %arg9: memref<1x128xf32, #tpu.memory_space<vmem>>, %arg10: memref<128x128xf32, #tpu.memory_space<vmem>>, %arg11: memref<128x128xf32, #tpu.memory_space<vmem>>, %arg12: memref<1x128xf32, #tpu.memory_space<vmem>>, %arg13: memref<1000x128xf32, #tpu.memory_space<vmem>>, %arg14: memref<4x1000x128xf32, #tpu.memory_space<vmem>>) attributes {dimension_semantics = [#tpu.dimension_semantics<arbitrary>], iteration_bounds = array<i64: 10>, scalar_prefetch = 0 : i64, scratch_operands = 0 : i64, tpu.core_type = #tpu.core_type<tc>, window_params = [{transform_indices = @transform_0, window_bounds = array<i64: 1000, 128>}, {transform_indices = @transform_1, window_bounds = array<i64: 2, 1000, 128>}, {pipeline_mode = #tpu.pipeline_mode<synchronous>, transform_indices = @transform_2, window_bounds = array<i64: 4, 128, 128>}, {pipeline_mode = #tpu.pipeline_mode<synchronous>, transform_indices = @transform_3, window_bounds = array<i64: 128, 128>}, {pipeline_mode = #tpu.pipeline_mode<synchronous>, transform_indices = @transform_4, window_bounds = array<i64: 128, 128>}, {pipeline_mode = #tpu.pipeline_mode<synchronous>, transform_indices = @transform_5, window_bounds = array<i64: 1, 128>}, {pipeline_mode = #tpu.pipeline_mode<synchronous>, transform_indices = @transform_6, window_bounds = array<i64: 128, 128>}, {pipeline_mode = #tpu.pipeline_mode<synchronous>, transform_indices = @transform_7, window_bounds = array<i64: 128, 128>}, {pipeline_mode = #tpu.pipeline_mode<synchronous>, transform_indices = @transform_8, window_bounds = array<i64: 1, 128>}, {pipeline_mode = #tpu.pipeline_mode<synchronous>, transform_indices = @transform_9, window_bounds = array<i64: 128, 128>}, {pipeline_mode = #tpu.pipeline_mode<synchronous>, transform_indices = @transform_10, window_bounds = array<i64: 128, 128>}, {pipeline_mode = #tpu.pipeline_mode<synchronous>, transform_indices = @transform_11, window_bounds = array<i64: 1, 128>}, {transform_indices = @transform_12, window_bounds = array<i64: 1000, 128>}, {transform_indices = @transform_13, window_bounds = array<i64: 4, 1000, 128>}]} {
    %get3A = arith.constant 0 : index
    %get3A_0 = arith.constant 0 : index
    %get3A_1 = vector.load %arg1[%get3A, %get3A_0] : memref<1000x128xf32, #tpu.memory_space<vmem>>, vector<1000x128xf32>
    %get3A_2 = arith.constant 0 : index
    %get3A_3 = arith.constant 0 : index
    %get3A_4 = arith.constant 0 : index
    %get3A_5 = vector.load %arg2[%get3A_2, %get3A_3, %get3A_4] : memref<2x1000x128xf32, #tpu.memory_space<vmem>>, vector<1x1000x128xf32>
    %get3A_6 = vector.shape_cast %get3A_5 : vector<1x1000x128xf32> to vector<1000x128xf32>
    %get3A_7 = arith.constant 1 : index
    %get3A_8 = arith.constant 0 : index
    %get3A_9 = arith.constant 0 : index
    %get3A_10 = vector.load %arg2[%get3A_7, %get3A_8, %get3A_9] : memref<2x1000x128xf32, #tpu.memory_space<vmem>>, vector<1x1000x128xf32>
    %get3A_11 = vector.shape_cast %get3A_10 : vector<1x1000x128xf32> to vector<1000x128xf32>
    %add3A = arith.addf %get3A_6, %get3A_11 : vector<1000x128xf32>
    %get3A_12 = arith.constant 0 : index
    %get3A_13 = arith.constant 0 : index
    %get3A_14 = vector.load %arg4[%get3A_12, %get3A_13] : memref<128x128xf32, #tpu.memory_space<vmem>>, vector<128x128xf32>
    %dot_general3A = arith.constant dense<0.000000e+00> : vector<1000x128xf32>
    %dot_general3A_15 = tpu.matmul %add3A, %get3A_14, %dot_general3A {dimension_numbers = #tpu.dot_dimension_numbers<[1], [0], [0], [1], [0, 0, 1, 1], [], []>, transpose_lhs_hint = false} : vector<1000x128xf32>, vector<128x128xf32>, vector<1000x128xf32> -> vector<1000x128xf32>
    %get3A_16 = arith.constant 0 : index
    %get3A_17 = arith.constant 0 : index
    %get3A_18 = vector.load %arg5[%get3A_16, %get3A_17] : memref<128x128xf32, #tpu.memory_space<vmem>>, vector<128x128xf32>
    %dot_general3A_19 = arith.constant dense<0.000000e+00> : vector<1000x128xf32>
    %dot_general3A_20 = tpu.matmul %get3A_1, %get3A_18, %dot_general3A_19 {dimension_numbers = #tpu.dot_dimension_numbers<[1], [0], [0], [1], [0, 0, 1, 1], [], []>, transpose_lhs_hint = false} : vector<1000x128xf32>, vector<128x128xf32>, vector<1000x128xf32> -> vector<1000x128xf32>
    %add3A_21 = arith.addf %dot_general3A_15, %dot_general3A_20 : vector<1000x128xf32>
    %get3A_22 = arith.constant 0 : index
    %get3A_23 = arith.constant 0 : index
    %get3A_24 = vector.load %arg6[%get3A_22, %get3A_23] : memref<1x128xf32, #tpu.memory_space<vmem>>, vector<1x128xf32>
    %add3A_25 = vector.broadcast %get3A_24 : vector<1x128xf32> to vector<1000x128xf32>
    %add3A_26 = arith.addf %add3A_21, %add3A_25 : vector<1000x128xf32>
    %logistic3A = arith.negf %add3A_26 : vector<1000x128xf32>
    %logistic3A_27 = math.exp %logistic3A : vector<1000x128xf32>
    %logistic3A_28 = arith.constant 1.000000e+00 : f32
    %logistic3A_29 = vector.broadcast %logistic3A_28 : f32 to vector<1000x128xf32>
    %logistic3A_30 = arith.addf %logistic3A_29, %logistic3A_27 : vector<1000x128xf32>
    %logistic3A_31 = arith.divf %logistic3A_29, %logistic3A_30 : vector<1000x128xf32>
    %get3A_32 = arith.constant 0 : index
    %get3A_33 = arith.constant 0 : index
    %get3A_34 = vector.load %arg7[%get3A_32, %get3A_33] : memref<128x128xf32, #tpu.memory_space<vmem>>, vector<128x128xf32>
    %dot_general3A_35 = arith.constant dense<0.000000e+00> : vector<1000x128xf32>
    %dot_general3A_36 = tpu.matmul %add3A, %get3A_34, %dot_general3A_35 {dimension_numbers = #tpu.dot_dimension_numbers<[1], [0], [0], [1], [0, 0, 1, 1], [], []>, transpose_lhs_hint = false} : vector<1000x128xf32>, vector<128x128xf32>, vector<1000x128xf32> -> vector<1000x128xf32>
    %get3A_37 = arith.constant 0 : index
    %get3A_38 = arith.constant 0 : index
    %get3A_39 = vector.load %arg8[%get3A_37, %get3A_38] : memref<128x128xf32, #tpu.memory_space<vmem>>, vector<128x128xf32>
    %dot_general3A_40 = arith.constant dense<0.000000e+00> : vector<1000x128xf32>
    %dot_general3A_41 = tpu.matmul %get3A_1, %get3A_39, %dot_general3A_40 {dimension_numbers = #tpu.dot_dimension_numbers<[1], [0], [0], [1], [0, 0, 1, 1], [], []>, transpose_lhs_hint = false} : vector<1000x128xf32>, vector<128x128xf32>, vector<1000x128xf32> -> vector<1000x128xf32>
    %add3A_42 = arith.addf %dot_general3A_36, %dot_general3A_41 : vector<1000x128xf32>
    %get3A_43 = arith.constant 0 : index
    %get3A_44 = arith.constant 0 : index
    %get3A_45 = vector.load %arg9[%get3A_43, %get3A_44] : memref<1x128xf32, #tpu.memory_space<vmem>>, vector<1x128xf32>
    %add3A_46 = vector.broadcast %get3A_45 : vector<1x128xf32> to vector<1000x128xf32>
    %add3A_47 = arith.addf %add3A_42, %add3A_46 : vector<1000x128xf32>
    %logistic3A_48 = arith.negf %add3A_47 : vector<1000x128xf32>
    %logistic3A_49 = math.exp %logistic3A_48 : vector<1000x128xf32>
    %logistic3A_50 = arith.constant 1.000000e+00 : f32
    %logistic3A_51 = vector.broadcast %logistic3A_50 : f32 to vector<1000x128xf32>
    %logistic3A_52 = arith.addf %logistic3A_51, %logistic3A_49 : vector<1000x128xf32>
    %logistic3A_53 = arith.divf %logistic3A_51, %logistic3A_52 : vector<1000x128xf32>
    %get3A_54 = arith.constant 0 : index
    %get3A_55 = arith.constant 0 : index
    %get3A_56 = vector.load %arg10[%get3A_54, %get3A_55] : memref<128x128xf32, #tpu.memory_space<vmem>>, vector<128x128xf32>
    %dot_general3A_57 = arith.constant dense<0.000000e+00> : vector<1000x128xf32>
    %dot_general3A_58 = tpu.matmul %add3A, %get3A_56, %dot_general3A_57 {dimension_numbers = #tpu.dot_dimension_numbers<[1], [0], [0], [1], [0, 0, 1, 1], [], []>, transpose_lhs_hint = false} : vector<1000x128xf32>, vector<128x128xf32>, vector<1000x128xf32> -> vector<1000x128xf32>
    %mul3A = arith.mulf %logistic3A_53, %get3A_1 : vector<1000x128xf32>
    %get3A_59 = arith.constant 0 : index
    %get3A_60 = arith.constant 0 : index
    %get3A_61 = vector.load %arg11[%get3A_59, %get3A_60] : memref<128x128xf32, #tpu.memory_space<vmem>>, vector<128x128xf32>
    %dot_general3A_62 = arith.constant dense<0.000000e+00> : vector<1000x128xf32>
    %dot_general3A_63 = tpu.matmul %mul3A, %get3A_61, %dot_general3A_62 {dimension_numbers = #tpu.dot_dimension_numbers<[1], [0], [0], [1], [0, 0, 1, 1], [], []>, transpose_lhs_hint = false} : vector<1000x128xf32>, vector<128x128xf32>, vector<1000x128xf32> -> vector<1000x128xf32>
    %add3A_64 = arith.addf %dot_general3A_58, %dot_general3A_63 : vector<1000x128xf32>
    %get3A_65 = arith.constant 0 : index
    %get3A_66 = arith.constant 0 : index
    %get3A_67 = vector.load %arg12[%get3A_65, %get3A_66] : memref<1x128xf32, #tpu.memory_space<vmem>>, vector<1x128xf32>
    %add3A_68 = vector.broadcast %get3A_67 : vector<1x128xf32> to vector<1000x128xf32>
    %add3A_69 = arith.addf %add3A_64, %add3A_68 : vector<1000x128xf32>
    %tanh3A = math.tanh %add3A_69 : vector<1000x128xf32>
    %sub3A = arith.constant 1.000000e+00 : f32
    %sub3A_70 = vector.broadcast %sub3A : f32 to vector<1000x128xf32>
    %sub3A_71 = arith.subf %sub3A_70, %logistic3A_31 : vector<1000x128xf32>
    %mul3A_72 = arith.mulf %sub3A_71, %get3A_1 : vector<1000x128xf32>
    %mul3A_73 = arith.mulf %logistic3A_31, %tanh3A : vector<1000x128xf32>
    %add3A_74 = arith.addf %mul3A_72, %mul3A_73 : vector<1000x128xf32>
    %swap3A = arith.constant 0 : index
    %swap3A_75 = arith.constant 0 : index
    %swap3A_76 = vector.load %arg13[%swap3A, %swap3A_75] : memref<1000x128xf32, #tpu.memory_space<vmem>>, vector<1000x128xf32>
    tpu.vector_store %arg13[%swap3A, %swap3A_75], %add3A_74 {strides = array<i32>} : memref<1000x128xf32, #tpu.memory_space<vmem>>, vector<1000x128xf32>,
    %get3A_77 = arith.constant 0 : index
    %get3A_78 = arith.constant 0 : index
    %get3A_79 = arith.constant 0 : index
    %get3A_80 = vector.load %arg3[%get3A_77, %get3A_78, %get3A_79] : memref<4x128x128xf32, #tpu.memory_space<vmem>>, vector<1x128x128xf32>
    %get3A_81 = vector.shape_cast %get3A_80 : vector<1x128x128xf32> to vector<128x128xf32>
    %dot_general3A_82 = arith.constant dense<0.000000e+00> : vector<1000x128xf32>
    %dot_general3A_83 = tpu.matmul %add3A_74, %get3A_81, %dot_general3A_82 {dimension_numbers = #tpu.dot_dimension_numbers<[1], [0], [0], [1], [0, 0, 1, 1], [], []>, transpose_lhs_hint = false} : vector<1000x128xf32>, vector<128x128xf32>, vector<1000x128xf32> -> vector<1000x128xf32>
    %swap3A_84 = arith.constant 0 : index
    %swap3A_85 = arith.constant 0 : index
    %swap3A_86 = arith.constant 0 : index
    %swap3A_87 = vector.load %arg14[%swap3A_84, %swap3A_85, %swap3A_86] : memref<4x1000x128xf32, #tpu.memory_space<vmem>>, vector<1x1000x128xf32>
    %swap3A_88 = vector.shape_cast %swap3A_87 : vector<1x1000x128xf32> to vector<1000x128xf32>
    %swap3A_89 = vector.shape_cast %dot_general3A_83 : vector<1000x128xf32> to vector<1x1000x128xf32>
    tpu.vector_store %arg14[%swap3A_84, %swap3A_85, %swap3A_86], %swap3A_89 {strides = array<i32>} : memref<4x1000x128xf32, #tpu.memory_space<vmem>>, vector<1x1000x128xf32>,
    %get3A_90 = arith.constant 1 : index
    %get3A_91 = arith.constant 0 : index
    %get3A_92 = arith.constant 0 : index
    %get3A_93 = vector.load %arg3[%get3A_90, %get3A_91, %get3A_92] : memref<4x128x128xf32, #tpu.memory_space<vmem>>, vector<1x128x128xf32>
    %get3A_94 = vector.shape_cast %get3A_93 : vector<1x128x128xf32> to vector<128x128xf32>
    %dot_general3A_95 = arith.constant dense<0.000000e+00> : vector<1000x128xf32>
    %dot_general3A_96 = tpu.matmul %add3A_74, %get3A_94, %dot_general3A_95 {dimension_numbers = #tpu.dot_dimension_numbers<[1], [0], [0], [1], [0, 0, 1, 1], [], []>, transpose_lhs_hint = false} : vector<1000x128xf32>, vector<128x128xf32>, vector<1000x128xf32> -> vector<1000x128xf32>
    %swap3A_97 = arith.constant 1 : index
    %swap3A_98 = arith.constant 0 : index
    %swap3A_99 = arith.constant 0 : index
    %swap3A_100 = vector.load %arg14[%swap3A_97, %swap3A_98, %swap3A_99] : memref<4x1000x128xf32, #tpu.memory_space<vmem>>, vector<1x1000x128xf32>
    %swap3A_101 = vector.shape_cast %swap3A_100 : vector<1x1000x128xf32> to vector<1000x128xf32>
    %swap3A_102 = vector.shape_cast %dot_general3A_96 : vector<1000x128xf32> to vector<1x1000x128xf32>
    tpu.vector_store %arg14[%swap3A_97, %swap3A_98, %swap3A_99], %swap3A_102 {strides = array<i32>} : memref<4x1000x128xf32, #tpu.memory_space<vmem>>, vector<1x1000x128xf32>,
    %get3A_103 = arith.constant 2 : index
    %get3A_104 = arith.constant 0 : index
    %get3A_105 = arith.constant 0 : index
    %get3A_106 = vector.load %arg3[%get3A_103, %get3A_104, %get3A_105] : memref<4x128x128xf32, #tpu.memory_space<vmem>>, vector<1x128x128xf32>
    %get3A_107 = vector.shape_cast %get3A_106 : vector<1x128x128xf32> to vector<128x128xf32>
    %dot_general3A_108 = arith.constant dense<0.000000e+00> : vector<1000x128xf32>
    %dot_general3A_109 = tpu.matmul %add3A_74, %get3A_107, %dot_general3A_108 {dimension_numbers = #tpu.dot_dimension_numbers<[1], [0], [0], [1], [0, 0, 1, 1], [], []>, transpose_lhs_hint = false} : vector<1000x128xf32>, vector<128x128xf32>, vector<1000x128xf32> -> vector<1000x128xf32>
    %swap3A_110 = arith.constant 2 : index
    %swap3A_111 = arith.constant 0 : index
    %swap3A_112 = arith.constant 0 : index
    %swap3A_113 = vector.load %arg14[%swap3A_110, %swap3A_111, %swap3A_112] : memref<4x1000x128xf32, #tpu.memory_space<vmem>>, vector<1x1000x128xf32>
    %swap3A_114 = vector.shape_cast %swap3A_113 : vector<1x1000x128xf32> to vector<1000x128xf32>
    %swap3A_115 = vector.shape_cast %dot_general3A_109 : vector<1000x128xf32> to vector<1x1000x128xf32>
    tpu.vector_store %arg14[%swap3A_110, %swap3A_111, %swap3A_112], %swap3A_115 {strides = array<i32>} : memref<4x1000x128xf32, #tpu.memory_space<vmem>>, vector<1x1000x128xf32>,
    %get3A_116 = arith.constant 3 : index
    %get3A_117 = arith.constant 0 : index
    %get3A_118 = arith.constant 0 : index
    %get3A_119 = vector.load %arg3[%get3A_116, %get3A_117, %get3A_118] : memref<4x128x128xf32, #tpu.memory_space<vmem>>, vector<1x128x128xf32>
    %get3A_120 = vector.shape_cast %get3A_119 : vector<1x128x128xf32> to vector<128x128xf32>
    %dot_general3A_121 = arith.constant dense<0.000000e+00> : vector<1000x128xf32>
    %dot_general3A_122 = tpu.matmul %add3A_74, %get3A_120, %dot_general3A_121 {dimension_numbers = #tpu.dot_dimension_numbers<[1], [0], [0], [1], [0, 0, 1, 1], [], []>, transpose_lhs_hint = false} : vector<1000x128xf32>, vector<128x128xf32>, vector<1000x128xf32> -> vector<1000x128xf32>
    %swap3A_123 = arith.constant 3 : index
    %swap3A_124 = arith.constant 0 : index
    %swap3A_125 = arith.constant 0 : index
    %swap3A_126 = vector.load %arg14[%swap3A_123, %swap3A_124, %swap3A_125] : memref<4x1000x128xf32, #tpu.memory_space<vmem>>, vector<1x1000x128xf32>
    %swap3A_127 = vector.shape_cast %swap3A_126 : vector<1x1000x128xf32> to vector<1000x128xf32>
    %swap3A_128 = vector.shape_cast %dot_general3A_122 : vector<1000x128xf32> to vector<1x1000x128xf32>
    tpu.vector_store %arg14[%swap3A_123, %swap3A_124, %swap3A_125], %swap3A_128 {strides = array<i32>} : memref<4x1000x128xf32, #tpu.memory_space<vmem>>, vector<1x1000x128xf32>,
    return
  }
  func.func @transform_0(%arg0: i32) -> (i32, i32) {
    %c0_i32 = arith.constant 0 : i32
    %c0_i32_0 = arith.constant 0 : i32
    return %arg0, %c0_i32 : i32, i32
  }
  func.func @transform_1(%arg0: i32) -> (i32, i32, i32) {
    %c0_i32 = arith.constant 0 : i32
    %c0_i32_0 = arith.constant 0 : i32
    %c0_i32_1 = arith.constant 0 : i32
    return %c0_i32, %arg0, %c0_i32_0 : i32, i32, i32
  }
  func.func @transform_2(%arg0: i32) -> (i32, i32, i32) {
    %c0_i32 = arith.constant 0 : i32
    %c0_i32_0 = arith.constant 0 : i32
    %c0_i32_1 = arith.constant 0 : i32
    %c0_i32_2 = arith.constant 0 : i32
    return %c0_i32, %c0_i32_0, %c0_i32_1 : i32, i32, i32
  }
  func.func @transform_3(%arg0: i32) -> (i32, i32) {
    %c0_i32 = arith.constant 0 : i32
    %c0_i32_0 = arith.constant 0 : i32
    %c0_i32_1 = arith.constant 0 : i32
    return %c0_i32, %c0_i32_0 : i32, i32
  }
  func.func @transform_4(%arg0: i32) -> (i32, i32) {
    %c0_i32 = arith.constant 0 : i32
    %c0_i32_0 = arith.constant 0 : i32
    %c0_i32_1 = arith.constant 0 : i32
    return %c0_i32, %c0_i32_0 : i32, i32
  }
  func.func @transform_5(%arg0: i32) -> (i32, i32) {
    %c0_i32 = arith.constant 0 : i32
    %c0_i32_0 = arith.constant 0 : i32
    %c0_i32_1 = arith.constant 0 : i32
    return %c0_i32, %c0_i32_0 : i32, i32
  }
  func.func @transform_6(%arg0: i32) -> (i32, i32) {
    %c0_i32 = arith.constant 0 : i32
    %c0_i32_0 = arith.constant 0 : i32
    %c0_i32_1 = arith.constant 0 : i32
    return %c0_i32, %c0_i32_0 : i32, i32
  }
  func.func @transform_7(%arg0: i32) -> (i32, i32) {
    %c0_i32 = arith.constant 0 : i32
    %c0_i32_0 = arith.constant 0 : i32
    %c0_i32_1 = arith.constant 0 : i32
    return %c0_i32, %c0_i32_0 : i32, i32
  }
  func.func @transform_8(%arg0: i32) -> (i32, i32) {
    %c0_i32 = arith.constant 0 : i32
    %c0_i32_0 = arith.constant 0 : i32
    %c0_i32_1 = arith.constant 0 : i32
    return %c0_i32, %c0_i32_0 : i32, i32
  }
  func.func @transform_9(%arg0: i32) -> (i32, i32) {
    %c0_i32 = arith.constant 0 : i32
    %c0_i32_0 = arith.constant 0 : i32
    %c0_i32_1 = arith.constant 0 : i32
    return %c0_i32, %c0_i32_0 : i32, i32
  }
  func.func @transform_10(%arg0: i32) -> (i32, i32) {
    %c0_i32 = arith.constant 0 : i32
    %c0_i32_0 = arith.constant 0 : i32
    %c0_i32_1 = arith.constant 0 : i32
    return %c0_i32, %c0_i32_0 : i32, i32
  }
  func.func @transform_11(%arg0: i32) -> (i32, i32) {
    %c0_i32 = arith.constant 0 : i32
    %c0_i32_0 = arith.constant 0 : i32
    %c0_i32_1 = arith.constant 0 : i32
    return %c0_i32, %c0_i32_0 : i32, i32
  }
  func.func @transform_12(%arg0: i32) -> (i32, i32) {
    %c0_i32 = arith.constant 0 : i32
    %c0_i32_0 = arith.constant 0 : i32
    return %arg0, %c0_i32 : i32, i32
  }
  func.func @transform_13(%arg0: i32) -> (i32, i32, i32) {
    %c0_i32 = arith.constant 0 : i32
    %c0_i32_0 = arith.constant 0 : i32
    %c0_i32_1 = arith.constant 0 : i32
    return %c0_i32, %arg0, %c0_i32_0 : i32, i32, i32
  }
}

module attributes {stable_mosaic.version = 14 : i64} {
  func.func @_gru_readout_body(%arg0: i32, %arg1: memref<1000x128xf32, #tpu.memory_space<vmem>>, %arg2: memref<2x1000x128xf32, #tpu.memory_space<vmem>>, %arg3: memref<128x128xf32, #tpu.memory_space<vmem>>, %arg4: memref<128x128xf32, #tpu.memory_space<vmem>>, %arg5: memref<1x128xf32, #tpu.memory_space<vmem>>, %arg6: memref<128x128xf32, #tpu.memory_space<vmem>>, %arg7: memref<128x128xf32, #tpu.memory_space<vmem>>, %arg8: memref<1x128xf32, #tpu.memory_space<vmem>>, %arg9: memref<128x128xf32, #tpu.memory_space<vmem>>, %arg10: memref<128x128xf32, #tpu.memory_space<vmem>>, %arg11: memref<1x128xf32, #tpu.memory_space<vmem>>, %arg12: memref<128x1xf32, #tpu.memory_space<vmem>>, %arg13: memref<1x1xf32, #tpu.memory_space<vmem>>, %arg14: memref<128x1xf32, #tpu.memory_space<vmem>>, %arg15: memref<1x1xf32, #tpu.memory_space<vmem>>, %arg16: memref<1x512xf32, #tpu.memory_space<vmem>>, %arg17: memref<256x1xf32, #tpu.memory_space<vmem>>) attributes {dimension_semantics = [#tpu.dimension_semantics<arbitrary>], iteration_bounds = array<i64: 10>, scalar_prefetch = 0 : i64, scratch_operands = 0 : i64, tpu.core_type = #tpu.core_type<tc>, window_params = [{transform_indices = @transform_0, window_bounds = array<i64: 1000, 128>}, {transform_indices = @transform_1, window_bounds = array<i64: 2, 1000, 128>}, {pipeline_mode = #tpu.pipeline_mode<synchronous>, transform_indices = @transform_2, window_bounds = array<i64: 128, 128>}, {pipeline_mode = #tpu.pipeline_mode<synchronous>, transform_indices = @transform_3, window_bounds = array<i64: 128, 128>}, {pipeline_mode = #tpu.pipeline_mode<synchronous>, transform_indices = @transform_4, window_bounds = array<i64: 1, 128>}, {pipeline_mode = #tpu.pipeline_mode<synchronous>, transform_indices = @transform_5, window_bounds = array<i64: 128, 128>}, {pipeline_mode = #tpu.pipeline_mode<synchronous>, transform_indices = @transform_6, window_bounds = array<i64: 128, 128>}, {pipeline_mode = #tpu.pipeline_mode<synchronous>, transform_indices = @transform_7, window_bounds = array<i64: 1, 128>}, {pipeline_mode = #tpu.pipeline_mode<synchronous>, transform_indices = @transform_8, window_bounds = array<i64: 128, 128>}, {pipeline_mode = #tpu.pipeline_mode<synchronous>, transform_indices = @transform_9, window_bounds = array<i64: 128, 128>}, {pipeline_mode = #tpu.pipeline_mode<synchronous>, transform_indices = @transform_10, window_bounds = array<i64: 1, 128>}, {pipeline_mode = #tpu.pipeline_mode<synchronous>, transform_indices = @transform_11, window_bounds = array<i64: 128, 1>}, {pipeline_mode = #tpu.pipeline_mode<synchronous>, transform_indices = @transform_12, window_bounds = array<i64: 1, 1>}, {pipeline_mode = #tpu.pipeline_mode<synchronous>, transform_indices = @transform_13, window_bounds = array<i64: 128, 1>}, {pipeline_mode = #tpu.pipeline_mode<synchronous>, transform_indices = @transform_14, window_bounds = array<i64: 1, 1>}, {pipeline_mode = #tpu.pipeline_mode<synchronous>, transform_indices = @transform_15, window_bounds = array<i64: 1, 512>}, {pipeline_mode = #tpu.pipeline_mode<synchronous>, transform_indices = @transform_16, window_bounds = array<i64: 256, 1>}]} {
    %get3A = arith.constant 0 : index
    %get3A_0 = arith.constant 0 : index
    %get3A_1 = vector.load %arg1[%get3A, %get3A_0] : memref<1000x128xf32, #tpu.memory_space<vmem>>, vector<1000x128xf32>
    %get3A_2 = arith.constant 0 : index
    %get3A_3 = arith.constant 0 : index
    %get3A_4 = arith.constant 0 : index
    %get3A_5 = vector.load %arg2[%get3A_2, %get3A_3, %get3A_4] : memref<2x1000x128xf32, #tpu.memory_space<vmem>>, vector<1x1000x128xf32>
    %get3A_6 = vector.shape_cast %get3A_5 : vector<1x1000x128xf32> to vector<1000x128xf32>
    %get3A_7 = arith.constant 1 : index
    %get3A_8 = arith.constant 0 : index
    %get3A_9 = arith.constant 0 : index
    %get3A_10 = vector.load %arg2[%get3A_7, %get3A_8, %get3A_9] : memref<2x1000x128xf32, #tpu.memory_space<vmem>>, vector<1x1000x128xf32>
    %get3A_11 = vector.shape_cast %get3A_10 : vector<1x1000x128xf32> to vector<1000x128xf32>
    %add3A = arith.addf %get3A_6, %get3A_11 : vector<1000x128xf32>
    %get3A_12 = arith.constant 0 : index
    %get3A_13 = arith.constant 0 : index
    %get3A_14 = vector.load %arg3[%get3A_12, %get3A_13] : memref<128x128xf32, #tpu.memory_space<vmem>>, vector<128x128xf32>
    %dot_general3A = arith.constant dense<0.000000e+00> : vector<1000x128xf32>
    %dot_general3A_15 = tpu.matmul %add3A, %get3A_14, %dot_general3A {dimension_numbers = #tpu.dot_dimension_numbers<[1], [0], [0], [1], [0, 0, 1, 1], [], []>, transpose_lhs_hint = false} : vector<1000x128xf32>, vector<128x128xf32>, vector<1000x128xf32> -> vector<1000x128xf32>
    %get3A_16 = arith.constant 0 : index
    %get3A_17 = arith.constant 0 : index
    %get3A_18 = vector.load %arg4[%get3A_16, %get3A_17] : memref<128x128xf32, #tpu.memory_space<vmem>>, vector<128x128xf32>
    %dot_general3A_19 = arith.constant dense<0.000000e+00> : vector<1000x128xf32>
    %dot_general3A_20 = tpu.matmul %get3A_1, %get3A_18, %dot_general3A_19 {dimension_numbers = #tpu.dot_dimension_numbers<[1], [0], [0], [1], [0, 0, 1, 1], [], []>, transpose_lhs_hint = false} : vector<1000x128xf32>, vector<128x128xf32>, vector<1000x128xf32> -> vector<1000x128xf32>
    %add3A_21 = arith.addf %dot_general3A_15, %dot_general3A_20 : vector<1000x128xf32>
    %get3A_22 = arith.constant 0 : index
    %get3A_23 = arith.constant 0 : index
    %get3A_24 = vector.load %arg5[%get3A_22, %get3A_23] : memref<1x128xf32, #tpu.memory_space<vmem>>, vector<1x128xf32>
    %add3A_25 = vector.broadcast %get3A_24 : vector<1x128xf32> to vector<1000x128xf32>
    %add3A_26 = arith.addf %add3A_21, %add3A_25 : vector<1000x128xf32>
    %logistic3A = arith.negf %add3A_26 : vector<1000x128xf32>
    %logistic3A_27 = math.exp %logistic3A : vector<1000x128xf32>
    %logistic3A_28 = arith.constant 1.000000e+00 : f32
    %logistic3A_29 = vector.broadcast %logistic3A_28 : f32 to vector<1000x128xf32>
    %logistic3A_30 = arith.addf %logistic3A_29, %logistic3A_27 : vector<1000x128xf32>
    %logistic3A_31 = arith.divf %logistic3A_29, %logistic3A_30 : vector<1000x128xf32>
    %get3A_32 = arith.constant 0 : index
    %get3A_33 = arith.constant 0 : index
    %get3A_34 = vector.load %arg6[%get3A_32, %get3A_33] : memref<128x128xf32, #tpu.memory_space<vmem>>, vector<128x128xf32>
    %dot_general3A_35 = arith.constant dense<0.000000e+00> : vector<1000x128xf32>
    %dot_general3A_36 = tpu.matmul %add3A, %get3A_34, %dot_general3A_35 {dimension_numbers = #tpu.dot_dimension_numbers<[1], [0], [0], [1], [0, 0, 1, 1], [], []>, transpose_lhs_hint = false} : vector<1000x128xf32>, vector<128x128xf32>, vector<1000x128xf32> -> vector<1000x128xf32>
    %get3A_37 = arith.constant 0 : index
    %get3A_38 = arith.constant 0 : index
    %get3A_39 = vector.load %arg7[%get3A_37, %get3A_38] : memref<128x128xf32, #tpu.memory_space<vmem>>, vector<128x128xf32>
    %dot_general3A_40 = arith.constant dense<0.000000e+00> : vector<1000x128xf32>
    %dot_general3A_41 = tpu.matmul %get3A_1, %get3A_39, %dot_general3A_40 {dimension_numbers = #tpu.dot_dimension_numbers<[1], [0], [0], [1], [0, 0, 1, 1], [], []>, transpose_lhs_hint = false} : vector<1000x128xf32>, vector<128x128xf32>, vector<1000x128xf32> -> vector<1000x128xf32>
    %add3A_42 = arith.addf %dot_general3A_36, %dot_general3A_41 : vector<1000x128xf32>
    %get3A_43 = arith.constant 0 : index
    %get3A_44 = arith.constant 0 : index
    %get3A_45 = vector.load %arg8[%get3A_43, %get3A_44] : memref<1x128xf32, #tpu.memory_space<vmem>>, vector<1x128xf32>
    %add3A_46 = vector.broadcast %get3A_45 : vector<1x128xf32> to vector<1000x128xf32>
    %add3A_47 = arith.addf %add3A_42, %add3A_46 : vector<1000x128xf32>
    %logistic3A_48 = arith.negf %add3A_47 : vector<1000x128xf32>
    %logistic3A_49 = math.exp %logistic3A_48 : vector<1000x128xf32>
    %logistic3A_50 = arith.constant 1.000000e+00 : f32
    %logistic3A_51 = vector.broadcast %logistic3A_50 : f32 to vector<1000x128xf32>
    %logistic3A_52 = arith.addf %logistic3A_51, %logistic3A_49 : vector<1000x128xf32>
    %logistic3A_53 = arith.divf %logistic3A_51, %logistic3A_52 : vector<1000x128xf32>
    %get3A_54 = arith.constant 0 : index
    %get3A_55 = arith.constant 0 : index
    %get3A_56 = vector.load %arg9[%get3A_54, %get3A_55] : memref<128x128xf32, #tpu.memory_space<vmem>>, vector<128x128xf32>
    %dot_general3A_57 = arith.constant dense<0.000000e+00> : vector<1000x128xf32>
    %dot_general3A_58 = tpu.matmul %add3A, %get3A_56, %dot_general3A_57 {dimension_numbers = #tpu.dot_dimension_numbers<[1], [0], [0], [1], [0, 0, 1, 1], [], []>, transpose_lhs_hint = false} : vector<1000x128xf32>, vector<128x128xf32>, vector<1000x128xf32> -> vector<1000x128xf32>
    %mul3A = arith.mulf %logistic3A_53, %get3A_1 : vector<1000x128xf32>
    %get3A_59 = arith.constant 0 : index
    %get3A_60 = arith.constant 0 : index
    %get3A_61 = vector.load %arg10[%get3A_59, %get3A_60] : memref<128x128xf32, #tpu.memory_space<vmem>>, vector<128x128xf32>
    %dot_general3A_62 = arith.constant dense<0.000000e+00> : vector<1000x128xf32>
    %dot_general3A_63 = tpu.matmul %mul3A, %get3A_61, %dot_general3A_62 {dimension_numbers = #tpu.dot_dimension_numbers<[1], [0], [0], [1], [0, 0, 1, 1], [], []>, transpose_lhs_hint = false} : vector<1000x128xf32>, vector<128x128xf32>, vector<1000x128xf32> -> vector<1000x128xf32>
    %add3A_64 = arith.addf %dot_general3A_58, %dot_general3A_63 : vector<1000x128xf32>
    %get3A_65 = arith.constant 0 : index
    %get3A_66 = arith.constant 0 : index
    %get3A_67 = vector.load %arg11[%get3A_65, %get3A_66] : memref<1x128xf32, #tpu.memory_space<vmem>>, vector<1x128xf32>
    %add3A_68 = vector.broadcast %get3A_67 : vector<1x128xf32> to vector<1000x128xf32>
    %add3A_69 = arith.addf %add3A_64, %add3A_68 : vector<1000x128xf32>
    %tanh3A = math.tanh %add3A_69 : vector<1000x128xf32>
    %sub3A = arith.constant 1.000000e+00 : f32
    %sub3A_70 = vector.broadcast %sub3A : f32 to vector<1000x128xf32>
    %sub3A_71 = arith.subf %sub3A_70, %logistic3A_31 : vector<1000x128xf32>
    %mul3A_72 = arith.mulf %sub3A_71, %get3A_1 : vector<1000x128xf32>
    %mul3A_73 = arith.mulf %logistic3A_31, %tanh3A : vector<1000x128xf32>
    %add3A_74 = arith.addf %mul3A_72, %mul3A_73 : vector<1000x128xf32>
    %get3A_75 = arith.constant 0 : index
    %get3A_76 = arith.constant 0 : index
    %get3A_77 = vector.load %arg12[%get3A_75, %get3A_76] : memref<128x1xf32, #tpu.memory_space<vmem>>, vector<128x1xf32>
    %dot_general3A_78 = arith.constant dense<0.000000e+00> : vector<1000x1xf32>
    %dot_general3A_79 = tpu.matmul %add3A_74, %get3A_77, %dot_general3A_78 {dimension_numbers = #tpu.dot_dimension_numbers<[1], [0], [0], [1], [0, 0, 1, 1], [], []>, transpose_lhs_hint = false} : vector<1000x128xf32>, vector<128x1xf32>, vector<1000x1xf32> -> vector<1000x1xf32>
    %get3A_80 = arith.constant 0 : index
    %get3A_81 = arith.constant 0 : index
    %get3A_82 = vector.load %arg13[%get3A_80, %get3A_81] : memref<1x1xf32, #tpu.memory_space<vmem>>, vector<1x1xf32>
    %get3A_83 = vector.extract %get3A_82[0, 0] : f32 from vector<1x1xf32>
    %add3A_84 = vector.broadcast %get3A_83 : f32 to vector<1000x1xf32>
    %add3A_85 = arith.addf %dot_general3A_79, %add3A_84 : vector<1000x1xf32>
    %logistic3A_86 = arith.negf %add3A_85 : vector<1000x1xf32>
    %logistic3A_87 = math.exp %logistic3A_86 : vector<1000x1xf32>
    %logistic3A_88 = arith.constant 1.000000e+00 : f32
    %logistic3A_89 = vector.broadcast %logistic3A_88 : f32 to vector<1000x1xf32>
    %logistic3A_90 = arith.addf %logistic3A_89, %logistic3A_87 : vector<1000x1xf32>
    %logistic3A_91 = arith.divf %logistic3A_89, %logistic3A_90 : vector<1000x1xf32>
    %get3A_92 = arith.constant 0 : index
    %get3A_93 = arith.constant 0 : index
    %get3A_94 = vector.load %arg14[%get3A_92, %get3A_93] : memref<128x1xf32, #tpu.memory_space<vmem>>, vector<128x1xf32>
    %dot_general3A_95 = arith.constant dense<0.000000e+00> : vector<1000x1xf32>
    %dot_general3A_96 = tpu.matmul %add3A_74, %get3A_94, %dot_general3A_95 {dimension_numbers = #tpu.dot_dimension_numbers<[1], [0], [0], [1], [0, 0, 1, 1], [], []>, transpose_lhs_hint = false} : vector<1000x128xf32>, vector<128x1xf32>, vector<1000x1xf32> -> vector<1000x1xf32>
    %get3A_97 = arith.constant 0 : index
    %get3A_98 = arith.constant 0 : index
    %get3A_99 = vector.load %arg15[%get3A_97, %get3A_98] : memref<1x1xf32, #tpu.memory_space<vmem>>, vector<1x1xf32>
    %get3A_100 = vector.extract %get3A_99[0, 0] : f32 from vector<1x1xf32>
    %add3A_101 = vector.broadcast %get3A_100 : f32 to vector<1000x1xf32>
    %add3A_102 = arith.addf %dot_general3A_96, %add3A_101 : vector<1000x1xf32>
    %mul3A_103 = arith.mulf %logistic3A_91, %add3A_102 : vector<1000x1xf32>
    %mul3A_104 = arith.constant 1000 : i32
    %mul3A_105 = arith.muli %arg0, %mul3A_104 : i32
    %iota3A = tpu.iota {dimensions = array<i32: 0>} : vector<1000x1xi32>
    %add3A_106 = vector.broadcast %mul3A_105 : i32 to vector<1000x1xi32>
    %add3A_107 = arith.addi %add3A_106, %iota3A : vector<1000x1xi32>
    %convert_element_type3A = arith.sitofp %add3A_107 : vector<1000x1xi32> to vector<1000x1xf32>
    %get3A_108 = arith.constant 0 : index
    %get3A_109 = arith.constant 0 : index
    %get3A_110 = vector.load %arg16[%get3A_108, %get3A_109] : memref<1x512xf32, #tpu.memory_space<vmem>>, vector<1x512xf32>
    %ge3A = vector.broadcast %convert_element_type3A : vector<1000x1xf32> to vector<1000x512xf32>
    %ge3A_111 = vector.broadcast %get3A_110 : vector<1x512xf32> to vector<1000x512xf32>
    %ge3A_112 = arith.cmpf oge, %ge3A, %ge3A_111 : vector<1000x512xf32>
    %convert_element_type3A_113 = arith.extui %ge3A_112 : vector<1000x512xi1> to vector<1000x512xi32>
    %convert_element_type3A_114 = arith.sitofp %convert_element_type3A_113 : vector<1000x512xi32> to vector<1000x512xf32>
    %reduce_sum3A = arith.constant dense<0.000000e+00> : vector<1000xf32>
    %reduce_sum3A_115 = vector.multi_reduction <add>, %convert_element_type3A_114, %reduce_sum3A [1] : vector<1000x512xf32> to vector<1000xf32>
    %broadcast_in_dim3A = vector.shape_cast %reduce_sum3A_115 : vector<1000xf32> to vector<1000x1xf32>
    %sub3A_116 = arith.constant 1.000000e+00 : f32
    %sub3A_117 = vector.broadcast %sub3A_116 : f32 to vector<1000x1xf32>
    %sub3A_118 = arith.subf %broadcast_in_dim3A, %sub3A_117 : vector<1000x1xf32>
    %iota3A_119 = tpu.iota {dimensions = array<i32: 1>} : vector<1x256xi32>
    %convert_element_type3A_120 = arith.sitofp %iota3A_119 : vector<1x256xi32> to vector<1x256xf32>
    %eq3A = vector.broadcast %sub3A_118 : vector<1000x1xf32> to vector<1000x256xf32>
    %eq3A_121 = vector.broadcast %convert_element_type3A_120 : vector<1x256xf32> to vector<1000x256xf32>
    %eq3A_122 = arith.cmpf oeq, %eq3A, %eq3A_121 : vector<1000x256xf32>
    %convert_element_type3A_123 = arith.extui %eq3A_122 : vector<1000x256xi1> to vector<1000x256xi32>
    %convert_element_type3A_124 = arith.sitofp %convert_element_type3A_123 : vector<1000x256xi32> to vector<1000x256xf32>
    %mul3A_125 = vector.broadcast %mul3A_103 : vector<1000x1xf32> to vector<1000x256xf32>
    %mul3A_126 = arith.mulf %convert_element_type3A_124, %mul3A_125 : vector<1000x256xf32>
    %reduce_sum3A_127 = arith.constant dense<0.000000e+00> : vector<256xf32>
    %reduce_sum3A_128 = vector.multi_reduction <add>, %mul3A_126, %reduce_sum3A_127 [0] : vector<1000x256xf32> to vector<256xf32>
    %reshape3A = vector.shape_cast %reduce_sum3A_128 : vector<256xf32> to vector<256x1xf32>
    %eq3A_129 = arith.constant 0 : i32
    %eq3A_130 = arith.cmpi eq, %arg0, %eq3A_129 : i32
    %convert_element_type3A_131 = arith.extui %eq3A_130 : i1 to i32
    %cond3A = arith.constant 0 : i32
    %cond3A_132 = arith.cmpi ne, %convert_element_type3A_131, %cond3A : i32
    scf.if %cond3A_132 {
      %swap3A = arith.constant 0 : index
      %swap3A_137 = arith.constant 0 : index
      %swap3A_138 = vector.load %arg17[%swap3A, %swap3A_137] : memref<256x1xf32, #tpu.memory_space<vmem>>, vector<256x1xf32>
      tpu.vector_store %arg17[%swap3A, %swap3A_137], %reshape3A {strides = array<i32>} : memref<256x1xf32, #tpu.memory_space<vmem>>, vector<256x1xf32>,
    } else {
    }
    %gt3A = arith.constant 0 : i32
    %gt3A_133 = arith.cmpi sgt, %arg0, %gt3A : i32
    %convert_element_type3A_134 = arith.extui %gt3A_133 : i1 to i32
    %cond3A_135 = arith.constant 0 : i32
    %cond3A_136 = arith.cmpi ne, %convert_element_type3A_134, %cond3A_135 : i32
    scf.if %cond3A_136 {
      %get3A_137 = arith.constant 0 : index
      %get3A_138 = arith.constant 0 : index
      %get3A_139 = vector.load %arg17[%get3A_137, %get3A_138] : memref<256x1xf32, #tpu.memory_space<vmem>>, vector<256x1xf32>
      %add3A_140 = arith.addf %get3A_139, %reshape3A : vector<256x1xf32>
      %swap3A = arith.constant 0 : index
      %swap3A_141 = arith.constant 0 : index
      %swap3A_142 = vector.load %arg17[%swap3A, %swap3A_141] : memref<256x1xf32, #tpu.memory_space<vmem>>, vector<256x1xf32>
      tpu.vector_store %arg17[%swap3A, %swap3A_141], %add3A_140 {strides = array<i32>} : memref<256x1xf32, #tpu.memory_space<vmem>>, vector<256x1xf32>,
    } else {
    }
    return
  }
  func.func @transform_0(%arg0: i32) -> (i32, i32) {
    %c0_i32 = arith.constant 0 : i32
    %c0_i32_0 = arith.constant 0 : i32
    return %arg0, %c0_i32 : i32, i32
  }
  func.func @transform_1(%arg0: i32) -> (i32, i32, i32) {
    %c0_i32 = arith.constant 0 : i32
    %c0_i32_0 = arith.constant 0 : i32
    %c0_i32_1 = arith.constant 0 : i32
    return %c0_i32, %arg0, %c0_i32_0 : i32, i32, i32
  }
  func.func @transform_2(%arg0: i32) -> (i32, i32) {
    %c0_i32 = arith.constant 0 : i32
    %c0_i32_0 = arith.constant 0 : i32
    %c0_i32_1 = arith.constant 0 : i32
    return %c0_i32, %c0_i32_0 : i32, i32
  }
  func.func @transform_3(%arg0: i32) -> (i32, i32) {
    %c0_i32 = arith.constant 0 : i32
    %c0_i32_0 = arith.constant 0 : i32
    %c0_i32_1 = arith.constant 0 : i32
    return %c0_i32, %c0_i32_0 : i32, i32
  }
  func.func @transform_4(%arg0: i32) -> (i32, i32) {
    %c0_i32 = arith.constant 0 : i32
    %c0_i32_0 = arith.constant 0 : i32
    %c0_i32_1 = arith.constant 0 : i32
    return %c0_i32, %c0_i32_0 : i32, i32
  }
  func.func @transform_5(%arg0: i32) -> (i32, i32) {
    %c0_i32 = arith.constant 0 : i32
    %c0_i32_0 = arith.constant 0 : i32
    %c0_i32_1 = arith.constant 0 : i32
    return %c0_i32, %c0_i32_0 : i32, i32
  }
  func.func @transform_6(%arg0: i32) -> (i32, i32) {
    %c0_i32 = arith.constant 0 : i32
    %c0_i32_0 = arith.constant 0 : i32
    %c0_i32_1 = arith.constant 0 : i32
    return %c0_i32, %c0_i32_0 : i32, i32
  }
  func.func @transform_7(%arg0: i32) -> (i32, i32) {
    %c0_i32 = arith.constant 0 : i32
    %c0_i32_0 = arith.constant 0 : i32
    %c0_i32_1 = arith.constant 0 : i32
    return %c0_i32, %c0_i32_0 : i32, i32
  }
  func.func @transform_8(%arg0: i32) -> (i32, i32) {
    %c0_i32 = arith.constant 0 : i32
    %c0_i32_0 = arith.constant 0 : i32
    %c0_i32_1 = arith.constant 0 : i32
    return %c0_i32, %c0_i32_0 : i32, i32
  }
  func.func @transform_9(%arg0: i32) -> (i32, i32) {
    %c0_i32 = arith.constant 0 : i32
    %c0_i32_0 = arith.constant 0 : i32
    %c0_i32_1 = arith.constant 0 : i32
    return %c0_i32, %c0_i32_0 : i32, i32
  }
  func.func @transform_10(%arg0: i32) -> (i32, i32) {
    %c0_i32 = arith.constant 0 : i32
    %c0_i32_0 = arith.constant 0 : i32
    %c0_i32_1 = arith.constant 0 : i32
    return %c0_i32, %c0_i32_0 : i32, i32
  }
  func.func @transform_11(%arg0: i32) -> (i32, i32) {
    %c0_i32 = arith.constant 0 : i32
    %c0_i32_0 = arith.constant 0 : i32
    %c0_i32_1 = arith.constant 0 : i32
    return %c0_i32, %c0_i32_0 : i32, i32
  }
  func.func @transform_12(%arg0: i32) -> (i32, i32) {
    %c0_i32 = arith.constant 0 : i32
    %c0_i32_0 = arith.constant 0 : i32
    %c0_i32_1 = arith.constant 0 : i32
    return %c0_i32, %c0_i32_0 : i32, i32
  }
  func.func @transform_13(%arg0: i32) -> (i32, i32) {
    %c0_i32 = arith.constant 0 : i32
    %c0_i32_0 = arith.constant 0 : i32
    %c0_i32_1 = arith.constant 0 : i32
    return %c0_i32, %c0_i32_0 : i32, i32
  }
  func.func @transform_14(%arg0: i32) -> (i32, i32) {
    %c0_i32 = arith.constant 0 : i32
    %c0_i32_0 = arith.constant 0 : i32
    %c0_i32_1 = arith.constant 0 : i32
    return %c0_i32, %c0_i32_0 : i32, i32
  }
  func.func @transform_15(%arg0: i32) -> (i32, i32) {
    %c0_i32 = arith.constant 0 : i32
    %c0_i32_0 = arith.constant 0 : i32
    %c0_i32_1 = arith.constant 0 : i32
    return %c0_i32, %c0_i32_0 : i32, i32
  }
  func.func @transform_16(%arg0: i32) -> (i32, i32) {
    %c0_i32 = arith.constant 0 : i32
    %c0_i32_0 = arith.constant 0 : i32
    %c0_i32_1 = arith.constant 0 : i32
    return %c0_i32, %c0_i32_0 : i32, i32
  }
}

</mosaic_0001>

<sc_bundles>
// kernel: kernel.11.cloned.1.call-start
scs
__scs_entry_jumppad:
0x0: {  	(pc) =	sbr.rel $0x88, $3  }
0x1: {  	(tag) =	ssettag $0x0;
	lr =	simm.s32 $0x1  }
0x2: {  	[smem:$0x3F8F] =	sst lr;
	_ =	strace $0xD0000000  }
0x3: {  	_ = 	snop  }
0x4: {  	_ = 	snop  }
0x5: {  	_ = 	snop  }
0x6: {  	_ = 	snop  }
0x7: {  	_ = 	snop  }
__scs_overlays_trampoline_lowered:
0x8: {  	[smem:$0x3F9E] =	sst s0  }
0x9: {  	[smem:$0x3F9F] =	sst s1  }
0xa: {  	[smem:$0x3FA0] =	sst s2  }
0xb: {  	[smem:$0x3FA1] =	sst s3  }
0xc: {  	[smem:$0x3FA2] =	sst s4  }
0xd: {  	[smem:$0x3FA3] =	sst s5  }
0xe: {  	[smem:$0x3FA4] =	sst s6  }
0xf: {  	[smem:$0x3FA5] =	sst s7  }
0x10: {  	[smem:$0x3FA6] =	sst s8  }
0x11: {  	[smem:$0x3FA7] =	sst s9;
	s0 =	simm.s32 @!p0 $0x0  }
0x12: {  	s1 =	sld [smem:$0x3F8D];
	s0 =	simm.s32 @p0 $0x1  }
0x13: {  	[smem:$0x3FA8] =	sst s0;
	s0 =	simm.s32 @!p1 $0x0  }
0x14: {  	s2 =	sld [smem:$0x3F8C];
	s0 =	simm.s32 @p1 $0x1  }
0x15: {  	[smem:$0x3FA9] =	sst s0;
	s0 =	simm.s32 @!p2 $0x0  }
0x16: {  	s3 =	sld [smem:$0x3FDB];
	s0 =	simm.s32 @p2 $0x1  }
0x17: {  	s4 =	simm.s32 $0x1BF5;
	[smem:$0x3FAB] =	sst s0  }
0x18: {  	s0 =	sld [smem:$0x3F8E];
	_ =	swait.ge [sflag:s4], $0x0  }
0x19: {  	s7 =	sld [smem:$0x3F8F]  }
0x1a: {  	s8 =	sadd.s32 $0xFFFFE003, lr  }
0x1b: {  	s9 =	sadd.s32 $0xFFFFFEF7, lr;
	s5 =	simm.s32 $0xFFFFFFFF;
	p2 =	slt.u32 s8, $0xFFFFF086  }
0x1c: {  	p1 =	slt.u32 s9, $0xF7A;
	s5 =	simm.s32 @!p2 $0x0  }
0x1d: {  	s5 =	simm.s32 @p1 $0x1;
	p0 =	seq.s32 s7, s2  }
0x1e: {  	s7 =	smul.u32 @!p0 $0xF7A, s2;
	p2 =	seq.s32 @!p0 s5, $0x0  }
0x1f: {  	s9 =	smul.u32 $0xF7A, s1;
	s8 =	simm.s32 @!p0 $0x1BF5;
	p2 =	por !p2, p0  }
0x20: {  	[sflag:s8] =	ssyncset.s32 @!p0 $0xFFFFF086;
	s6 =	sadd.s32 @!p0 s3, s7;
	s7 =	simm.s32 @!p0 $0x108  }
0x21: {  	s3 =	sadd.s32 s3, s9;
	s6 =	sadd.s32 @!p0 $0x88, s6;
	s7 =	simm.s32 @p2 $0x1082  }
0x22: {  	[simem:s7], [sflag:s8] =	dma.local @!p0 [hbm:s6], $0xF7A  }
0x23: {  	s9 =	sor.u32 $0xD0000000, s2;
	s6 =	simm.s32 $0x108;
	_ =	swait.ge @!p0 [sflag:s8], $0x0  }
0x24: {  	s3 =	sadd.s32 $0x88, s3;
	s6 =	simm.s32 @!p1 $0x1082;
	[sflag:s4] =	ssyncset.s32 $0xFFFFF086  }
0x25: {  	[simem:s6], [sflag:s4] =	dma.local [hbm:s3], $0xF7A  }
0x26: {  	[smem:$0x3F8F] =	sst s1;
	(tag) =	ssettag s2;
	_ =	strace s9  }
0x27: {  	s1 =	sld [smem:$0x3F9F]  }
0x28: {  	s2 =	sld [smem:$0x3FA0]  }
0x29: {  	s4 =	sld [smem:$0x3FA2]  }
0x2a: {  	p0 =	seq.s32 s5, $0x0;
	s5 =	sld [smem:$0x3FA3]  }
0x2b: {  	s6 =	sld [smem:$0x3FA4]  }
0x2c: {  	s7 =	sld [smem:$0x3FA5]  }
0x2d: {  	s3 =	simm.s32 $0x108;
	s8 =	sld [smem:$0x3FA6]  }
0x2e: {  	s3 =	simm.s32 @!p0 $0x1082;
	s9 =	sld [smem:$0x3FA7]  }
0x2f: {  	lr =	sadd.s32 s0, s3;
	s0 =	sld [smem:$0x3F9E]  }
0x30: {  	s3 =	sld [smem:$0x3FA1]  }
0x31: {  	[smem:$0x3FAA] =	sst s10  }
0x32: {  	s10 =	sld [smem:$0x3FA8];
	_ =	sdelay $0x3  }
0x33: {  	p0 =	seq.s32 s10, $0x1;
	s10 =	sld [smem:$0x3FAA];
	_ =	sdelay $0x3  }
0x34: {  	[smem:$0x3FAA] =	sst s10  }
0x35: {  	s10 =	sld [smem:$0x3FA9];
	_ =	sdelay $0x3  }
0x36: {  	p1 =	seq.s32 s10, $0x1;
	s10 =	sld [smem:$0x3FAA];
	_ =	sdelay $0x3  }
0x37: {  	[smem:$0x3FAA] =	sst s10  }
0x38: {  	s10 =	sld [smem:$0x3FAB]  }
0x39: {  	_ = 	snop;
	(pc) =	sbr.ind lr, $3  }
0x3a: {  	_ = 	snop  }
0x3b: {  	_ = 	snop  }
0x3c: {  	p2 =	seq.s32 s10, $0x1;
	s10 =	sld [smem:$0x3FAA]  }
0x3d: {  	_ =	shalt  }
0x3e: {  	_ =	shalt  }
0x3f: {  	_ =	shalt  }
0x40: {  	_ =	shalt  }
0x41: {  	_ =	shalt  }
0x42: {  	_ =	shalt  }
0x43: {  	_ =	shalt  }
0x44: {  	_ =	shalt  }
0x45: {  	_ =	shalt  }
0x46: {  	_ =	shalt  }
0x47: {  	_ =	shalt  }
0x48: {  	_ =	shalt  }
0x49: {  	_ =	shalt  }
0x4a: {  	_ =	shalt  }
0x4b: {  	_ =	shalt  }
0x4c: {  	_ =	shalt  }
0x4d: {  	_ =	shalt  }
0x4e: {  	_ =	shalt  }
0x4f: {  	_ =	shalt  }
0x50: {  	_ =	shalt  }
0x51: {  	_ =	shalt  }
0x52: {  	_ =	shalt  }
0x53: {  	_ =	shalt  }
0x54: {  	_ =	shalt  }
0x55: {  	_ =	shalt  }
0x56: {  	_ =	shalt  }
0x57: {  	_ =	shalt  }
0x58: {  	_ =	shalt  }
0x59: {  	_ =	shalt  }
0x5a: {  	_ =	shalt  }
0x5b: {  	_ =	shalt  }
0x5c: {  	_ =	shalt  }
0x5d: {  	_ =	shalt  }
0x5e: {  	_ =	shalt  }
0x5f: {  	_ =	shalt  }
0x60: {  	_ =	shalt  }
0x61: {  	_ =	shalt  }
0x62: {  	_ =	shalt  }
0x63: {  	_ =	shalt  }
0x64: {  	_ =	shalt  }
0x65: {  	_ =	shalt  }
0x66: {  	_ =	shalt  }
0x67: {  	_ =	shalt  }
0x68: {  	_ =	shalt  }
0x69: {  	_ =	shalt  }
0x6a: {  	_ =	shalt  }
0x6b: {  	_ =	shalt  }
0x6c: {  	_ =	shalt  }
0x6d: {  	_ =	shalt  }
0x6e: {  	_ =	shalt  }
0x6f: {  	_ =	shalt  }
0x70: {  	_ =	shalt  }
0x71: {  	_ =	shalt  }
0x72: {  	_ =	shalt  }
0x73: {  	_ =	shalt  }
0x74: {  	_ =	shalt  }
0x75: {  	_ =	shalt  }
0x76: {  	_ =	shalt  }
0x77: {  	_ =	shalt  }
0x78: {  	_ =	shalt  }
0x79: {  	_ =	shalt  }
0x7a: {  	_ =	shalt  }
0x7b: {  	_ =	shalt  }
0x7c: {  	_ =	shalt  }
0x7d: {  	_ =	shalt  }
0x7e: {  	_ =	shalt  }
0x7f: {  	_ =	shalt  }
0x80: {  	_ =	shalt  }
0x81: {  	_ =	shalt  }
0x82: {  	_ =	shalt  }
0x83: {  	_ =	shalt  }
0x84: {  	_ =	shalt  }
0x85: {  	_ =	shalt  }
0x86: {  	_ =	shalt  }
0x87: {  	_ =	shalt  }
.Lfunc_end0:
.L_simem_size_0:
called_computation_lowered:
.L_overlay_start_0:
0x88: {  	s2 =	sld [smem:$0x3FD9]  }
0x89: {  	s3 =	sld [smem:$0x3FFE];
	_ =	sdelay $0x1  }
0x8a: {  	s1 =	srdreg.scid  }
0x8b: {  	s0 =	sand.u32 $0x1, s1  }
0x8c: {  	s16 =	sshll.u32 s0, $0xA;
	s2 =	sadd.s32 s3, s2  }
0x8d: {  	s2 =	sadd.s32 s2, s16  }
0x8e: {  	[smem:$0x3FB6] =	sst s2  }
0x8f: {  	_ = 	snop  }
0x90: {  	(tm) =	ssettm $0x1  }
0x91: {  	s17 =	sld [smem:$0x3FFB];
	_ =	sdelay $0x3  }
0x92: {  	_ =	strace s17  }
0x93: {  	s2 =	sld [smem:$0x3FFC];
	_ =	sdelay $0x3  }
0x94: {  	_ =	strace s2  }
0x95: {  	s2 =	sld [smem:$0x3FFD];
	_ =	sdelay $0x3  }
0x96: {  	_ =	strace s2  }
0x97: {  	_ =	strace $0x8FFFFFFF  }
0x98: {  	s18 =	sld [smem:$0x3FDB];
	_ =	sdelay $0x1  }
0x99: {  	s19 =	simm.s32 $_scs_section_size  }
0x9a: {  	s4 =	simm.s32 $_size__tile_overlayer_lowered;
	s5 =	simm.s32 $_tile_overlayer_lowered  }
0x9b: {  	s22 =	simm.s32 $0x1BFF;
	s21 =	sshll.u32 s5, $0x1;
	s2 =	sadd.s32 s19, s18  }
0x9c: {  	s6 =	simm.s32 $0x0;
	s20 =	sshll.u32 s4, $0x1;
	s4 =	sadd.s32 s21, s2  }
0x9d: {  	[timem:s6], [sflag:s22] =	dma.local [hbm:s4], s20  }
0x9e: {  	_ =	swait.ge [sflag:s22], s20  }
0x9f: {  	s3 =	ssub.s32 $0x0, s20;
	[sflag:s22] =	ssyncset.done $0x0  }
0xa0: {  	[sflag:s22] =	ssyncadd.s32 s3;
	_ =	sdelay $0x1  }
0xa1: {  	s23 =	simm.s32 $0x1B8B  }
0xa2: {  	_ =	swait.ge [sflag:s23], $0x1  }
0xa3: {  	[sflag:s23] =	ssyncset.done $0x0  }
0xa4: {  	s25 =	simm.s32 $0x1B8E;
	s24 =	sld [smem:$0x3FFE];
	[sflag:s23] =	ssyncadd.s32 $0xFFFFFFFF  }
0xa5: {  	s26 =	simm.s32 $execute0_lowered;
	[smem:$0x3FD2] =	sst s25  }
0xa6: {  	s4 =	sshll.u32 s26, $0x1;
	_ =	strace $0x80000046;
	[dreg:$0x1] =	wrdreg $0xFFFFFFFF  }
0xa7: {  	s28 =	simm.s32 $_size_execute0_lowered;
	s2 =	sadd.s32 s2, s4;
	[dreg:$0x0] =	wrdreg $0x0  }
0xa8: {  	s4 =	sshll.u32 s28, $0x1;
	[dreg:$0x2] =	wrdreg s2  }
0xa9: {  	[dreg:$0x3] =	wrdreg s4  }
0xaa: {  	[dreg:$0x4] =	wrdreg $0xC0  }
0xab: {  	_ =	task [dreg:s6], $0x5FFFF  }
0xac: {  	[dreg:$0x1] =	wrdreg $0xFFFFFFFF  }
0xad: {  	[dreg:$0x0] =	wrdreg $0x60  }
0xae: {  	[dreg:$0x2] =	wrdreg s24  }
0xaf: {  	[dreg:$0x3] =	wrdreg $0x41000  }
0xb0: {  	[dreg:$0x4] =	wrdreg $0x9  }
0xb1: {  	_ =	task.clear_ibuf [dreg:s6], $0x5FFFF;
	_ =	strace $0x90000046  }
0xb2: {  	s29 =	simm.s32 $0x9;
	_ =	strace $0x80000048  }
0xb3: {  	_ =	swait.ge [sflag:s29], $0x1  }
0xb4: {  	[sflag:s29] =	ssyncadd.s32 $0xFFFFFFFF  }
0xb5: {  	_ =	strace $0x90000048  }
0xb6: {  	_ =	sfence  }
0xb7: {  	s30 =	sld [smem:$0x0];
	_ =	sdelay $0x2  }
0xb8: {  	s31 =	sshll.u32 s1, $0xD;
	s1 =	sshrl.u32 s1, $0x2  }
0xb9: {  	s3 =	sand.u32 $0x4000, s31;
	s1 =	sadd.s32 s1, s30  }
0xba: {  	s0 =	sor.u32 s3, s0;
	s1 =	sshll.u32 s1, $0x11  }
0xbb: {  	s0 =	sor.u32 s1, s0  }
0xbc: {  	s0 =	sadd.s32 $0x8F2B, s0  }
0xbd: {  	[sflag:s0] =	ssyncadd.remote.s32 $0x1  }
0xbe: {  	_ =	sfence.sel $0xFFFF  }
0xbf: {  	[dreg:$0x0] =	wrdreg $0xFFFFFFFF;
	(pc) =	sbr.abs _section_cstart, $3  }
0xc0: {  	[dreg:$0x1] =	wrdreg $0xFFFFFFFF  }
0xc1: {  	_ =	task.clear_ibuf [dreg:s6], $0x2FFFF;
	_ =	strace $0x9FFFFFFF  }
0xc2: {  	(tm) =	ssettm $0x7FFFFFFF  }
0xc3: {  	_ =	shalt  }
tec
execute0_lowered:
.L_overlay_start_1:
0x0: {  	(tag) =	ssettag $0x1  }
0x1: {  	s5 =	rddreg [dreg:$0x0]  }
0x2: {  	s1 =	rddreg [dreg:$0x1]  }
0x3: {  	s2 =	srdreg.scid;
	s0 =	rddreg [dreg:$0x2];
	s3 =	simm.s32 $0x0  }
0x4: {  	s18 =	simm.s32 $0x80;
	s19 =	simm.s32 $0x1;
	s7 =	sand.u32 $0x1, s2  }
0x5: {  	s20 =	simm.s32 $0x0;
	s2 =	stileid.u32;
	s6 =	smul.u32 $0x13C000, s7  }
0x6: {  	[smem:$0x7FF] =	sst s3;
	s15 =	sadd.s32 $0x3200, s5;
	s8 =	smul.u32 $0x13C00, s2  }
0x7: {  	s13 =	sadd.s32 $0xD000, s5;
	s4 =	sadd.s32 $0x16E00, s5;
	s9 =	smul.u32 $0x4F000, s2  }
0x8: {  	_ =	strace $0x80000047;
	s30 =	ssub.s32 $0x2, s7;
	s14 =	smul.u32 $0x610, s2  }
0x9: {  	p0 =	seq.s32 s7, $0x1;
	s16 =	smul.u32 $0x3D0, s2;
	s31 =	sshrl.u32 s30, $0x1  }
0xa: {  	s6 =	sadd.s32 s8, s6;
	s9 =	sshrl.u32 s9, $0x2;
	s8 =	ssub.s32 s30, s31  }
0xb: {  	s12 =	sadd.s32 s14, s13;
	s17 =	sadd.s32 s16, s13;
	s13 =	sadd.s32 s14, s15  }
.Ltmp0:
0xc: {  	s15 =	sadd.s32 s16, s15;
	s16 =	simm.s32 $0x100;
	(pc) =	sbr.rel .LBB2_1-.Ltmp0, $4  }
0xd: {  	s6 =	sshrl.u32 s6, $0x3;
	s8 =	smax.u32 s8, $0x1;
	s14 =	sadd.s32 $0x6100, s17  }
0xe: {  	s15 =	sadd.s32 $0x6100, s15;
	s10 =	sadd.s32 s6, s5;
	s5 =	sadd.s32 s9, s1  }
0xf: {  	s17 =	simm.s32 $0x2;
	s6 =	sadd.s32 $0x10000, s5;
	s7 =	sadd.s32 $0xB3200, s10  }
0x10: {  	v0 =	vimm.f32 $0.0e+00;
	s9 =	sadd.s32 $0x4000, s5;
	s10 =	sadd.s32 $0x8000, s5;
	s11 =	sadd.s32 $0xC000, s5  }
.LBB2_6:
0x11: {  	s22 =	sadd.s32 s21, s13;
	[sflag:s17] =	ssyncadd.s32 $0xFFFFC000  }
0x12: {  	[tilespmem:s3], [sflag:$0x2] =	stream.linear.gather [hbm4b:s22+s3], $0x80, $0x38;
	[tilespmem:$0x17D00] =	vst v63  }
0x13: {  	_ =	swait.ge [sflag:s17], $0x80  }
0x14: {  	[sflag:s17] =	ssyncset.done $0x0  }
0x15: {  	s31 =	sadd.s32 s21, s12;
	[sflag:s17] =	ssyncadd.s32 $0xFFFFFF80  }
0x16: {  	[tilespmem:s18], [sflag:$0x2] =	stream.linear.gather [hbm4b:s31+s3], $0x80, $0x38;
	[tilespmem:$0x17D00] =	vst v63  }
0x17: {  	_ =	swait.ge [sflag:s17], $0x80  }
0x18: {  	[sflag:s17] =	ssyncset.done $0x0  }
0x19: {  	[sflag:s17] =	ssyncadd.s32 $0xFFFFFF80  }
0x1a: {  	[tilespmem:s16], [sflag:$0x1] =	stream.indirect.gather [hbm4b:s4+s18], $0x80, s3, s18, $0xb8;
	[tilespmem:$0x17D00] =	vst v63  }
0x1b: {  	_ =	swait.ge [sflag:s19], $0x4000  }
0x1c: {  	[sflag:s19] =	ssyncset.done $0x0  }
0x1d: {  	[sflag:s19] =	ssyncadd.s32 $0xFFFFC000  }
0x1e: {  	[spmem:s1] =	stream.indirect.scatter.add.f32 [tilespmem:s16], [sflag:$0x2], $0x80, s18, s18, $0xb8;
	[tilespmem:$0x17D00] =	vst v63  }
0x1f: {  	_ =	swait.ge [sflag:s17], $0x4000  }
0x20: {  	[sflag:s17] =	ssyncset.done $0x0  }
0x21: {  	[sflag:s17] =	ssyncadd.s32 $0xFFFFC000  }
.LBB2_10:
0x22: {  	s20 =	sadd.s32 $0x1, s20  }
0x23: {  	s21 =	sshll.u32 s2, $0x6;
	[bflag:$0x0] =	sbarrier.arrive $0xFFFF;
	p1 =	sne.s32 s20, s8  }
.Ltmp1:
0x24: {  	s22 =	sshrl.u32 s5, $0x3;
	s21 =	sor.u32 $0x1C02, s21;
	(pc) =	sbr.rel @!p1 .LBB2_11-.Ltmp1, $4  }
0x25: {  	[hbm:s7], [sflag:s21] =	dma.local [spmem:s22], $0x2780  }
0x26: {  	_ =	swait.ge [sflag:s17], $0x2780  }
0x27: {  	[sflag:s17] =	ssyncset.done $0x0  }
0x28: {  	[sflag:s17] =	ssyncadd.s32 $0xFFFFD880  }
.LBB2_1:
0x29: {  	s21 =	sand.u32 $0xFE00, s3  }
0x2a: {  	s22 =	sand.u32 $0x70, s3;
	s23 =	sshrl.u32 s21, $0x2  }
0x2b: {  	s21 =	simm.s32 $0x40;
	s23 =	sor.u32 s22, s23;
	s22 =	simm.s32 $0x0  }
.LBB2_2:
0x2c: {  	p1 =	sne.s32 s21, $0xFFC0  }
0x2d: {  	[tilespmem:s23+$0x100] =	vst v0;
	s22 =	sadd.s32 $0x10, s22;
	s23 =	smov.u32 s21;
	s21 =	sadd.s32 $0x40, s21  }
.Ltmp2:
0x2e: {  	(pc) =	sbr.rel @p1 .LBB2_2-.Ltmp2, $4  }
0x2f: {  	_ = 	snop  }
0x30: {  	s23 =	sand.u32 $0xFE00, s23  }
0x31: {  	s24 =	sand.u32 $0x70, s22;
	s23 =	sshrl.u32 s23, $0x2  }
0x32: {  	s23 =	sor.u32 s24, s23  }
0x33: {  	[tilespmem:s23+$0x100] =	vst v0  }
0x34: {  	[spmem:s5] =	stream.linear.scatter [tilespmem:s16], [sflag:$0x2], $0x4000, $0x38;
	[tilespmem:$0x17D00] =	vst v63  }
0x35: {  	_ =	swait.ge [sflag:s17], $0x4000  }
0x36: {  	[sflag:s17] =	ssyncset.done $0x0  }
0x37: {  	[sflag:s17] =	ssyncadd.s32 $0xFFFFC000  }
0x38: {  	[spmem:s9] =	stream.linear.scatter [tilespmem:s16], [sflag:$0x2], $0x4000, $0x38;
	[tilespmem:$0x17D00] =	vst v63  }
0x39: {  	_ =	swait.ge [sflag:s17], $0x4000  }
0x3a: {  	[sflag:s17] =	ssyncset.done $0x0  }
0x3b: {  	[sflag:s17] =	ssyncadd.s32 $0xFFFFC000  }
0x3c: {  	[spmem:s10] =	stream.linear.scatter [tilespmem:s16], [sflag:$0x2], $0x4000, $0x38;
	[tilespmem:$0x17D00] =	vst v63  }
0x3d: {  	_ =	swait.ge [sflag:s17], $0x4000  }
0x3e: {  	[sflag:s17] =	ssyncset.done $0x0  }
0x3f: {  	[sflag:s17] =	ssyncadd.s32 $0xFFFFC000  }
0x40: {  	[spmem:s11] =	stream.linear.scatter [tilespmem:s16], [sflag:$0x2], $0x4000, $0x38;
	[tilespmem:$0x17D00] =	vst v63  }
0x41: {  	_ =	swait.ge [sflag:s17], $0x4000  }
0x42: {  	[sflag:s17] =	ssyncset.done $0x0  }
0x43: {  	[sflag:s17] =	ssyncadd.s32 $0xFFFFC000  }
0x44: {  	[spmem:s6] =	stream.linear.scatter [tilespmem:s16], [sflag:$0x2], $0x3C00, $0x38;
	[tilespmem:$0x17D00] =	vst v63  }
.Ltmp3:
0x45: {  	_ =	swait.ge [sflag:s17], $0x3C00;
	(pc) =	sbr.rel @!p0 .LBB2_4-.Ltmp3, $3  }
0x46: {  	[sflag:s17] =	ssyncset.done $0x0  }
0x47: {  	[sflag:s17] =	ssyncadd.s32 $0xFFFFC400  }
0x48: {  	[bflag:$0x0] =	sbarrier.arrive $0xFFFF;
	_ =	sdelay $0x1  }
0x49: {  	s21 =	sadd.s32 $0x0, s15  }
0x4a: {  	[tilespmem:s3], [sflag:$0x2] =	stream.linear.gather [hbm4b:s21+s3], $0x80, $0x38;
	[tilespmem:$0x17D00] =	vst v63  }
0x4b: {  	_ =	swait.ge [sflag:s17], $0x80  }
0x4c: {  	[sflag:s17] =	ssyncset.done $0x0  }
0x4d: {  	s31 =	sadd.s32 $0x0, s14;
	[sflag:s17] =	ssyncadd.s32 $0xFFFFFF80  }
0x4e: {  	[tilespmem:s18], [sflag:$0x2] =	stream.linear.gather [hbm4b:s31+s3], $0x80, $0x38;
	[tilespmem:$0x17D00] =	vst v63  }
0x4f: {  	_ =	swait.ge [sflag:s17], $0x80  }
0x50: {  	[sflag:s17] =	ssyncset.done $0x0  }
0x51: {  	[sflag:s17] =	ssyncadd.s32 $0xFFFFFF80  }
0x52: {  	[tilespmem:s16], [sflag:$0x1] =	stream.indirect.gather [hbm4b:s4+s18], $0x80, s3, s18, $0xb8;
	[tilespmem:$0x17D00] =	vst v63  }
0x53: {  	_ =	swait.ge [sflag:s19], $0x4000  }
0x54: {  	[sflag:s19] =	ssyncset.done $0x0  }
0x55: {  	[sflag:s19] =	ssyncadd.s32 $0xFFFFC000  }
0x56: {  	[spmem:s1] =	stream.indirect.scatter.add.f32 [tilespmem:s16], [sflag:$0x2], $0x80, s18, s18, $0xb8;
	[tilespmem:$0x17D00] =	vst v63  }
0x57: {  	_ =	swait.ge [sflag:s17], $0x4000  }
0x58: {  	s22 =	simm.s32 $0x20;
	s21 =	simm.s32 $0x10;
	[sflag:s17] =	ssyncset.done $0x0  }
.LBB2_8:
0x59: {  	s23 =	sadd.s32 s21, s15  }
0x5a: {  	[sflag:s17] =	ssyncadd.s32 $0xFFFFC000;
	s24 =	smov.u32 s22;
	s25 =	sadd.s32 $0x10, s22  }
0x5b: {  	[tilespmem:s3], [sflag:$0x2] =	stream.linear.gather [hbm4b:s23+s3], $0x80, $0x38;
	[tilespmem:$0x17D00] =	vst v63  }
0x5c: {  	p1 =	sne.s32 s22, $0x3C0;
	_ =	swait.ge [sflag:s17], $0x80  }
0x5d: {  	[sflag:s17] =	ssyncset.done $0x0  }
0x5e: {  	s22 =	sadd.s32 s21, s14;
	s21 =	smov.u32 s24;
	[sflag:s17] =	ssyncadd.s32 $0xFFFFFF80  }
0x5f: {  	[tilespmem:s18], [sflag:$0x2] =	stream.linear.gather [hbm4b:s22+s3], $0x80, $0x38;
	[tilespmem:$0x17D00] =	vst v63  }
0x60: {  	_ =	swait.ge [sflag:s17], $0x80  }
0x61: {  	[sflag:s17] =	ssyncset.done $0x0  }
0x62: {  	[sflag:s17] =	ssyncadd.s32 $0xFFFFFF80  }
0x63: {  	[tilespmem:s16], [sflag:$0x1] =	stream.indirect.gather [hbm4b:s4+s18], $0x80, s3, s18, $0xb8;
	[tilespmem:$0x17D00] =	vst v63  }
0x64: {  	_ =	swait.ge [sflag:s19], $0x4000  }
.Ltmp4:
0x65: {  	[sflag:s19] =	ssyncset.done $0x0;
	(pc) =	sbr.rel @p1 .LBB2_8-.Ltmp4, $4  }
0x66: {  	[sflag:s19] =	ssyncadd.s32 $0xFFFFC000  }
0x67: {  	[spmem:s1] =	stream.indirect.scatter.add.f32 [tilespmem:s16], [sflag:$0x2], $0x80, s18, s18, $0xb8;
	[tilespmem:$0x17D00] =	vst v63  }
0x68: {  	_ =	swait.ge [sflag:s17], $0x4000  }
0x69: {  	s22 =	smov.u32 s25;
	[sflag:s17] =	ssyncset.done $0x0  }
0x6a: {  	s22 =	sadd.s32 s21, s15;
	[sflag:s17] =	ssyncadd.s32 $0xFFFFC000  }
0x6b: {  	[tilespmem:s3], [sflag:$0x2] =	stream.linear.gather [hbm4b:s22+s3], $0x80, $0x38;
	[tilespmem:$0x17D00] =	vst v63  }
0x6c: {  	_ =	swait.ge [sflag:s17], $0x80  }
0x6d: {  	[sflag:s17] =	ssyncset.done $0x0  }
0x6e: {  	s31 =	sadd.s32 s21, s14;
	[sflag:s17] =	ssyncadd.s32 $0xFFFFFF80  }
0x6f: {  	[tilespmem:s18], [sflag:$0x2] =	stream.linear.gather [hbm4b:s31+s3], $0x80, $0x38;
	[tilespmem:$0x17D00] =	vst v63  }
0x70: {  	_ =	swait.ge [sflag:s17], $0x80  }
0x71: {  	[sflag:s17] =	ssyncset.done $0x0  }
0x72: {  	[sflag:s17] =	ssyncadd.s32 $0xFFFFFF80  }
0x73: {  	[tilespmem:s16], [sflag:$0x1] =	stream.indirect.gather [hbm4b:s4+s18], $0x80, s3, s18, $0xb8;
	[tilespmem:$0x17D00] =	vst v63  }
0x74: {  	_ =	swait.ge [sflag:s19], $0x4000  }
0x75: {  	[sflag:s19] =	ssyncset.done $0x0  }
.Ltmp5:
0x76: {  	[sflag:s19] =	ssyncadd.s32 $0xFFFFC000;
	(pc) =	sbr.rel .LBB2_10-.Ltmp5, $4  }
0x77: {  	[spmem:s1] =	stream.indirect.scatter.add.f32 [tilespmem:s16], [sflag:$0x2], $0x80, s18, s18, $0xb8;
	[tilespmem:$0x17D00] =	vst v63  }
0x78: {  	_ =	swait.ge [sflag:s17], $0x4000  }
0x79: {  	[sflag:s17] =	ssyncset.done $0x0  }
0x7a: {  	[sflag:s17] =	ssyncadd.s32 $0xFFFFC000  }
.LBB2_4:
0x7b: {  	s21 =	sadd.s32 $0x0, s13  }
0x7c: {  	[tilespmem:s3], [sflag:$0x2] =	stream.linear.gather [hbm4b:s21+s3], $0x80, $0x38;
	[tilespmem:$0x17D00] =	vst v63  }
0x7d: {  	_ =	swait.ge [sflag:s17], $0x80  }
0x7e: {  	[sflag:s17] =	ssyncset.done $0x0  }
0x7f: {  	s31 =	sadd.s32 $0x0, s12;
	[sflag:s17] =	ssyncadd.s32 $0xFFFFFF80  }
0x80: {  	[tilespmem:s18], [sflag:$0x2] =	stream.linear.gather [hbm4b:s31+s3], $0x80, $0x38;
	[tilespmem:$0x17D00] =	vst v63  }
0x81: {  	_ =	swait.ge [sflag:s17], $0x80  }
0x82: {  	[sflag:s17] =	ssyncset.done $0x0  }
0x83: {  	[sflag:s17] =	ssyncadd.s32 $0xFFFFFF80  }
0x84: {  	[tilespmem:s16], [sflag:$0x1] =	stream.indirect.gather [hbm4b:s4+s18], $0x80, s3, s18, $0xb8;
	[tilespmem:$0x17D00] =	vst v63  }
0x85: {  	_ =	swait.ge [sflag:s19], $0x4000  }
0x86: {  	[sflag:s19] =	ssyncset.done $0x0  }
0x87: {  	[sflag:s19] =	ssyncadd.s32 $0xFFFFC000  }
0x88: {  	[spmem:s1] =	stream.indirect.scatter.add.f32 [tilespmem:s16], [sflag:$0x2], $0x80, s18, s18, $0xb8;
	[tilespmem:$0x17D00] =	vst v63  }
0x89: {  	_ =	swait.ge [sflag:s17], $0x4000  }
0x8a: {  	s22 =	simm.s32 $0x20;
	s21 =	simm.s32 $0x10;
	[sflag:s17] =	ssyncset.done $0x0  }
.LBB2_5:
0x8b: {  	s23 =	sadd.s32 s21, s13  }
0x8c: {  	[sflag:s17] =	ssyncadd.s32 $0xFFFFC000;
	s24 =	smov.u32 s22;
	s25 =	sadd.s32 $0x10, s22  }
0x8d: {  	[tilespmem:s3], [sflag:$0x2] =	stream.linear.gather [hbm4b:s23+s3], $0x80, $0x38;
	[tilespmem:$0x17D00] =	vst v63  }
0x8e: {  	p1 =	seq.s32 s22, $0x600;
	_ =	swait.ge [sflag:s17], $0x80  }
0x8f: {  	[sflag:s17] =	ssyncset.done $0x0  }
0x90: {  	s22 =	sadd.s32 s21, s12;
	s21 =	smov.u32 s24;
	[sflag:s17] =	ssyncadd.s32 $0xFFFFFF80  }
0x91: {  	[tilespmem:s18], [sflag:$0x2] =	stream.linear.gather [hbm4b:s22+s3], $0x80, $0x38;
	[tilespmem:$0x17D00] =	vst v63  }
0x92: {  	_ =	swait.ge [sflag:s17], $0x80  }
0x93: {  	[sflag:s17] =	ssyncset.done $0x0  }
0x94: {  	[sflag:s17] =	ssyncadd.s32 $0xFFFFFF80  }
0x95: {  	[tilespmem:s16], [sflag:$0x1] =	stream.indirect.gather [hbm4b:s4+s18], $0x80, s3, s18, $0xb8;
	[tilespmem:$0x17D00] =	vst v63  }
0x96: {  	_ =	swait.ge [sflag:s19], $0x4000  }
.Ltmp6:
0x97: {  	[sflag:s19] =	ssyncset.done $0x0;
	(pc) =	sbr.rel @!p1 .LBB2_5-.Ltmp6, $4  }
0x98: {  	[sflag:s19] =	ssyncadd.s32 $0xFFFFC000  }
0x99: {  	[spmem:s1] =	stream.indirect.scatter.add.f32 [tilespmem:s16], [sflag:$0x2], $0x80, s18, s18, $0xb8;
	[tilespmem:$0x17D00] =	vst v63  }
0x9a: {  	_ =	swait.ge [sflag:s17], $0x4000  }
0x9b: {  	s22 =	smov.u32 s25;
	[sflag:s17] =	ssyncset.done $0x0  }
.Ltmp7:
0x9c: {  	_ = 	snop;
	(pc) =	sbr.rel .LBB2_6-.Ltmp7, $1  }
0x9d: {  	_ =	sdelay $0x3  }
.LBB2_11:
0x9e: {  	_ =	sfence.sel $0x180000  }
0x9f: {  	[bflag:$0x0] =	sbarrier.arrive $0xFFFF  }
0xa0: {  	p0 =	sne.s32 s2, $0x0;
	_ =	strace $0x90000047  }
0xa1: {  	s0 =	sadd.s32 @!p0 $0x100000, s0;
	[bflag:$0x2] =	sbarrier.arrive $0xFFFF  }
0xa2: {  	[sflag:s0] =	ssyncadd.tile.s32 @!p0 $0x1;
	_ =	shalt  }
.Lfunc_end2:
_tile_overlayer_lowered:
.L_overlay_start_2:
0xa3: {  	(tag) =	ssettag $0x2  }
0xa4: {  	s0 =	rddreg [dreg:$0x0];
	s2 =	stileid.u32  }
0xa5: {  	s1 =	rddreg [dreg:$0x1];
	p0 =	sne.s32 s2, $0x0  }
0xa6: {  	s3 =	rddreg [dreg:$0x2];
	[bflag:$0x3] =	sbarrier.arrive $0xFFFF;
	s2 =	simm.s32 @!p0 $0x1C02  }
0xa7: {  	[timem:s3], [sflag:s2] =	dma.local @!p0 [hbm:s0], s1  }
0xa8: {  	s0 =	simm.s32 @!p0 $0x2  }
0xa9: {  	_ =	swait.ge @!p0 [sflag:s0], s1  }
0xaa: {  	s1 =	ssub.s32 @!p0 $0x0, s1;
	[sflag:s0] =	ssyncset.done @!p0 $0x0  }
0xab: {  	[sflag:s0] =	ssyncadd.s32 @!p0 s1  }
0xac: {  	[bflag:$0x3] =	sbarrier.arrive $0xFFFF  }
0xad: {  	_ =	shalt  }

// kernel: kernel.14.cloned.1.call-start
scs
__scs_entry_jumppad:
0x0: {  	(pc) =	sbr.rel $0x88, $3  }
0x1: {  	(tag) =	ssettag $0x0;
	lr =	simm.s32 $0x1  }
0x2: {  	[smem:$0x3F8F] =	sst lr;
	_ =	strace $0xD0000000  }
0x3: {  	_ = 	snop  }
0x4: {  	_ = 	snop  }
0x5: {  	_ = 	snop  }
0x6: {  	_ = 	snop  }
0x7: {  	_ = 	snop  }
__scs_overlays_trampoline_lowered:
0x8: {  	[smem:$0x3F9E] =	sst s0  }
0x9: {  	[smem:$0x3F9F] =	sst s1  }
0xa: {  	[smem:$0x3FA0] =	sst s2  }
0xb: {  	[smem:$0x3FA1] =	sst s3  }
0xc: {  	[smem:$0x3FA2] =	sst s4  }
0xd: {  	[smem:$0x3FA3] =	sst s5  }
0xe: {  	[smem:$0x3FA4] =	sst s6  }
0xf: {  	[smem:$0x3FA5] =	sst s7  }
0x10: {  	[smem:$0x3FA6] =	sst s8  }
0x11: {  	[smem:$0x3FA7] =	sst s9;
	s0 =	simm.s32 @!p0 $0x0  }
0x12: {  	s1 =	sld [smem:$0x3F8D];
	s0 =	simm.s32 @p0 $0x1  }
0x13: {  	[smem:$0x3FA8] =	sst s0;
	s0 =	simm.s32 @!p1 $0x0  }
0x14: {  	s2 =	sld [smem:$0x3F8C];
	s0 =	simm.s32 @p1 $0x1  }
0x15: {  	[smem:$0x3FA9] =	sst s0;
	s0 =	simm.s32 @!p2 $0x0  }
0x16: {  	s3 =	sld [smem:$0x3FDB];
	s0 =	simm.s32 @p2 $0x1  }
0x17: {  	s4 =	simm.s32 $0x1BF5;
	[smem:$0x3FAB] =	sst s0  }
0x18: {  	s0 =	sld [smem:$0x3F8E];
	_ =	swait.ge [sflag:s4], $0x0  }
0x19: {  	s7 =	sld [smem:$0x3F8F]  }
0x1a: {  	s8 =	sadd.s32 $0xFFFFE003, lr  }
0x1b: {  	s9 =	sadd.s32 $0xFFFFFEF7, lr;
	s5 =	simm.s32 $0xFFFFFFFF;
	p2 =	slt.u32 s8, $0xFFFFF086  }
0x1c: {  	p1 =	slt.u32 s9, $0xF7A;
	s5 =	simm.s32 @!p2 $0x0  }
0x1d: {  	s5 =	simm.s32 @p1 $0x1;
	p0 =	seq.s32 s7, s2  }
0x1e: {  	s7 =	smul.u32 @!p0 $0xF7A, s2;
	p2 =	seq.s32 @!p0 s5, $0x0  }
0x1f: {  	s9 =	smul.u32 $0xF7A, s1;
	s8 =	simm.s32 @!p0 $0x1BF5;
	p2 =	por !p2, p0  }
0x20: {  	[sflag:s8] =	ssyncset.s32 @!p0 $0xFFFFF086;
	s6 =	sadd.s32 @!p0 s3, s7;
	s7 =	simm.s32 @!p0 $0x108  }
0x21: {  	s3 =	sadd.s32 s3, s9;
	s6 =	sadd.s32 @!p0 $0x88, s6;
	s7 =	simm.s32 @p2 $0x1082  }
0x22: {  	[simem:s7], [sflag:s8] =	dma.local @!p0 [hbm:s6], $0xF7A  }
0x23: {  	s9 =	sor.u32 $0xD0000000, s2;
	s6 =	simm.s32 $0x108;
	_ =	swait.ge @!p0 [sflag:s8], $0x0  }
0x24: {  	s3 =	sadd.s32 $0x88, s3;
	s6 =	simm.s32 @!p1 $0x1082;
	[sflag:s4] =	ssyncset.s32 $0xFFFFF086  }
0x25: {  	[simem:s6], [sflag:s4] =	dma.local [hbm:s3], $0xF7A  }
0x26: {  	[smem:$0x3F8F] =	sst s1;
	(tag) =	ssettag s2;
	_ =	strace s9  }
0x27: {  	s1 =	sld [smem:$0x3F9F]  }
0x28: {  	s2 =	sld [smem:$0x3FA0]  }
0x29: {  	s4 =	sld [smem:$0x3FA2]  }
0x2a: {  	p0 =	seq.s32 s5, $0x0;
	s5 =	sld [smem:$0x3FA3]  }
0x2b: {  	s6 =	sld [smem:$0x3FA4]  }
0x2c: {  	s7 =	sld [smem:$0x3FA5]  }
0x2d: {  	s3 =	simm.s32 $0x108;
	s8 =	sld [smem:$0x3FA6]  }
0x2e: {  	s3 =	simm.s32 @!p0 $0x1082;
	s9 =	sld [smem:$0x3FA7]  }
0x2f: {  	lr =	sadd.s32 s0, s3;
	s0 =	sld [smem:$0x3F9E]  }
0x30: {  	s3 =	sld [smem:$0x3FA1]  }
0x31: {  	[smem:$0x3FAA] =	sst s10  }
0x32: {  	s10 =	sld [smem:$0x3FA8];
	_ =	sdelay $0x3  }
0x33: {  	p0 =	seq.s32 s10, $0x1;
	s10 =	sld [smem:$0x3FAA];
	_ =	sdelay $0x3  }
0x34: {  	[smem:$0x3FAA] =	sst s10  }
0x35: {  	s10 =	sld [smem:$0x3FA9];
	_ =	sdelay $0x3  }
0x36: {  	p1 =	seq.s32 s10, $0x1;
	s10 =	sld [smem:$0x3FAA];
	_ =	sdelay $0x3  }
0x37: {  	[smem:$0x3FAA] =	sst s10  }
0x38: {  	s10 =	sld [smem:$0x3FAB]  }
0x39: {  	_ = 	snop;
	(pc) =	sbr.ind lr, $3  }
0x3a: {  	_ = 	snop  }
0x3b: {  	_ = 	snop  }
0x3c: {  	p2 =	seq.s32 s10, $0x1;
	s10 =	sld [smem:$0x3FAA]  }
0x3d: {  	_ =	shalt  }
0x3e: {  	_ =	shalt  }
0x3f: {  	_ =	shalt  }
0x40: {  	_ =	shalt  }
0x41: {  	_ =	shalt  }
0x42: {  	_ =	shalt  }
0x43: {  	_ =	shalt  }
0x44: {  	_ =	shalt  }
0x45: {  	_ =	shalt  }
0x46: {  	_ =	shalt  }
0x47: {  	_ =	shalt  }
0x48: {  	_ =	shalt  }
0x49: {  	_ =	shalt  }
0x4a: {  	_ =	shalt  }
0x4b: {  	_ =	shalt  }
0x4c: {  	_ =	shalt  }
0x4d: {  	_ =	shalt  }
0x4e: {  	_ =	shalt  }
0x4f: {  	_ =	shalt  }
0x50: {  	_ =	shalt  }
0x51: {  	_ =	shalt  }
0x52: {  	_ =	shalt  }
0x53: {  	_ =	shalt  }
0x54: {  	_ =	shalt  }
0x55: {  	_ =	shalt  }
0x56: {  	_ =	shalt  }
0x57: {  	_ =	shalt  }
0x58: {  	_ =	shalt  }
0x59: {  	_ =	shalt  }
0x5a: {  	_ =	shalt  }
0x5b: {  	_ =	shalt  }
0x5c: {  	_ =	shalt  }
0x5d: {  	_ =	shalt  }
0x5e: {  	_ =	shalt  }
0x5f: {  	_ =	shalt  }
0x60: {  	_ =	shalt  }
0x61: {  	_ =	shalt  }
0x62: {  	_ =	shalt  }
0x63: {  	_ =	shalt  }
0x64: {  	_ =	shalt  }
0x65: {  	_ =	shalt  }
0x66: {  	_ =	shalt  }
0x67: {  	_ =	shalt  }
0x68: {  	_ =	shalt  }
0x69: {  	_ =	shalt  }
0x6a: {  	_ =	shalt  }
0x6b: {  	_ =	shalt  }
0x6c: {  	_ =	shalt  }
0x6d: {  	_ =	shalt  }
0x6e: {  	_ =	shalt  }
0x6f: {  	_ =	shalt  }
0x70: {  	_ =	shalt  }
0x71: {  	_ =	shalt  }
0x72: {  	_ =	shalt  }
0x73: {  	_ =	shalt  }
0x74: {  	_ =	shalt  }
0x75: {  	_ =	shalt  }
0x76: {  	_ =	shalt  }
0x77: {  	_ =	shalt  }
0x78: {  	_ =	shalt  }
0x79: {  	_ =	shalt  }
0x7a: {  	_ =	shalt  }
0x7b: {  	_ =	shalt  }
0x7c: {  	_ =	shalt  }
0x7d: {  	_ =	shalt  }
0x7e: {  	_ =	shalt  }
0x7f: {  	_ =	shalt  }
0x80: {  	_ =	shalt  }
0x81: {  	_ =	shalt  }
0x82: {  	_ =	shalt  }
0x83: {  	_ =	shalt  }
0x84: {  	_ =	shalt  }
0x85: {  	_ =	shalt  }
0x86: {  	_ =	shalt  }
0x87: {  	_ =	shalt  }
.Lfunc_end0:
.L_simem_size_0:
called_computation.1_lowered:
.L_overlay_start_0:
0x88: {  	s2 =	sld [smem:$0x3FD9]  }
0x89: {  	s3 =	sld [smem:$0x3FFE];
	_ =	sdelay $0x1  }
0x8a: {  	s1 =	srdreg.scid  }
0x8b: {  	s0 =	sand.u32 $0x1, s1  }
0x8c: {  	s16 =	sshll.u32 s0, $0xA;
	s2 =	sadd.s32 s3, s2  }
0x8d: {  	s2 =	sadd.s32 s2, s16  }
0x8e: {  	[smem:$0x3FB6] =	sst s2  }
0x8f: {  	_ = 	snop  }
0x90: {  	(tm) =	ssettm $0x1  }
0x91: {  	s17 =	sld [smem:$0x3FFB];
	_ =	sdelay $0x3  }
0x92: {  	_ =	strace s17  }
0x93: {  	s2 =	sld [smem:$0x3FFC];
	_ =	sdelay $0x3  }
0x94: {  	_ =	strace s2  }
0x95: {  	s2 =	sld [smem:$0x3FFD];
	_ =	sdelay $0x3  }
0x96: {  	_ =	strace s2  }
0x97: {  	_ =	strace $0x8FFFFFFF  }
0x98: {  	s18 =	sld [smem:$0x3FDB];
	_ =	sdelay $0x1  }
0x99: {  	s19 =	simm.s32 $_scs_section_size  }
0x9a: {  	s4 =	simm.s32 $_size__tile_overlayer_lowered;
	s5 =	simm.s32 $_tile_overlayer_lowered  }
0x9b: {  	s22 =	simm.s32 $0x1BFF;
	s21 =	sshll.u32 s5, $0x1;
	s2 =	sadd.s32 s19, s18  }
0x9c: {  	s6 =	simm.s32 $0x0;
	s20 =	sshll.u32 s4, $0x1;
	s4 =	sadd.s32 s21, s2  }
0x9d: {  	[timem:s6], [sflag:s22] =	dma.local [hbm:s4], s20  }
0x9e: {  	_ =	swait.ge [sflag:s22], s20  }
0x9f: {  	s3 =	ssub.s32 $0x0, s20;
	[sflag:s22] =	ssyncset.done $0x0  }
0xa0: {  	[sflag:s22] =	ssyncadd.s32 s3;
	_ =	sdelay $0x1  }
0xa1: {  	s23 =	simm.s32 $0x1B8B  }
0xa2: {  	_ =	swait.ge [sflag:s23], $0x1  }
0xa3: {  	[sflag:s23] =	ssyncset.done $0x0  }
0xa4: {  	s25 =	simm.s32 $0x1B8E;
	s24 =	sld [smem:$0x3FFE];
	[sflag:s23] =	ssyncadd.s32 $0xFFFFFFFF  }
0xa5: {  	s26 =	simm.s32 $execute0_lowered;
	[smem:$0x3FD2] =	sst s25  }
0xa6: {  	s4 =	sshll.u32 s26, $0x1;
	_ =	strace $0x80000049;
	[dreg:$0x1] =	wrdreg $0xFFFFFFFF  }
0xa7: {  	s28 =	simm.s32 $_size_execute0_lowered;
	s2 =	sadd.s32 s2, s4;
	[dreg:$0x0] =	wrdreg $0x0  }
0xa8: {  	s4 =	sshll.u32 s28, $0x1;
	[dreg:$0x2] =	wrdreg s2  }
0xa9: {  	[dreg:$0x3] =	wrdreg s4  }
0xaa: {  	[dreg:$0x4] =	wrdreg $0xC0  }
0xab: {  	_ =	task [dreg:s6], $0x5FFFF  }
0xac: {  	[dreg:$0x1] =	wrdreg $0xFFFFFFFF  }
0xad: {  	[dreg:$0x0] =	wrdreg $0x60  }
0xae: {  	[dreg:$0x2] =	wrdreg s24  }
0xaf: {  	[dreg:$0x3] =	wrdreg $0x41000  }
0xb0: {  	[dreg:$0x4] =	wrdreg $0x9  }
0xb1: {  	_ =	task.clear_ibuf [dreg:s6], $0x5FFFF;
	_ =	strace $0x90000049  }
0xb2: {  	s29 =	simm.s32 $0x9;
	_ =	strace $0x8000004B  }
0xb3: {  	_ =	swait.ge [sflag:s29], $0x1  }
0xb4: {  	[sflag:s29] =	ssyncadd.s32 $0xFFFFFFFF  }
0xb5: {  	_ =	strace $0x9000004B  }
0xb6: {  	_ =	sfence  }
0xb7: {  	s30 =	sld [smem:$0x0];
	_ =	sdelay $0x2  }
0xb8: {  	s31 =	sshll.u32 s1, $0xD;
	s1 =	sshrl.u32 s1, $0x2  }
0xb9: {  	s3 =	sand.u32 $0x4000, s31;
	s1 =	sadd.s32 s1, s30  }
0xba: {  	s0 =	sor.u32 s3, s0;
	s1 =	sshll.u32 s1, $0x11  }
0xbb: {  	s0 =	sor.u32 s1, s0  }
0xbc: {  	s0 =	sadd.s32 $0x8F2B, s0  }
0xbd: {  	[sflag:s0] =	ssyncadd.remote.s32 $0x1  }
0xbe: {  	_ =	sfence.sel $0xFFFF  }
0xbf: {  	[dreg:$0x0] =	wrdreg $0xFFFFFFFF;
	(pc) =	sbr.abs _section_cstart, $3  }
0xc0: {  	[dreg:$0x1] =	wrdreg $0xFFFFFFFF  }
0xc1: {  	_ =	task.clear_ibuf [dreg:s6], $0x2FFFF;
	_ =	strace $0x9FFFFFFF  }
0xc2: {  	(tm) =	ssettm $0x7FFFFFFF  }
0xc3: {  	_ =	shalt  }
tec
execute0_lowered:
.L_overlay_start_1:
0x0: {  	(tag) =	ssettag $0x1  }
0x1: {  	s5 =	rddreg [dreg:$0x0]  }
0x2: {  	s1 =	rddreg [dreg:$0x1]  }
0x3: {  	s2 =	srdreg.scid;
	s0 =	rddreg [dreg:$0x2];
	s3 =	simm.s32 $0x0  }
0x4: {  	s18 =	simm.s32 $0x80;
	s19 =	simm.s32 $0x1;
	s7 =	sand.u32 $0x1, s2  }
0x5: {  	s20 =	simm.s32 $0x0;
	s2 =	stileid.u32;
	s6 =	smul.u32 $0x13C000, s7  }
0x6: {  	[smem:$0x7FF] =	sst s3;
	s15 =	sadd.s32 $0x3200, s5;
	s8 =	smul.u32 $0x13C00, s2  }
0x7: {  	s13 =	sadd.s32 $0xD000, s5;
	s4 =	sadd.s32 $0x16E00, s5;
	s9 =	smul.u32 $0x4F000, s2  }
0x8: {  	_ =	strace $0x8000004A;
	s30 =	ssub.s32 $0x2, s7;
	s14 =	smul.u32 $0x610, s2  }
0x9: {  	p0 =	seq.s32 s7, $0x1;
	s16 =	smul.u32 $0x3D0, s2;
	s31 =	sshrl.u32 s30, $0x1  }
0xa: {  	s6 =	sadd.s32 s8, s6;
	s9 =	sshrl.u32 s9, $0x2;
	s8 =	ssub.s32 s30, s31  }
0xb: {  	s12 =	sadd.s32 s14, s13;
	s17 =	sadd.s32 s16, s13;
	s13 =	sadd.s32 s14, s15  }
.Ltmp0:
0xc: {  	s15 =	sadd.s32 s16, s15;
	s16 =	simm.s32 $0x100;
	(pc) =	sbr.rel .LBB2_1-.Ltmp0, $4  }
0xd: {  	s6 =	sshrl.u32 s6, $0x3;
	s8 =	smax.u32 s8, $0x1;
	s14 =	sadd.s32 $0x6100, s17  }
0xe: {  	s15 =	sadd.s32 $0x6100, s15;
	s10 =	sadd.s32 s6, s5;
	s5 =	sadd.s32 s9, s1  }
0xf: {  	s17 =	simm.s32 $0x2;
	s6 =	sadd.s32 $0x10000, s5;
	s7 =	sadd.s32 $0xB3200, s10  }
0x10: {  	v0 =	vimm.f32 $0.0e+00;
	s9 =	sadd.s32 $0x4000, s5;
	s10 =	sadd.s32 $0x8000, s5;
	s11 =	sadd.s32 $0xC000, s5  }
.LBB2_6:
0x11: {  	s22 =	sadd.s32 s21, s13;
	[sflag:s17] =	ssyncadd.s32 $0xFFFFC000  }
0x12: {  	[tilespmem:s3], [sflag:$0x2] =	stream.linear.gather [hbm4b:s22+s3], $0x80, $0x38;
	[tilespmem:$0x17D00] =	vst v63  }
0x13: {  	_ =	swait.ge [sflag:s17], $0x80  }
0x14: {  	[sflag:s17] =	ssyncset.done $0x0  }
0x15: {  	s31 =	sadd.s32 s21, s12;
	[sflag:s17] =	ssyncadd.s32 $0xFFFFFF80  }
0x16: {  	[tilespmem:s18], [sflag:$0x2] =	stream.linear.gather [hbm4b:s31+s3], $0x80, $0x38;
	[tilespmem:$0x17D00] =	vst v63  }
0x17: {  	_ =	swait.ge [sflag:s17], $0x80  }
0x18: {  	[sflag:s17] =	ssyncset.done $0x0  }
0x19: {  	[sflag:s17] =	ssyncadd.s32 $0xFFFFFF80  }
0x1a: {  	[tilespmem:s16], [sflag:$0x1] =	stream.indirect.gather [hbm4b:s4+s18], $0x80, s3, s18, $0xb8;
	[tilespmem:$0x17D00] =	vst v63  }
0x1b: {  	_ =	swait.ge [sflag:s19], $0x4000  }
0x1c: {  	[sflag:s19] =	ssyncset.done $0x0  }
0x1d: {  	[sflag:s19] =	ssyncadd.s32 $0xFFFFC000  }
0x1e: {  	[spmem:s1] =	stream.indirect.scatter.add.f32 [tilespmem:s16], [sflag:$0x2], $0x80, s18, s18, $0xb8;
	[tilespmem:$0x17D00] =	vst v63  }
0x1f: {  	_ =	swait.ge [sflag:s17], $0x4000  }
0x20: {  	[sflag:s17] =	ssyncset.done $0x0  }
0x21: {  	[sflag:s17] =	ssyncadd.s32 $0xFFFFC000  }
.LBB2_10:
0x22: {  	s20 =	sadd.s32 $0x1, s20  }
0x23: {  	s21 =	sshll.u32 s2, $0x6;
	[bflag:$0x0] =	sbarrier.arrive $0xFFFF;
	p1 =	sne.s32 s20, s8  }
.Ltmp1:
0x24: {  	s22 =	sshrl.u32 s5, $0x3;
	s21 =	sor.u32 $0x1C02, s21;
	(pc) =	sbr.rel @!p1 .LBB2_11-.Ltmp1, $4  }
0x25: {  	[hbm:s7], [sflag:s21] =	dma.local [spmem:s22], $0x2780  }
0x26: {  	_ =	swait.ge [sflag:s17], $0x2780  }
0x27: {  	[sflag:s17] =	ssyncset.done $0x0  }
0x28: {  	[sflag:s17] =	ssyncadd.s32 $0xFFFFD880  }
.LBB2_1:
0x29: {  	s21 =	sand.u32 $0xFE00, s3  }
0x2a: {  	s22 =	sand.u32 $0x70, s3;
	s23 =	sshrl.u32 s21, $0x2  }
0x2b: {  	s21 =	simm.s32 $0x40;
	s23 =	sor.u32 s22, s23;
	s22 =	simm.s32 $0x0  }
.LBB2_2:
0x2c: {  	p1 =	sne.s32 s21, $0xFFC0  }
0x2d: {  	[tilespmem:s23+$0x100] =	vst v0;
	s22 =	sadd.s32 $0x10, s22;
	s23 =	smov.u32 s21;
	s21 =	sadd.s32 $0x40, s21  }
.Ltmp2:
0x2e: {  	(pc) =	sbr.rel @p1 .LBB2_2-.Ltmp2, $4  }
0x2f: {  	_ = 	snop  }
0x30: {  	s23 =	sand.u32 $0xFE00, s23  }
0x31: {  	s24 =	sand.u32 $0x70, s22;
	s23 =	sshrl.u32 s23, $0x2  }
0x32: {  	s23 =	sor.u32 s24, s23  }
0x33: {  	[tilespmem:s23+$0x100] =	vst v0  }
0x34: {  	[spmem:s5] =	stream.linear.scatter [tilespmem:s16], [sflag:$0x2], $0x4000, $0x38;
	[tilespmem:$0x17D00] =	vst v63  }
0x35: {  	_ =	swait.ge [sflag:s17], $0x4000  }
0x36: {  	[sflag:s17] =	ssyncset.done $0x0  }
0x37: {  	[sflag:s17] =	ssyncadd.s32 $0xFFFFC000  }
0x38: {  	[spmem:s9] =	stream.linear.scatter [tilespmem:s16], [sflag:$0x2], $0x4000, $0x38;
	[tilespmem:$0x17D00] =	vst v63  }
0x39: {  	_ =	swait.ge [sflag:s17], $0x4000  }
0x3a: {  	[sflag:s17] =	ssyncset.done $0x0  }
0x3b: {  	[sflag:s17] =	ssyncadd.s32 $0xFFFFC000  }
0x3c: {  	[spmem:s10] =	stream.linear.scatter [tilespmem:s16], [sflag:$0x2], $0x4000, $0x38;
	[tilespmem:$0x17D00] =	vst v63  }
0x3d: {  	_ =	swait.ge [sflag:s17], $0x4000  }
0x3e: {  	[sflag:s17] =	ssyncset.done $0x0  }
0x3f: {  	[sflag:s17] =	ssyncadd.s32 $0xFFFFC000  }
0x40: {  	[spmem:s11] =	stream.linear.scatter [tilespmem:s16], [sflag:$0x2], $0x4000, $0x38;
	[tilespmem:$0x17D00] =	vst v63  }
0x41: {  	_ =	swait.ge [sflag:s17], $0x4000  }
0x42: {  	[sflag:s17] =	ssyncset.done $0x0  }
0x43: {  	[sflag:s17] =	ssyncadd.s32 $0xFFFFC000  }
0x44: {  	[spmem:s6] =	stream.linear.scatter [tilespmem:s16], [sflag:$0x2], $0x3C00, $0x38;
	[tilespmem:$0x17D00] =	vst v63  }
.Ltmp3:
0x45: {  	_ =	swait.ge [sflag:s17], $0x3C00;
	(pc) =	sbr.rel @!p0 .LBB2_4-.Ltmp3, $3  }
0x46: {  	[sflag:s17] =	ssyncset.done $0x0  }
0x47: {  	[sflag:s17] =	ssyncadd.s32 $0xFFFFC400  }
0x48: {  	[bflag:$0x0] =	sbarrier.arrive $0xFFFF;
	_ =	sdelay $0x1  }
0x49: {  	s21 =	sadd.s32 $0x0, s15  }
0x4a: {  	[tilespmem:s3], [sflag:$0x2] =	stream.linear.gather [hbm4b:s21+s3], $0x80, $0x38;
	[tilespmem:$0x17D00] =	vst v63  }
0x4b: {  	_ =	swait.ge [sflag:s17], $0x80  }
0x4c: {  	[sflag:s17] =	ssyncset.done $0x0  }
0x4d: {  	s31 =	sadd.s32 $0x0, s14;
	[sflag:s17] =	ssyncadd.s32 $0xFFFFFF80  }
0x4e: {  	[tilespmem:s18], [sflag:$0x2] =	stream.linear.gather [hbm4b:s31+s3], $0x80, $0x38;
	[tilespmem:$0x17D00] =	vst v63  }
0x4f: {  	_ =	swait.ge [sflag:s17], $0x80  }
0x50: {  	[sflag:s17] =	ssyncset.done $0x0  }
0x51: {  	[sflag:s17] =	ssyncadd.s32 $0xFFFFFF80  }
0x52: {  	[tilespmem:s16], [sflag:$0x1] =	stream.indirect.gather [hbm4b:s4+s18], $0x80, s3, s18, $0xb8;
	[tilespmem:$0x17D00] =	vst v63  }
0x53: {  	_ =	swait.ge [sflag:s19], $0x4000  }
0x54: {  	[sflag:s19] =	ssyncset.done $0x0  }
0x55: {  	[sflag:s19] =	ssyncadd.s32 $0xFFFFC000  }
0x56: {  	[spmem:s1] =	stream.indirect.scatter.add.f32 [tilespmem:s16], [sflag:$0x2], $0x80, s18, s18, $0xb8;
	[tilespmem:$0x17D00] =	vst v63  }
0x57: {  	_ =	swait.ge [sflag:s17], $0x4000  }
0x58: {  	s22 =	simm.s32 $0x20;
	s21 =	simm.s32 $0x10;
	[sflag:s17] =	ssyncset.done $0x0  }
.LBB2_8:
0x59: {  	s23 =	sadd.s32 s21, s15  }
0x5a: {  	[sflag:s17] =	ssyncadd.s32 $0xFFFFC000;
	s24 =	smov.u32 s22;
	s25 =	sadd.s32 $0x10, s22  }
0x5b: {  	[tilespmem:s3], [sflag:$0x2] =	stream.linear.gather [hbm4b:s23+s3], $0x80, $0x38;
	[tilespmem:$0x17D00] =	vst v63  }
0x5c: {  	p1 =	sne.s32 s22, $0x3C0;
	_ =	swait.ge [sflag:s17], $0x80  }
0x5d: {  	[sflag:s17] =	ssyncset.done $0x0  }
0x5e: {  	s22 =	sadd.s32 s21, s14;
	s21 =	smov.u32 s24;
	[sflag:s17] =	ssyncadd.s32 $0xFFFFFF80  }
0x5f: {  	[tilespmem:s18], [sflag:$0x2] =	stream.linear.gather [hbm4b:s22+s3], $0x80, $0x38;
	[tilespmem:$0x17D00] =	vst v63  }
0x60: {  	_ =	swait.ge [sflag:s17], $0x80  }
0x61: {  	[sflag:s17] =	ssyncset.done $0x0  }
0x62: {  	[sflag:s17] =	ssyncadd.s32 $0xFFFFFF80  }
0x63: {  	[tilespmem:s16], [sflag:$0x1] =	stream.indirect.gather [hbm4b:s4+s18], $0x80, s3, s18, $0xb8;
	[tilespmem:$0x17D00] =	vst v63  }
0x64: {  	_ =	swait.ge [sflag:s19], $0x4000  }
.Ltmp4:
0x65: {  	[sflag:s19] =	ssyncset.done $0x0;
	(pc) =	sbr.rel @p1 .LBB2_8-.Ltmp4, $4  }
0x66: {  	[sflag:s19] =	ssyncadd.s32 $0xFFFFC000  }
0x67: {  	[spmem:s1] =	stream.indirect.scatter.add.f32 [tilespmem:s16], [sflag:$0x2], $0x80, s18, s18, $0xb8;
	[tilespmem:$0x17D00] =	vst v63  }
0x68: {  	_ =	swait.ge [sflag:s17], $0x4000  }
0x69: {  	s22 =	smov.u32 s25;
	[sflag:s17] =	ssyncset.done $0x0  }
0x6a: {  	s22 =	sadd.s32 s21, s15;
	[sflag:s17] =	ssyncadd.s32 $0xFFFFC000  }
0x6b: {  	[tilespmem:s3], [sflag:$0x2] =	stream.linear.gather [hbm4b:s22+s3], $0x80, $0x38;
	[tilespmem:$0x17D00] =	vst v63  }
0x6c: {  	_ =	swait.ge [sflag:s17], $0x80  }
0x6d: {  	[sflag:s17] =	ssyncset.done $0x0  }
0x6e: {  	s31 =	sadd.s32 s21, s14;
	[sflag:s17] =	ssyncadd.s32 $0xFFFFFF80  }
0x6f: {  	[tilespmem:s18], [sflag:$0x2] =	stream.linear.gather [hbm4b:s31+s3], $0x80, $0x38;
	[tilespmem:$0x17D00] =	vst v63  }
0x70: {  	_ =	swait.ge [sflag:s17], $0x80  }
0x71: {  	[sflag:s17] =	ssyncset.done $0x0  }
0x72: {  	[sflag:s17] =	ssyncadd.s32 $0xFFFFFF80  }
0x73: {  	[tilespmem:s16], [sflag:$0x1] =	stream.indirect.gather [hbm4b:s4+s18], $0x80, s3, s18, $0xb8;
	[tilespmem:$0x17D00] =	vst v63  }
0x74: {  	_ =	swait.ge [sflag:s19], $0x4000  }
0x75: {  	[sflag:s19] =	ssyncset.done $0x0  }
.Ltmp5:
0x76: {  	[sflag:s19] =	ssyncadd.s32 $0xFFFFC000;
	(pc) =	sbr.rel .LBB2_10-.Ltmp5, $4  }
0x77: {  	[spmem:s1] =	stream.indirect.scatter.add.f32 [tilespmem:s16], [sflag:$0x2], $0x80, s18, s18, $0xb8;
	[tilespmem:$0x17D00] =	vst v63  }
0x78: {  	_ =	swait.ge [sflag:s17], $0x4000  }
0x79: {  	[sflag:s17] =	ssyncset.done $0x0  }
0x7a: {  	[sflag:s17] =	ssyncadd.s32 $0xFFFFC000  }
.LBB2_4:
0x7b: {  	s21 =	sadd.s32 $0x0, s13  }
0x7c: {  	[tilespmem:s3], [sflag:$0x2] =	stream.linear.gather [hbm4b:s21+s3], $0x80, $0x38;
	[tilespmem:$0x17D00] =	vst v63  }
0x7d: {  	_ =	swait.ge [sflag:s17], $0x80  }
0x7e: {  	[sflag:s17] =	ssyncset.done $0x0  }
0x7f: {  	s31 =	sadd.s32 $0x0, s12;
	[sflag:s17] =	ssyncadd.s32 $0xFFFFFF80  }
0x80: {  	[tilespmem:s18], [sflag:$0x2] =	stream.linear.gather [hbm4b:s31+s3], $0x80, $0x38;
	[tilespmem:$0x17D00] =	vst v63  }
0x81: {  	_ =	swait.ge [sflag:s17], $0x80  }
0x82: {  	[sflag:s17] =	ssyncset.done $0x0  }
0x83: {  	[sflag:s17] =	ssyncadd.s32 $0xFFFFFF80  }
0x84: {  	[tilespmem:s16], [sflag:$0x1] =	stream.indirect.gather [hbm4b:s4+s18], $0x80, s3, s18, $0xb8;
	[tilespmem:$0x17D00] =	vst v63  }
0x85: {  	_ =	swait.ge [sflag:s19], $0x4000  }
0x86: {  	[sflag:s19] =	ssyncset.done $0x0  }
0x87: {  	[sflag:s19] =	ssyncadd.s32 $0xFFFFC000  }
0x88: {  	[spmem:s1] =	stream.indirect.scatter.add.f32 [tilespmem:s16], [sflag:$0x2], $0x80, s18, s18, $0xb8;
	[tilespmem:$0x17D00] =	vst v63  }
0x89: {  	_ =	swait.ge [sflag:s17], $0x4000  }
0x8a: {  	s22 =	simm.s32 $0x20;
	s21 =	simm.s32 $0x10;
	[sflag:s17] =	ssyncset.done $0x0  }
.LBB2_5:
0x8b: {  	s23 =	sadd.s32 s21, s13  }
0x8c: {  	[sflag:s17] =	ssyncadd.s32 $0xFFFFC000;
	s24 =	smov.u32 s22;
	s25 =	sadd.s32 $0x10, s22  }
0x8d: {  	[tilespmem:s3], [sflag:$0x2] =	stream.linear.gather [hbm4b:s23+s3], $0x80, $0x38;
	[tilespmem:$0x17D00] =	vst v63  }
0x8e: {  	p1 =	seq.s32 s22, $0x600;
	_ =	swait.ge [sflag:s17], $0x80  }
0x8f: {  	[sflag:s17] =	ssyncset.done $0x0  }
0x90: {  	s22 =	sadd.s32 s21, s12;
	s21 =	smov.u32 s24;
	[sflag:s17] =	ssyncadd.s32 $0xFFFFFF80  }
0x91: {  	[tilespmem:s18], [sflag:$0x2] =	stream.linear.gather [hbm4b:s22+s3], $0x80, $0x38;
	[tilespmem:$0x17D00] =	vst v63  }
0x92: {  	_ =	swait.ge [sflag:s17], $0x80  }
0x93: {  	[sflag:s17] =	ssyncset.done $0x0  }
0x94: {  	[sflag:s17] =	ssyncadd.s32 $0xFFFFFF80  }
0x95: {  	[tilespmem:s16], [sflag:$0x1] =	stream.indirect.gather [hbm4b:s4+s18], $0x80, s3, s18, $0xb8;
	[tilespmem:$0x17D00] =	vst v63  }
0x96: {  	_ =	swait.ge [sflag:s19], $0x4000  }
.Ltmp6:
0x97: {  	[sflag:s19] =	ssyncset.done $0x0;
	(pc) =	sbr.rel @!p1 .LBB2_5-.Ltmp6, $4  }
0x98: {  	[sflag:s19] =	ssyncadd.s32 $0xFFFFC000  }
0x99: {  	[spmem:s1] =	stream.indirect.scatter.add.f32 [tilespmem:s16], [sflag:$0x2], $0x80, s18, s18, $0xb8;
	[tilespmem:$0x17D00] =	vst v63  }
0x9a: {  	_ =	swait.ge [sflag:s17], $0x4000  }
0x9b: {  	s22 =	smov.u32 s25;
	[sflag:s17] =	ssyncset.done $0x0  }
.Ltmp7:
0x9c: {  	_ = 	snop;
	(pc) =	sbr.rel .LBB2_6-.Ltmp7, $1  }
0x9d: {  	_ =	sdelay $0x3  }
.LBB2_11:
0x9e: {  	_ =	sfence.sel $0x180000  }
0x9f: {  	[bflag:$0x0] =	sbarrier.arrive $0xFFFF  }
0xa0: {  	p0 =	sne.s32 s2, $0x0;
	_ =	strace $0x9000004A  }
0xa1: {  	s0 =	sadd.s32 @!p0 $0x100000, s0;
	[bflag:$0x2] =	sbarrier.arrive $0xFFFF  }
0xa2: {  	[sflag:s0] =	ssyncadd.tile.s32 @!p0 $0x1;
	_ =	shalt  }
.Lfunc_end2:
_tile_overlayer_lowered:
.L_overlay_start_2:
0xa3: {  	(tag) =	ssettag $0x2  }
0xa4: {  	s0 =	rddreg [dreg:$0x0];
	s2 =	stileid.u32  }
0xa5: {  	s1 =	rddreg [dreg:$0x1];
	p0 =	sne.s32 s2, $0x0  }
0xa6: {  	s3 =	rddreg [dreg:$0x2];
	[bflag:$0x3] =	sbarrier.arrive $0xFFFF;
	s2 =	simm.s32 @!p0 $0x1C02  }
0xa7: {  	[timem:s3], [sflag:s2] =	dma.local @!p0 [hbm:s0], s1  }
0xa8: {  	s0 =	simm.s32 @!p0 $0x2  }
0xa9: {  	_ =	swait.ge @!p0 [sflag:s0], s1  }
0xaa: {  	s1 =	ssub.s32 @!p0 $0x0, s1;
	[sflag:s0] =	ssyncset.done @!p0 $0x0  }
0xab: {  	[sflag:s0] =	ssyncadd.s32 @!p0 s1  }
0xac: {  	[bflag:$0x3] =	sbarrier.arrive $0xFFFF  }
0xad: {  	_ =	shalt  }

// kernel: kernel.17.cloned.1.call-start
scs
__scs_entry_jumppad:
0x0: {  	(pc) =	sbr.rel $0x88, $3  }
0x1: {  	(tag) =	ssettag $0x0;
	lr =	simm.s32 $0x1  }
0x2: {  	[smem:$0x3F8F] =	sst lr;
	_ =	strace $0xD0000000  }
0x3: {  	_ = 	snop  }
0x4: {  	_ = 	snop  }
0x5: {  	_ = 	snop  }
0x6: {  	_ = 	snop  }
0x7: {  	_ = 	snop  }
__scs_overlays_trampoline_lowered:
0x8: {  	[smem:$0x3F9E] =	sst s0  }
0x9: {  	[smem:$0x3F9F] =	sst s1  }
0xa: {  	[smem:$0x3FA0] =	sst s2  }
0xb: {  	[smem:$0x3FA1] =	sst s3  }
0xc: {  	[smem:$0x3FA2] =	sst s4  }
0xd: {  	[smem:$0x3FA3] =	sst s5  }
0xe: {  	[smem:$0x3FA4] =	sst s6  }
0xf: {  	[smem:$0x3FA5] =	sst s7  }
0x10: {  	[smem:$0x3FA6] =	sst s8  }
0x11: {  	[smem:$0x3FA7] =	sst s9;
	s0 =	simm.s32 @!p0 $0x0  }
0x12: {  	s1 =	sld [smem:$0x3F8D];
	s0 =	simm.s32 @p0 $0x1  }
0x13: {  	[smem:$0x3FA8] =	sst s0;
	s0 =	simm.s32 @!p1 $0x0  }
0x14: {  	s2 =	sld [smem:$0x3F8C];
	s0 =	simm.s32 @p1 $0x1  }
0x15: {  	[smem:$0x3FA9] =	sst s0;
	s0 =	simm.s32 @!p2 $0x0  }
0x16: {  	s3 =	sld [smem:$0x3FDB];
	s0 =	simm.s32 @p2 $0x1  }
0x17: {  	s4 =	simm.s32 $0x1BF5;
	[smem:$0x3FAB] =	sst s0  }
0x18: {  	s0 =	sld [smem:$0x3F8E];
	_ =	swait.ge [sflag:s4], $0x0  }
0x19: {  	s7 =	sld [smem:$0x3F8F]  }
0x1a: {  	s8 =	sadd.s32 $0xFFFFE003, lr  }
0x1b: {  	s9 =	sadd.s32 $0xFFFFFEF7, lr;
	s5 =	simm.s32 $0xFFFFFFFF;
	p2 =	slt.u32 s8, $0xFFFFF086  }
0x1c: {  	p1 =	slt.u32 s9, $0xF7A;
	s5 =	simm.s32 @!p2 $0x0  }
0x1d: {  	s5 =	simm.s32 @p1 $0x1;
	p0 =	seq.s32 s7, s2  }
0x1e: {  	s7 =	smul.u32 @!p0 $0xF7A, s2;
	p2 =	seq.s32 @!p0 s5, $0x0  }
0x1f: {  	s9 =	smul.u32 $0xF7A, s1;
	s8 =	simm.s32 @!p0 $0x1BF5;
	p2 =	por !p2, p0  }
0x20: {  	[sflag:s8] =	ssyncset.s32 @!p0 $0xFFFFF086;
	s6 =	sadd.s32 @!p0 s3, s7;
	s7 =	simm.s32 @!p0 $0x108  }
0x21: {  	s3 =	sadd.s32 s3, s9;
	s6 =	sadd.s32 @!p0 $0x88, s6;
	s7 =	simm.s32 @p2 $0x1082  }
0x22: {  	[simem:s7], [sflag:s8] =	dma.local @!p0 [hbm:s6], $0xF7A  }
0x23: {  	s9 =	sor.u32 $0xD0000000, s2;
	s6 =	simm.s32 $0x108;
	_ =	swait.ge @!p0 [sflag:s8], $0x0  }
0x24: {  	s3 =	sadd.s32 $0x88, s3;
	s6 =	simm.s32 @!p1 $0x1082;
	[sflag:s4] =	ssyncset.s32 $0xFFFFF086  }
0x25: {  	[simem:s6], [sflag:s4] =	dma.local [hbm:s3], $0xF7A  }
0x26: {  	[smem:$0x3F8F] =	sst s1;
	(tag) =	ssettag s2;
	_ =	strace s9  }
0x27: {  	s1 =	sld [smem:$0x3F9F]  }
0x28: {  	s2 =	sld [smem:$0x3FA0]  }
0x29: {  	s4 =	sld [smem:$0x3FA2]  }
0x2a: {  	p0 =	seq.s32 s5, $0x0;
	s5 =	sld [smem:$0x3FA3]  }
0x2b: {  	s6 =	sld [smem:$0x3FA4]  }
0x2c: {  	s7 =	sld [smem:$0x3FA5]  }
0x2d: {  	s3 =	simm.s32 $0x108;
	s8 =	sld [smem:$0x3FA6]  }
0x2e: {  	s3 =	simm.s32 @!p0 $0x1082;
	s9 =	sld [smem:$0x3FA7]  }
0x2f: {  	lr =	sadd.s32 s0, s3;
	s0 =	sld [smem:$0x3F9E]  }
0x30: {  	s3 =	sld [smem:$0x3FA1]  }
0x31: {  	[smem:$0x3FAA] =	sst s10  }
0x32: {  	s10 =	sld [smem:$0x3FA8];
	_ =	sdelay $0x3  }
0x33: {  	p0 =	seq.s32 s10, $0x1;
	s10 =	sld [smem:$0x3FAA];
	_ =	sdelay $0x3  }
0x34: {  	[smem:$0x3FAA] =	sst s10  }
0x35: {  	s10 =	sld [smem:$0x3FA9];
	_ =	sdelay $0x3  }
0x36: {  	p1 =	seq.s32 s10, $0x1;
	s10 =	sld [smem:$0x3FAA];
	_ =	sdelay $0x3  }
0x37: {  	[smem:$0x3FAA] =	sst s10  }
0x38: {  	s10 =	sld [smem:$0x3FAB]  }
0x39: {  	_ = 	snop;
	(pc) =	sbr.ind lr, $3  }
0x3a: {  	_ = 	snop  }
0x3b: {  	_ = 	snop  }
0x3c: {  	p2 =	seq.s32 s10, $0x1;
	s10 =	sld [smem:$0x3FAA]  }
0x3d: {  	_ =	shalt  }
0x3e: {  	_ =	shalt  }
0x3f: {  	_ =	shalt  }
0x40: {  	_ =	shalt  }
0x41: {  	_ =	shalt  }
0x42: {  	_ =	shalt  }
0x43: {  	_ =	shalt  }
0x44: {  	_ =	shalt  }
0x45: {  	_ =	shalt  }
0x46: {  	_ =	shalt  }
0x47: {  	_ =	shalt  }
0x48: {  	_ =	shalt  }
0x49: {  	_ =	shalt  }
0x4a: {  	_ =	shalt  }
0x4b: {  	_ =	shalt  }
0x4c: {  	_ =	shalt  }
0x4d: {  	_ =	shalt  }
0x4e: {  	_ =	shalt  }
0x4f: {  	_ =	shalt  }
0x50: {  	_ =	shalt  }
0x51: {  	_ =	shalt  }
0x52: {  	_ =	shalt  }
0x53: {  	_ =	shalt  }
0x54: {  	_ =	shalt  }
0x55: {  	_ =	shalt  }
0x56: {  	_ =	shalt  }
0x57: {  	_ =	shalt  }
0x58: {  	_ =	shalt  }
0x59: {  	_ =	shalt  }
0x5a: {  	_ =	shalt  }
0x5b: {  	_ =	shalt  }
0x5c: {  	_ =	shalt  }
0x5d: {  	_ =	shalt  }
0x5e: {  	_ =	shalt  }
0x5f: {  	_ =	shalt  }
0x60: {  	_ =	shalt  }
0x61: {  	_ =	shalt  }
0x62: {  	_ =	shalt  }
0x63: {  	_ =	shalt  }
0x64: {  	_ =	shalt  }
0x65: {  	_ =	shalt  }
0x66: {  	_ =	shalt  }
0x67: {  	_ =	shalt  }
0x68: {  	_ =	shalt  }
0x69: {  	_ =	shalt  }
0x6a: {  	_ =	shalt  }
0x6b: {  	_ =	shalt  }
0x6c: {  	_ =	shalt  }
0x6d: {  	_ =	shalt  }
0x6e: {  	_ =	shalt  }
0x6f: {  	_ =	shalt  }
0x70: {  	_ =	shalt  }
0x71: {  	_ =	shalt  }
0x72: {  	_ =	shalt  }
0x73: {  	_ =	shalt  }
0x74: {  	_ =	shalt  }
0x75: {  	_ =	shalt  }
0x76: {  	_ =	shalt  }
0x77: {  	_ =	shalt  }
0x78: {  	_ =	shalt  }
0x79: {  	_ =	shalt  }
0x7a: {  	_ =	shalt  }
0x7b: {  	_ =	shalt  }
0x7c: {  	_ =	shalt  }
0x7d: {  	_ =	shalt  }
0x7e: {  	_ =	shalt  }
0x7f: {  	_ =	shalt  }
0x80: {  	_ =	shalt  }
0x81: {  	_ =	shalt  }
0x82: {  	_ =	shalt  }
0x83: {  	_ =	shalt  }
0x84: {  	_ =	shalt  }
0x85: {  	_ =	shalt  }
0x86: {  	_ =	shalt  }
0x87: {  	_ =	shalt  }
.Lfunc_end0:
.L_simem_size_0:
called_computation.2_lowered:
.L_overlay_start_0:
0x88: {  	s2 =	sld [smem:$0x3FD9]  }
0x89: {  	s3 =	sld [smem:$0x3FFE];
	_ =	sdelay $0x1  }
0x8a: {  	s1 =	srdreg.scid  }
0x8b: {  	s0 =	sand.u32 $0x1, s1  }
0x8c: {  	s16 =	sshll.u32 s0, $0xA;
	s2 =	sadd.s32 s3, s2  }
0x8d: {  	s2 =	sadd.s32 s2, s16  }
0x8e: {  	[smem:$0x3FB6] =	sst s2  }
0x8f: {  	_ = 	snop  }
0x90: {  	(tm) =	ssettm $0x1  }
0x91: {  	s17 =	sld [smem:$0x3FFB];
	_ =	sdelay $0x3  }
0x92: {  	_ =	strace s17  }
0x93: {  	s2 =	sld [smem:$0x3FFC];
	_ =	sdelay $0x3  }
0x94: {  	_ =	strace s2  }
0x95: {  	s2 =	sld [smem:$0x3FFD];
	_ =	sdelay $0x3  }
0x96: {  	_ =	strace s2  }
0x97: {  	_ =	strace $0x8FFFFFFF  }
0x98: {  	s18 =	sld [smem:$0x3FDB];
	_ =	sdelay $0x1  }
0x99: {  	s19 =	simm.s32 $_scs_section_size  }
0x9a: {  	s4 =	simm.s32 $_size__tile_overlayer_lowered;
	s5 =	simm.s32 $_tile_overlayer_lowered  }
0x9b: {  	s22 =	simm.s32 $0x1BFF;
	s21 =	sshll.u32 s5, $0x1;
	s2 =	sadd.s32 s19, s18  }
0x9c: {  	s6 =	simm.s32 $0x0;
	s20 =	sshll.u32 s4, $0x1;
	s4 =	sadd.s32 s21, s2  }
0x9d: {  	[timem:s6], [sflag:s22] =	dma.local [hbm:s4], s20  }
0x9e: {  	_ =	swait.ge [sflag:s22], s20  }
0x9f: {  	s3 =	ssub.s32 $0x0, s20;
	[sflag:s22] =	ssyncset.done $0x0  }
0xa0: {  	[sflag:s22] =	ssyncadd.s32 s3;
	_ =	sdelay $0x1  }
0xa1: {  	s23 =	simm.s32 $0x1B8B  }
0xa2: {  	_ =	swait.ge [sflag:s23], $0x1  }
0xa3: {  	[sflag:s23] =	ssyncset.done $0x0  }
0xa4: {  	s25 =	simm.s32 $0x1B8E;
	s24 =	sld [smem:$0x3FFE];
	[sflag:s23] =	ssyncadd.s32 $0xFFFFFFFF  }
0xa5: {  	s26 =	simm.s32 $execute0_lowered;
	[smem:$0x3FD2] =	sst s25  }
0xa6: {  	s4 =	sshll.u32 s26, $0x1;
	_ =	strace $0x8000004C;
	[dreg:$0x1] =	wrdreg $0xFFFFFFFF  }
0xa7: {  	s28 =	simm.s32 $_size_execute0_lowered;
	s2 =	sadd.s32 s2, s4;
	[dreg:$0x0] =	wrdreg $0x0  }
0xa8: {  	s4 =	sshll.u32 s28, $0x1;
	[dreg:$0x2] =	wrdreg s2  }
0xa9: {  	[dreg:$0x3] =	wrdreg s4  }
0xaa: {  	[dreg:$0x4] =	wrdreg $0xC0  }
0xab: {  	_ =	task [dreg:s6], $0x5FFFF  }
0xac: {  	[dreg:$0x1] =	wrdreg $0xFFFFFFFF  }
0xad: {  	[dreg:$0x0] =	wrdreg $0x60  }
0xae: {  	[dreg:$0x2] =	wrdreg s24  }
0xaf: {  	[dreg:$0x3] =	wrdreg $0x41000  }
0xb0: {  	[dreg:$0x4] =	wrdreg $0x9  }
0xb1: {  	_ =	task.clear_ibuf [dreg:s6], $0x5FFFF;
	_ =	strace $0x9000004C  }
0xb2: {  	s29 =	simm.s32 $0x9;
	_ =	strace $0x8000004E  }
0xb3: {  	_ =	swait.ge [sflag:s29], $0x1  }
0xb4: {  	[sflag:s29] =	ssyncadd.s32 $0xFFFFFFFF  }
0xb5: {  	_ =	strace $0x9000004E  }
0xb6: {  	_ =	sfence  }
0xb7: {  	s30 =	sld [smem:$0x0];
	_ =	sdelay $0x2  }
0xb8: {  	s31 =	sshll.u32 s1, $0xD;
	s1 =	sshrl.u32 s1, $0x2  }
0xb9: {  	s3 =	sand.u32 $0x4000, s31;
	s1 =	sadd.s32 s1, s30  }
0xba: {  	s0 =	sor.u32 s3, s0;
	s1 =	sshll.u32 s1, $0x11  }
0xbb: {  	s0 =	sor.u32 s1, s0  }
0xbc: {  	s0 =	sadd.s32 $0x8F2B, s0  }
0xbd: {  	[sflag:s0] =	ssyncadd.remote.s32 $0x1  }
0xbe: {  	_ =	sfence.sel $0xFFFF  }
0xbf: {  	[dreg:$0x0] =	wrdreg $0xFFFFFFFF;
	(pc) =	sbr.abs _section_cstart, $3  }
0xc0: {  	[dreg:$0x1] =	wrdreg $0xFFFFFFFF  }
0xc1: {  	_ =	task.clear_ibuf [dreg:s6], $0x2FFFF;
	_ =	strace $0x9FFFFFFF  }
0xc2: {  	(tm) =	ssettm $0x7FFFFFFF  }
0xc3: {  	_ =	shalt  }
tec
execute0_lowered:
.L_overlay_start_1:
0x0: {  	(tag) =	ssettag $0x1  }
0x1: {  	s5 =	rddreg [dreg:$0x0]  }
0x2: {  	s1 =	rddreg [dreg:$0x1]  }
0x3: {  	s2 =	srdreg.scid;
	s0 =	rddreg [dreg:$0x2];
	s3 =	simm.s32 $0x0  }
0x4: {  	s18 =	simm.s32 $0x80;
	s19 =	simm.s32 $0x1;
	s7 =	sand.u32 $0x1, s2  }
0x5: {  	s20 =	simm.s32 $0x0;
	s2 =	stileid.u32;
	s6 =	smul.u32 $0x13C000, s7  }
0x6: {  	[smem:$0x7FF] =	sst s3;
	s15 =	sadd.s32 $0x3200, s5;
	s8 =	smul.u32 $0x13C00, s2  }
0x7: {  	s13 =	sadd.s32 $0xD000, s5;
	s4 =	sadd.s32 $0x16E00, s5;
	s9 =	smul.u32 $0x4F000, s2  }
0x8: {  	_ =	strace $0x8000004D;
	s30 =	ssub.s32 $0x2, s7;
	s14 =	smul.u32 $0x610, s2  }
0x9: {  	p0 =	seq.s32 s7, $0x1;
	s16 =	smul.u32 $0x3D0, s2;
	s31 =	sshrl.u32 s30, $0x1  }
0xa: {  	s6 =	sadd.s32 s8, s6;
	s9 =	sshrl.u32 s9, $0x2;
	s8 =	ssub.s32 s30, s31  }
0xb: {  	s12 =	sadd.s32 s14, s13;
	s17 =	sadd.s32 s16, s13;
	s13 =	sadd.s32 s14, s15  }
.Ltmp0:
0xc: {  	s15 =	sadd.s32 s16, s15;
	s16 =	simm.s32 $0x100;
	(pc) =	sbr.rel .LBB2_1-.Ltmp0, $4  }
0xd: {  	s6 =	sshrl.u32 s6, $0x3;
	s8 =	smax.u32 s8, $0x1;
	s14 =	sadd.s32 $0x6100, s17  }
0xe: {  	s15 =	sadd.s32 $0x6100, s15;
	s10 =	sadd.s32 s6, s5;
	s5 =	sadd.s32 s9, s1  }
0xf: {  	s17 =	simm.s32 $0x2;
	s6 =	sadd.s32 $0x10000, s5;
	s7 =	sadd.s32 $0xB3200, s10  }
0x10: {  	v0 =	vimm.f32 $0.0e+00;
	s9 =	sadd.s32 $0x4000, s5;
	s10 =	sadd.s32 $0x8000, s5;
	s11 =	sadd.s32 $0xC000, s5  }
.LBB2_6:
0x11: {  	s22 =	sadd.s32 s21, s13;
	[sflag:s17] =	ssyncadd.s32 $0xFFFFC000  }
0x12: {  	[tilespmem:s3], [sflag:$0x2] =	stream.linear.gather [hbm4b:s22+s3], $0x80, $0x38;
	[tilespmem:$0x17D00] =	vst v63  }
0x13: {  	_ =	swait.ge [sflag:s17], $0x80  }
0x14: {  	[sflag:s17] =	ssyncset.done $0x0  }
0x15: {  	s31 =	sadd.s32 s21, s12;
	[sflag:s17] =	ssyncadd.s32 $0xFFFFFF80  }
0x16: {  	[tilespmem:s18], [sflag:$0x2] =	stream.linear.gather [hbm4b:s31+s3], $0x80, $0x38;
	[tilespmem:$0x17D00] =	vst v63  }
0x17: {  	_ =	swait.ge [sflag:s17], $0x80  }
0x18: {  	[sflag:s17] =	ssyncset.done $0x0  }
0x19: {  	[sflag:s17] =	ssyncadd.s32 $0xFFFFFF80  }
0x1a: {  	[tilespmem:s16], [sflag:$0x1] =	stream.indirect.gather [hbm4b:s4+s18], $0x80, s3, s18, $0xb8;
	[tilespmem:$0x17D00] =	vst v63  }
0x1b: {  	_ =	swait.ge [sflag:s19], $0x4000  }
0x1c: {  	[sflag:s19] =	ssyncset.done $0x0  }
0x1d: {  	[sflag:s19] =	ssyncadd.s32 $0xFFFFC000  }
0x1e: {  	[spmem:s1] =	stream.indirect.scatter.add.f32 [tilespmem:s16], [sflag:$0x2], $0x80, s18, s18, $0xb8;
	[tilespmem:$0x17D00] =	vst v63  }
0x1f: {  	_ =	swait.ge [sflag:s17], $0x4000  }
0x20: {  	[sflag:s17] =	ssyncset.done $0x0  }
0x21: {  	[sflag:s17] =	ssyncadd.s32 $0xFFFFC000  }
.LBB2_10:
0x22: {  	s20 =	sadd.s32 $0x1, s20  }
0x23: {  	s21 =	sshll.u32 s2, $0x6;
	[bflag:$0x0] =	sbarrier.arrive $0xFFFF;
	p1 =	sne.s32 s20, s8  }
.Ltmp1:
0x24: {  	s22 =	sshrl.u32 s5, $0x3;
	s21 =	sor.u32 $0x1C02, s21;
	(pc) =	sbr.rel @!p1 .LBB2_11-.Ltmp1, $4  }
0x25: {  	[hbm:s7], [sflag:s21] =	dma.local [spmem:s22], $0x2780  }
0x26: {  	_ =	swait.ge [sflag:s17], $0x2780  }
0x27: {  	[sflag:s17] =	ssyncset.done $0x0  }
0x28: {  	[sflag:s17] =	ssyncadd.s32 $0xFFFFD880  }
.LBB2_1:
0x29: {  	s21 =	sand.u32 $0xFE00, s3  }
0x2a: {  	s22 =	sand.u32 $0x70, s3;
	s23 =	sshrl.u32 s21, $0x2  }
0x2b: {  	s21 =	simm.s32 $0x40;
	s23 =	sor.u32 s22, s23;
	s22 =	simm.s32 $0x0  }
.LBB2_2:
0x2c: {  	p1 =	sne.s32 s21, $0xFFC0  }
0x2d: {  	[tilespmem:s23+$0x100] =	vst v0;
	s22 =	sadd.s32 $0x10, s22;
	s23 =	smov.u32 s21;
	s21 =	sadd.s32 $0x40, s21  }
.Ltmp2:
0x2e: {  	(pc) =	sbr.rel @p1 .LBB2_2-.Ltmp2, $4  }
0x2f: {  	_ = 	snop  }
0x30: {  	s23 =	sand.u32 $0xFE00, s23  }
0x31: {  	s24 =	sand.u32 $0x70, s22;
	s23 =	sshrl.u32 s23, $0x2  }
0x32: {  	s23 =	sor.u32 s24, s23  }
0x33: {  	[tilespmem:s23+$0x100] =	vst v0  }
0x34: {  	[spmem:s5] =	stream.linear.scatter [tilespmem:s16], [sflag:$0x2], $0x4000, $0x38;
	[tilespmem:$0x17D00] =	vst v63  }
0x35: {  	_ =	swait.ge [sflag:s17], $0x4000  }
0x36: {  	[sflag:s17] =	ssyncset.done $0x0  }
0x37: {  	[sflag:s17] =	ssyncadd.s32 $0xFFFFC000  }
0x38: {  	[spmem:s9] =	stream.linear.scatter [tilespmem:s16], [sflag:$0x2], $0x4000, $0x38;
	[tilespmem:$0x17D00] =	vst v63  }
0x39: {  	_ =	swait.ge [sflag:s17], $0x4000  }
0x3a: {  	[sflag:s17] =	ssyncset.done $0x0  }
0x3b: {  	[sflag:s17] =	ssyncadd.s32 $0xFFFFC000  }
0x3c: {  	[spmem:s10] =	stream.linear.scatter [tilespmem:s16], [sflag:$0x2], $0x4000, $0x38;
	[tilespmem:$0x17D00] =	vst v63  }
0x3d: {  	_ =	swait.ge [sflag:s17], $0x4000  }
0x3e: {  	[sflag:s17] =	ssyncset.done $0x0  }
0x3f: {  	[sflag:s17] =	ssyncadd.s32 $0xFFFFC000  }
0x40: {  	[spmem:s11] =	stream.linear.scatter [tilespmem:s16], [sflag:$0x2], $0x4000, $0x38;
	[tilespmem:$0x17D00] =	vst v63  }
0x41: {  	_ =	swait.ge [sflag:s17], $0x4000  }
0x42: {  	[sflag:s17] =	ssyncset.done $0x0  }
0x43: {  	[sflag:s17] =	ssyncadd.s32 $0xFFFFC000  }
0x44: {  	[spmem:s6] =	stream.linear.scatter [tilespmem:s16], [sflag:$0x2], $0x3C00, $0x38;
	[tilespmem:$0x17D00] =	vst v63  }
.Ltmp3:
0x45: {  	_ =	swait.ge [sflag:s17], $0x3C00;
	(pc) =	sbr.rel @!p0 .LBB2_4-.Ltmp3, $3  }
0x46: {  	[sflag:s17] =	ssyncset.done $0x0  }
0x47: {  	[sflag:s17] =	ssyncadd.s32 $0xFFFFC400  }
0x48: {  	[bflag:$0x0] =	sbarrier.arrive $0xFFFF;
	_ =	sdelay $0x1  }
0x49: {  	s21 =	sadd.s32 $0x0, s15  }
0x4a: {  	[tilespmem:s3], [sflag:$0x2] =	stream.linear.gather [hbm4b:s21+s3], $0x80, $0x38;
	[tilespmem:$0x17D00] =	vst v63  }
0x4b: {  	_ =	swait.ge [sflag:s17], $0x80  }
0x4c: {  	[sflag:s17] =	ssyncset.done $0x0  }
0x4d: {  	s31 =	sadd.s32 $0x0, s14;
	[sflag:s17] =	ssyncadd.s32 $0xFFFFFF80  }
0x4e: {  	[tilespmem:s18], [sflag:$0x2] =	stream.linear.gather [hbm4b:s31+s3], $0x80, $0x38;
	[tilespmem:$0x17D00] =	vst v63  }
0x4f: {  	_ =	swait.ge [sflag:s17], $0x80  }
0x50: {  	[sflag:s17] =	ssyncset.done $0x0  }
0x51: {  	[sflag:s17] =	ssyncadd.s32 $0xFFFFFF80  }
0x52: {  	[tilespmem:s16], [sflag:$0x1] =	stream.indirect.gather [hbm4b:s4+s18], $0x80, s3, s18, $0xb8;
	[tilespmem:$0x17D00] =	vst v63  }
0x53: {  	_ =	swait.ge [sflag:s19], $0x4000  }
0x54: {  	[sflag:s19] =	ssyncset.done $0x0  }
0x55: {  	[sflag:s19] =	ssyncadd.s32 $0xFFFFC000  }
0x56: {  	[spmem:s1] =	stream.indirect.scatter.add.f32 [tilespmem:s16], [sflag:$0x2], $0x80, s18, s18, $0xb8;
	[tilespmem:$0x17D00] =	vst v63  }
0x57: {  	_ =	swait.ge [sflag:s17], $0x4000  }
0x58: {  	s22 =	simm.s32 $0x20;
	s21 =	simm.s32 $0x10;
	[sflag:s17] =	ssyncset.done $0x0  }
.LBB2_8:
0x59: {  	s23 =	sadd.s32 s21, s15  }
0x5a: {  	[sflag:s17] =	ssyncadd.s32 $0xFFFFC000;
	s24 =	smov.u32 s22;
	s25 =	sadd.s32 $0x10, s22  }
0x5b: {  	[tilespmem:s3], [sflag:$0x2] =	stream.linear.gather [hbm4b:s23+s3], $0x80, $0x38;
	[tilespmem:$0x17D00] =	vst v63  }
0x5c: {  	p1 =	sne.s32 s22, $0x3C0;
	_ =	swait.ge [sflag:s17], $0x80  }
0x5d: {  	[sflag:s17] =	ssyncset.done $0x0  }
0x5e: {  	s22 =	sadd.s32 s21, s14;
	s21 =	smov.u32 s24;
	[sflag:s17] =	ssyncadd.s32 $0xFFFFFF80  }
0x5f: {  	[tilespmem:s18], [sflag:$0x2] =	stream.linear.gather [hbm4b:s22+s3], $0x80, $0x38;
	[tilespmem:$0x17D00] =	vst v63  }
0x60: {  	_ =	swait.ge [sflag:s17], $0x80  }
0x61: {  	[sflag:s17] =	ssyncset.done $0x0  }
0x62: {  	[sflag:s17] =	ssyncadd.s32 $0xFFFFFF80  }
0x63: {  	[tilespmem:s16], [sflag:$0x1] =	stream.indirect.gather [hbm4b:s4+s18], $0x80, s3, s18, $0xb8;
	[tilespmem:$0x17D00] =	vst v63  }
0x64: {  	_ =	swait.ge [sflag:s19], $0x4000  }
.Ltmp4:
0x65: {  	[sflag:s19] =	ssyncset.done $0x0;
	(pc) =	sbr.rel @p1 .LBB2_8-.Ltmp4, $4  }
0x66: {  	[sflag:s19] =	ssyncadd.s32 $0xFFFFC000  }
0x67: {  	[spmem:s1] =	stream.indirect.scatter.add.f32 [tilespmem:s16], [sflag:$0x2], $0x80, s18, s18, $0xb8;
	[tilespmem:$0x17D00] =	vst v63  }
0x68: {  	_ =	swait.ge [sflag:s17], $0x4000  }
0x69: {  	s22 =	smov.u32 s25;
	[sflag:s17] =	ssyncset.done $0x0  }
0x6a: {  	s22 =	sadd.s32 s21, s15;
	[sflag:s17] =	ssyncadd.s32 $0xFFFFC000  }
0x6b: {  	[tilespmem:s3], [sflag:$0x2] =	stream.linear.gather [hbm4b:s22+s3], $0x80, $0x38;
	[tilespmem:$0x17D00] =	vst v63  }
0x6c: {  	_ =	swait.ge [sflag:s17], $0x80  }
0x6d: {  	[sflag:s17] =	ssyncset.done $0x0  }
0x6e: {  	s31 =	sadd.s32 s21, s14;
	[sflag:s17] =	ssyncadd.s32 $0xFFFFFF80  }
0x6f: {  	[tilespmem:s18], [sflag:$0x2] =	stream.linear.gather [hbm4b:s31+s3], $0x80, $0x38;
	[tilespmem:$0x17D00] =	vst v63  }
0x70: {  	_ =	swait.ge [sflag:s17], $0x80  }
0x71: {  	[sflag:s17] =	ssyncset.done $0x0  }
0x72: {  	[sflag:s17] =	ssyncadd.s32 $0xFFFFFF80  }
0x73: {  	[tilespmem:s16], [sflag:$0x1] =	stream.indirect.gather [hbm4b:s4+s18], $0x80, s3, s18, $0xb8;
	[tilespmem:$0x17D00] =	vst v63  }
0x74: {  	_ =	swait.ge [sflag:s19], $0x4000  }
0x75: {  	[sflag:s19] =	ssyncset.done $0x0  }
.Ltmp5:
0x76: {  	[sflag:s19] =	ssyncadd.s32 $0xFFFFC000;
	(pc) =	sbr.rel .LBB2_10-.Ltmp5, $4  }
0x77: {  	[spmem:s1] =	stream.indirect.scatter.add.f32 [tilespmem:s16], [sflag:$0x2], $0x80, s18, s18, $0xb8;
	[tilespmem:$0x17D00] =	vst v63  }
0x78: {  	_ =	swait.ge [sflag:s17], $0x4000  }
0x79: {  	[sflag:s17] =	ssyncset.done $0x0  }
0x7a: {  	[sflag:s17] =	ssyncadd.s32 $0xFFFFC000  }
.LBB2_4:
0x7b: {  	s21 =	sadd.s32 $0x0, s13  }
0x7c: {  	[tilespmem:s3], [sflag:$0x2] =	stream.linear.gather [hbm4b:s21+s3], $0x80, $0x38;
	[tilespmem:$0x17D00] =	vst v63  }
0x7d: {  	_ =	swait.ge [sflag:s17], $0x80  }
0x7e: {  	[sflag:s17] =	ssyncset.done $0x0  }
0x7f: {  	s31 =	sadd.s32 $0x0, s12;
	[sflag:s17] =	ssyncadd.s32 $0xFFFFFF80  }
0x80: {  	[tilespmem:s18], [sflag:$0x2] =	stream.linear.gather [hbm4b:s31+s3], $0x80, $0x38;
	[tilespmem:$0x17D00] =	vst v63  }
0x81: {  	_ =	swait.ge [sflag:s17], $0x80  }
0x82: {  	[sflag:s17] =	ssyncset.done $0x0  }
0x83: {  	[sflag:s17] =	ssyncadd.s32 $0xFFFFFF80  }
0x84: {  	[tilespmem:s16], [sflag:$0x1] =	stream.indirect.gather [hbm4b:s4+s18], $0x80, s3, s18, $0xb8;
	[tilespmem:$0x17D00] =	vst v63  }
0x85: {  	_ =	swait.ge [sflag:s19], $0x4000  }
0x86: {  	[sflag:s19] =	ssyncset.done $0x0  }
0x87: {  	[sflag:s19] =	ssyncadd.s32 $0xFFFFC000  }
0x88: {  	[spmem:s1] =	stream.indirect.scatter.add.f32 [tilespmem:s16], [sflag:$0x2], $0x80, s18, s18, $0xb8;
	[tilespmem:$0x17D00] =	vst v63  }
0x89: {  	_ =	swait.ge [sflag:s17], $0x4000  }
0x8a: {  	s22 =	simm.s32 $0x20;
	s21 =	simm.s32 $0x10;
	[sflag:s17] =	ssyncset.done $0x0  }
.LBB2_5:
0x8b: {  	s23 =	sadd.s32 s21, s13  }
0x8c: {  	[sflag:s17] =	ssyncadd.s32 $0xFFFFC000;
	s24 =	smov.u32 s22;
	s25 =	sadd.s32 $0x10, s22  }
0x8d: {  	[tilespmem:s3], [sflag:$0x2] =	stream.linear.gather [hbm4b:s23+s3], $0x80, $0x38;
	[tilespmem:$0x17D00] =	vst v63  }
0x8e: {  	p1 =	seq.s32 s22, $0x600;
	_ =	swait.ge [sflag:s17], $0x80  }
0x8f: {  	[sflag:s17] =	ssyncset.done $0x0  }
0x90: {  	s22 =	sadd.s32 s21, s12;
	s21 =	smov.u32 s24;
	[sflag:s17] =	ssyncadd.s32 $0xFFFFFF80  }
0x91: {  	[tilespmem:s18], [sflag:$0x2] =	stream.linear.gather [hbm4b:s22+s3], $0x80, $0x38;
	[tilespmem:$0x17D00] =	vst v63  }
0x92: {  	_ =	swait.ge [sflag:s17], $0x80  }
0x93: {  	[sflag:s17] =	ssyncset.done $0x0  }
0x94: {  	[sflag:s17] =	ssyncadd.s32 $0xFFFFFF80  }
0x95: {  	[tilespmem:s16], [sflag:$0x1] =	stream.indirect.gather [hbm4b:s4+s18], $0x80, s3, s18, $0xb8;
	[tilespmem:$0x17D00] =	vst v63  }
0x96: {  	_ =	swait.ge [sflag:s19], $0x4000  }
.Ltmp6:
0x97: {  	[sflag:s19] =	ssyncset.done $0x0;
	(pc) =	sbr.rel @!p1 .LBB2_5-.Ltmp6, $4  }
0x98: {  	[sflag:s19] =	ssyncadd.s32 $0xFFFFC000  }
0x99: {  	[spmem:s1] =	stream.indirect.scatter.add.f32 [tilespmem:s16], [sflag:$0x2], $0x80, s18, s18, $0xb8;
	[tilespmem:$0x17D00] =	vst v63  }
0x9a: {  	_ =	swait.ge [sflag:s17], $0x4000  }
0x9b: {  	s22 =	smov.u32 s25;
	[sflag:s17] =	ssyncset.done $0x0  }
.Ltmp7:
0x9c: {  	_ = 	snop;
	(pc) =	sbr.rel .LBB2_6-.Ltmp7, $1  }
0x9d: {  	_ =	sdelay $0x3  }
.LBB2_11:
0x9e: {  	_ =	sfence.sel $0x180000  }
0x9f: {  	[bflag:$0x0] =	sbarrier.arrive $0xFFFF  }
0xa0: {  	p0 =	sne.s32 s2, $0x0;
	_ =	strace $0x9000004D  }
0xa1: {  	s0 =	sadd.s32 @!p0 $0x100000, s0;
	[bflag:$0x2] =	sbarrier.arrive $0xFFFF  }
0xa2: {  	[sflag:s0] =	ssyncadd.tile.s32 @!p0 $0x1;
	_ =	shalt  }
.Lfunc_end2:
_tile_overlayer_lowered:
.L_overlay_start_2:
0xa3: {  	(tag) =	ssettag $0x2  }
0xa4: {  	s0 =	rddreg [dreg:$0x0];
	s2 =	stileid.u32  }
0xa5: {  	s1 =	rddreg [dreg:$0x1];
	p0 =	sne.s32 s2, $0x0  }
0xa6: {  	s3 =	rddreg [dreg:$0x2];
	[bflag:$0x3] =	sbarrier.arrive $0xFFFF;
	s2 =	simm.s32 @!p0 $0x1C02  }
0xa7: {  	[timem:s3], [sflag:s2] =	dma.local @!p0 [hbm:s0], s1  }
0xa8: {  	s0 =	simm.s32 @!p0 $0x2  }
0xa9: {  	_ =	swait.ge @!p0 [sflag:s0], s1  }
0xaa: {  	s1 =	ssub.s32 @!p0 $0x0, s1;
	[sflag:s0] =	ssyncset.done @!p0 $0x0  }
0xab: {  	[sflag:s0] =	ssyncadd.s32 @!p0 s1  }
0xac: {  	[bflag:$0x3] =	sbarrier.arrive $0xFFFF  }
0xad: {  	_ =	shalt  }

// kernel: kernel.20.cloned.1.call-start
scs
__scs_entry_jumppad:
0x0: {  	(pc) =	sbr.rel $0x88, $3  }
0x1: {  	(tag) =	ssettag $0x0;
	lr =	simm.s32 $0x1  }
0x2: {  	[smem:$0x3F8F] =	sst lr;
	_ =	strace $0xD0000000  }
0x3: {  	_ = 	snop  }
0x4: {  	_ = 	snop  }
0x5: {  	_ = 	snop  }
0x6: {  	_ = 	snop  }
0x7: {  	_ = 	snop  }
__scs_overlays_trampoline_lowered:
0x8: {  	[smem:$0x3F9E] =	sst s0  }
0x9: {  	[smem:$0x3F9F] =	sst s1  }
0xa: {  	[smem:$0x3FA0] =	sst s2  }
0xb: {  	[smem:$0x3FA1] =	sst s3  }
0xc: {  	[smem:$0x3FA2] =	sst s4  }
0xd: {  	[smem:$0x3FA3] =	sst s5  }
0xe: {  	[smem:$0x3FA4] =	sst s6  }
0xf: {  	[smem:$0x3FA5] =	sst s7  }
0x10: {  	[smem:$0x3FA6] =	sst s8  }
0x11: {  	[smem:$0x3FA7] =	sst s9;
	s0 =	simm.s32 @!p0 $0x0  }
0x12: {  	s1 =	sld [smem:$0x3F8D];
	s0 =	simm.s32 @p0 $0x1  }
0x13: {  	[smem:$0x3FA8] =	sst s0;
	s0 =	simm.s32 @!p1 $0x0  }
0x14: {  	s2 =	sld [smem:$0x3F8C];
	s0 =	simm.s32 @p1 $0x1  }
0x15: {  	[smem:$0x3FA9] =	sst s0;
	s0 =	simm.s32 @!p2 $0x0  }
0x16: {  	s3 =	sld [smem:$0x3FDB];
	s0 =	simm.s32 @p2 $0x1  }
0x17: {  	s4 =	simm.s32 $0x1BF5;
	[smem:$0x3FAB] =	sst s0  }
0x18: {  	s0 =	sld [smem:$0x3F8E];
	_ =	swait.ge [sflag:s4], $0x0  }
0x19: {  	s7 =	sld [smem:$0x3F8F]  }
0x1a: {  	s8 =	sadd.s32 $0xFFFFE003, lr  }
0x1b: {  	s9 =	sadd.s32 $0xFFFFFEF7, lr;
	s5 =	simm.s32 $0xFFFFFFFF;
	p2 =	slt.u32 s8, $0xFFFFF086  }
0x1c: {  	p1 =	slt.u32 s9, $0xF7A;
	s5 =	simm.s32 @!p2 $0x0  }
0x1d: {  	s5 =	simm.s32 @p1 $0x1;
	p0 =	seq.s32 s7, s2  }
0x1e: {  	s7 =	smul.u32 @!p0 $0xF7A, s2;
	p2 =	seq.s32 @!p0 s5, $0x0  }
0x1f: {  	s9 =	smul.u32 $0xF7A, s1;
	s8 =	simm.s32 @!p0 $0x1BF5;
	p2 =	por !p2, p0  }
0x20: {  	[sflag:s8] =	ssyncset.s32 @!p0 $0xFFFFF086;
	s6 =	sadd.s32 @!p0 s3, s7;
	s7 =	simm.s32 @!p0 $0x108  }
0x21: {  	s3 =	sadd.s32 s3, s9;
	s6 =	sadd.s32 @!p0 $0x88, s6;
	s7 =	simm.s32 @p2 $0x1082  }
0x22: {  	[simem:s7], [sflag:s8] =	dma.local @!p0 [hbm:s6], $0xF7A  }
0x23: {  	s9 =	sor.u32 $0xD0000000, s2;
	s6 =	simm.s32 $0x108;
	_ =	swait.ge @!p0 [sflag:s8], $0x0  }
0x24: {  	s3 =	sadd.s32 $0x88, s3;
	s6 =	simm.s32 @!p1 $0x1082;
	[sflag:s4] =	ssyncset.s32 $0xFFFFF086  }
0x25: {  	[simem:s6], [sflag:s4] =	dma.local [hbm:s3], $0xF7A  }
0x26: {  	[smem:$0x3F8F] =	sst s1;
	(tag) =	ssettag s2;
	_ =	strace s9  }
0x27: {  	s1 =	sld [smem:$0x3F9F]  }
0x28: {  	s2 =	sld [smem:$0x3FA0]  }
0x29: {  	s4 =	sld [smem:$0x3FA2]  }
0x2a: {  	p0 =	seq.s32 s5, $0x0;
	s5 =	sld [smem:$0x3FA3]  }
0x2b: {  	s6 =	sld [smem:$0x3FA4]  }
0x2c: {  	s7 =	sld [smem:$0x3FA5]  }
0x2d: {  	s3 =	simm.s32 $0x108;
	s8 =	sld [smem:$0x3FA6]  }
0x2e: {  	s3 =	simm.s32 @!p0 $0x1082;
	s9 =	sld [smem:$0x3FA7]  }
0x2f: {  	lr =	sadd.s32 s0, s3;
	s0 =	sld [smem:$0x3F9E]  }
0x30: {  	s3 =	sld [smem:$0x3FA1]  }
0x31: {  	[smem:$0x3FAA] =	sst s10  }
0x32: {  	s10 =	sld [smem:$0x3FA8];
	_ =	sdelay $0x3  }
0x33: {  	p0 =	seq.s32 s10, $0x1;
	s10 =	sld [smem:$0x3FAA];
	_ =	sdelay $0x3  }
0x34: {  	[smem:$0x3FAA] =	sst s10  }
0x35: {  	s10 =	sld [smem:$0x3FA9];
	_ =	sdelay $0x3  }
0x36: {  	p1 =	seq.s32 s10, $0x1;
	s10 =	sld [smem:$0x3FAA];
	_ =	sdelay $0x3  }
0x37: {  	[smem:$0x3FAA] =	sst s10  }
0x38: {  	s10 =	sld [smem:$0x3FAB]  }
0x39: {  	_ = 	snop;
	(pc) =	sbr.ind lr, $3  }
0x3a: {  	_ = 	snop  }
0x3b: {  	_ = 	snop  }
0x3c: {  	p2 =	seq.s32 s10, $0x1;
	s10 =	sld [smem:$0x3FAA]  }
0x3d: {  	_ =	shalt  }
0x3e: {  	_ =	shalt  }
0x3f: {  	_ =	shalt  }
0x40: {  	_ =	shalt  }
0x41: {  	_ =	shalt  }
0x42: {  	_ =	shalt  }
0x43: {  	_ =	shalt  }
0x44: {  	_ =	shalt  }
0x45: {  	_ =	shalt  }
0x46: {  	_ =	shalt  }
0x47: {  	_ =	shalt  }
0x48: {  	_ =	shalt  }
0x49: {  	_ =	shalt  }
0x4a: {  	_ =	shalt  }
0x4b: {  	_ =	shalt  }
0x4c: {  	_ =	shalt  }
0x4d: {  	_ =	shalt  }
0x4e: {  	_ =	shalt  }
0x4f: {  	_ =	shalt  }
0x50: {  	_ =	shalt  }
0x51: {  	_ =	shalt  }
0x52: {  	_ =	shalt  }
0x53: {  	_ =	shalt  }
0x54: {  	_ =	shalt  }
0x55: {  	_ =	shalt  }
0x56: {  	_ =	shalt  }
0x57: {  	_ =	shalt  }
0x58: {  	_ =	shalt  }
0x59: {  	_ =	shalt  }
0x5a: {  	_ =	shalt  }
0x5b: {  	_ =	shalt  }
0x5c: {  	_ =	shalt  }
0x5d: {  	_ =	shalt  }
0x5e: {  	_ =	shalt  }
0x5f: {  	_ =	shalt  }
0x60: {  	_ =	shalt  }
0x61: {  	_ =	shalt  }
0x62: {  	_ =	shalt  }
0x63: {  	_ =	shalt  }
0x64: {  	_ =	shalt  }
0x65: {  	_ =	shalt  }
0x66: {  	_ =	shalt  }
0x67: {  	_ =	shalt  }
0x68: {  	_ =	shalt  }
0x69: {  	_ =	shalt  }
0x6a: {  	_ =	shalt  }
0x6b: {  	_ =	shalt  }
0x6c: {  	_ =	shalt  }
0x6d: {  	_ =	shalt  }
0x6e: {  	_ =	shalt  }
0x6f: {  	_ =	shalt  }
0x70: {  	_ =	shalt  }
0x71: {  	_ =	shalt  }
0x72: {  	_ =	shalt  }
0x73: {  	_ =	shalt  }
0x74: {  	_ =	shalt  }
0x75: {  	_ =	shalt  }
0x76: {  	_ =	shalt  }
0x77: {  	_ =	shalt  }
0x78: {  	_ =	shalt  }
0x79: {  	_ =	shalt  }
0x7a: {  	_ =	shalt  }
0x7b: {  	_ =	shalt  }
0x7c: {  	_ =	shalt  }
0x7d: {  	_ =	shalt  }
0x7e: {  	_ =	shalt  }
0x7f: {  	_ =	shalt  }
0x80: {  	_ =	shalt  }
0x81: {  	_ =	shalt  }
0x82: {  	_ =	shalt  }
0x83: {  	_ =	shalt  }
0x84: {  	_ =	shalt  }
0x85: {  	_ =	shalt  }
0x86: {  	_ =	shalt  }
0x87: {  	_ =	shalt  }
.Lfunc_end0:
.L_simem_size_0:
called_computation.3_lowered:
.L_overlay_start_0:
0x88: {  	s2 =	sld [smem:$0x3FD9]  }
0x89: {  	s3 =	sld [smem:$0x3FFE];
	_ =	sdelay $0x1  }
0x8a: {  	s1 =	srdreg.scid  }
0x8b: {  	s0 =	sand.u32 $0x1, s1  }
0x8c: {  	s16 =	sshll.u32 s0, $0xA;
	s2 =	sadd.s32 s3, s2  }
0x8d: {  	s2 =	sadd.s32 s2, s16  }
0x8e: {  	[smem:$0x3FB6] =	sst s2  }
0x8f: {  	_ = 	snop  }
0x90: {  	(tm) =	ssettm $0x1  }
0x91: {  	s17 =	sld [smem:$0x3FFB];
	_ =	sdelay $0x3  }
0x92: {  	_ =	strace s17  }
0x93: {  	s2 =	sld [smem:$0x3FFC];
	_ =	sdelay $0x3  }
0x94: {  	_ =	strace s2  }
0x95: {  	s2 =	sld [smem:$0x3FFD];
	_ =	sdelay $0x3  }
0x96: {  	_ =	strace s2  }
0x97: {  	_ =	strace $0x8FFFFFFF  }
0x98: {  	s18 =	sld [smem:$0x3FDB];
	_ =	sdelay $0x1  }
0x99: {  	s19 =	simm.s32 $_scs_section_size  }
0x9a: {  	s4 =	simm.s32 $_size__tile_overlayer_lowered;
	s5 =	simm.s32 $_tile_overlayer_lowered  }
0x9b: {  	s22 =	simm.s32 $0x1BFF;
	s21 =	sshll.u32 s5, $0x1;
	s2 =	sadd.s32 s19, s18  }
0x9c: {  	s6 =	simm.s32 $0x0;
	s20 =	sshll.u32 s4, $0x1;
	s4 =	sadd.s32 s21, s2  }
0x9d: {  	[timem:s6], [sflag:s22] =	dma.local [hbm:s4], s20  }
0x9e: {  	_ =	swait.ge [sflag:s22], s20  }
0x9f: {  	s3 =	ssub.s32 $0x0, s20;
	[sflag:s22] =	ssyncset.done $0x0  }
0xa0: {  	[sflag:s22] =	ssyncadd.s32 s3;
	_ =	sdelay $0x1  }
0xa1: {  	s23 =	simm.s32 $0x1B8B  }
0xa2: {  	_ =	swait.ge [sflag:s23], $0x1  }
0xa3: {  	[sflag:s23] =	ssyncset.done $0x0  }
0xa4: {  	s25 =	simm.s32 $0x1B8E;
	s24 =	sld [smem:$0x3FFE];
	[sflag:s23] =	ssyncadd.s32 $0xFFFFFFFF  }
0xa5: {  	s26 =	simm.s32 $execute0_lowered;
	[smem:$0x3FD2] =	sst s25  }
0xa6: {  	s4 =	sshll.u32 s26, $0x1;
	_ =	strace $0x8000004F;
	[dreg:$0x1] =	wrdreg $0xFFFFFFFF  }
0xa7: {  	s28 =	simm.s32 $_size_execute0_lowered;
	s2 =	sadd.s32 s2, s4;
	[dreg:$0x0] =	wrdreg $0x0  }
0xa8: {  	s4 =	sshll.u32 s28, $0x1;
	[dreg:$0x2] =	wrdreg s2  }
0xa9: {  	[dreg:$0x3] =	wrdreg s4  }
0xaa: {  	[dreg:$0x4] =	wrdreg $0xC0  }
0xab: {  	_ =	task [dreg:s6], $0x5FFFF  }
0xac: {  	[dreg:$0x1] =	wrdreg $0xFFFFFFFF  }
0xad: {  	[dreg:$0x0] =	wrdreg $0x60  }
0xae: {  	[dreg:$0x2] =	wrdreg s24  }
0xaf: {  	[dreg:$0x3] =	wrdreg $0x41000  }
0xb0: {  	[dreg:$0x4] =	wrdreg $0x9  }
0xb1: {  	_ =	task.clear_ibuf [dreg:s6], $0x5FFFF;
	_ =	strace $0x9000004F  }
0xb2: {  	s29 =	simm.s32 $0x9;
	_ =	strace $0x80000051  }
0xb3: {  	_ =	swait.ge [sflag:s29], $0x1  }
0xb4: {  	[sflag:s29] =	ssyncadd.s32 $0xFFFFFFFF  }
0xb5: {  	_ =	strace $0x90000051  }
0xb6: {  	_ =	sfence  }
0xb7: {  	s30 =	sld [smem:$0x0];
	_ =	sdelay $0x2  }
0xb8: {  	s31 =	sshll.u32 s1, $0xD;
	s1 =	sshrl.u32 s1, $0x2  }
0xb9: {  	s3 =	sand.u32 $0x4000, s31;
	s1 =	sadd.s32 s1, s30  }
0xba: {  	s0 =	sor.u32 s3, s0;
	s1 =	sshll.u32 s1, $0x11  }
0xbb: {  	s0 =	sor.u32 s1, s0  }
0xbc: {  	s0 =	sadd.s32 $0x8F2B, s0  }
0xbd: {  	[sflag:s0] =	ssyncadd.remote.s32 $0x1  }
0xbe: {  	_ =	sfence.sel $0xFFFF  }
0xbf: {  	[dreg:$0x0] =	wrdreg $0xFFFFFFFF;
	(pc) =	sbr.abs _section_cstart, $3  }
0xc0: {  	[dreg:$0x1] =	wrdreg $0xFFFFFFFF  }
0xc1: {  	_ =	task.clear_ibuf [dreg:s6], $0x2FFFF;
	_ =	strace $0x9FFFFFFF  }
0xc2: {  	(tm) =	ssettm $0x7FFFFFFF  }
0xc3: {  	_ =	shalt  }
tec
execute0_lowered:
.L_overlay_start_1:
0x0: {  	(tag) =	ssettag $0x1  }
0x1: {  	s5 =	rddreg [dreg:$0x0]  }
0x2: {  	s1 =	rddreg [dreg:$0x1]  }
0x3: {  	s2 =	srdreg.scid;
	s0 =	rddreg [dreg:$0x2];
	s3 =	simm.s32 $0x0  }
0x4: {  	s18 =	simm.s32 $0x80;
	s19 =	simm.s32 $0x1;
	s7 =	sand.u32 $0x1, s2  }
0x5: {  	s20 =	simm.s32 $0x0;
	s2 =	stileid.u32;
	s6 =	smul.u32 $0x13C000, s7  }
0x6: {  	[smem:$0x7FF] =	sst s3;
	s15 =	sadd.s32 $0x3200, s5;
	s8 =	smul.u32 $0x13C00, s2  }
0x7: {  	s13 =	sadd.s32 $0xD000, s5;
	s4 =	sadd.s32 $0x16E00, s5;
	s9 =	smul.u32 $0x4F000, s2  }
0x8: {  	_ =	strace $0x80000050;
	s30 =	ssub.s32 $0x2, s7;
	s14 =	smul.u32 $0x610, s2  }
0x9: {  	p0 =	seq.s32 s7, $0x1;
	s16 =	smul.u32 $0x3D0, s2;
	s31 =	sshrl.u32 s30, $0x1  }
0xa: {  	s6 =	sadd.s32 s8, s6;
	s9 =	sshrl.u32 s9, $0x2;
	s8 =	ssub.s32 s30, s31  }
0xb: {  	s12 =	sadd.s32 s14, s13;
	s17 =	sadd.s32 s16, s13;
	s13 =	sadd.s32 s14, s15  }
.Ltmp0:
0xc: {  	s15 =	sadd.s32 s16, s15;
	s16 =	simm.s32 $0x100;
	(pc) =	sbr.rel .LBB2_1-.Ltmp0, $4  }
0xd: {  	s6 =	sshrl.u32 s6, $0x3;
	s8 =	smax.u32 s8, $0x1;
	s14 =	sadd.s32 $0x6100, s17  }
0xe: {  	s15 =	sadd.s32 $0x6100, s15;
	s10 =	sadd.s32 s6, s5;
	s5 =	sadd.s32 s9, s1  }
0xf: {  	s17 =	simm.s32 $0x2;
	s6 =	sadd.s32 $0x10000, s5;
	s7 =	sadd.s32 $0xB3200, s10  }
0x10: {  	v0 =	vimm.f32 $0.0e+00;
	s9 =	sadd.s32 $0x4000, s5;
	s10 =	sadd.s32 $0x8000, s5;
	s11 =	sadd.s32 $0xC000, s5  }
.LBB2_6:
0x11: {  	s22 =	sadd.s32 s21, s13;
	[sflag:s17] =	ssyncadd.s32 $0xFFFFC000  }
0x12: {  	[tilespmem:s3], [sflag:$0x2] =	stream.linear.gather [hbm4b:s22+s3], $0x80, $0x38;
	[tilespmem:$0x17D00] =	vst v63  }
0x13: {  	_ =	swait.ge [sflag:s17], $0x80  }
0x14: {  	[sflag:s17] =	ssyncset.done $0x0  }
0x15: {  	s31 =	sadd.s32 s21, s12;
	[sflag:s17] =	ssyncadd.s32 $0xFFFFFF80  }
0x16: {  	[tilespmem:s18], [sflag:$0x2] =	stream.linear.gather [hbm4b:s31+s3], $0x80, $0x38;
	[tilespmem:$0x17D00] =	vst v63  }
0x17: {  	_ =	swait.ge [sflag:s17], $0x80  }
0x18: {  	[sflag:s17] =	ssyncset.done $0x0  }
0x19: {  	[sflag:s17] =	ssyncadd.s32 $0xFFFFFF80  }
0x1a: {  	[tilespmem:s16], [sflag:$0x1] =	stream.indirect.gather [hbm4b:s4+s18], $0x80, s3, s18, $0xb8;
	[tilespmem:$0x17D00] =	vst v63  }
0x1b: {  	_ =	swait.ge [sflag:s19], $0x4000  }
0x1c: {  	[sflag:s19] =	ssyncset.done $0x0  }
0x1d: {  	[sflag:s19] =	ssyncadd.s32 $0xFFFFC000  }
0x1e: {  	[spmem:s1] =	stream.indirect.scatter.add.f32 [tilespmem:s16], [sflag:$0x2], $0x80, s18, s18, $0xb8;
	[tilespmem:$0x17D00] =	vst v63  }
0x1f: {  	_ =	swait.ge [sflag:s17], $0x4000  }
0x20: {  	[sflag:s17] =	ssyncset.done $0x0  }
0x21: {  	[sflag:s17] =	ssyncadd.s32 $0xFFFFC000  }
.LBB2_10:
0x22: {  	s20 =	sadd.s32 $0x1, s20  }
0x23: {  	s21 =	sshll.u32 s2, $0x6;
	[bflag:$0x0] =	sbarrier.arrive $0xFFFF;
	p1 =	sne.s32 s20, s8  }
.Ltmp1:
0x24: {  	s22 =	sshrl.u32 s5, $0x3;
	s21 =	sor.u32 $0x1C02, s21;
	(pc) =	sbr.rel @!p1 .LBB2_11-.Ltmp1, $4  }
0x25: {  	[hbm:s7], [sflag:s21] =	dma.local [spmem:s22], $0x2780  }
0x26: {  	_ =	swait.ge [sflag:s17], $0x2780  }
0x27: {  	[sflag:s17] =	ssyncset.done $0x0  }
0x28: {  	[sflag:s17] =	ssyncadd.s32 $0xFFFFD880  }
.LBB2_1:
0x29: {  	s21 =	sand.u32 $0xFE00, s3  }
0x2a: {  	s22 =	sand.u32 $0x70, s3;
	s23 =	sshrl.u32 s21, $0x2  }
0x2b: {  	s21 =	simm.s32 $0x40;
	s23 =	sor.u32 s22, s23;
	s22 =	simm.s32 $0x0  }
.LBB2_2:
0x2c: {  	p1 =	sne.s32 s21, $0xFFC0  }
0x2d: {  	[tilespmem:s23+$0x100] =	vst v0;
	s22 =	sadd.s32 $0x10, s22;
	s23 =	smov.u32 s21;
	s21 =	sadd.s32 $0x40, s21  }
.Ltmp2:
0x2e: {  	(pc) =	sbr.rel @p1 .LBB2_2-.Ltmp2, $4  }
0x2f: {  	_ = 	snop  }
0x30: {  	s23 =	sand.u32 $0xFE00, s23  }
0x31: {  	s24 =	sand.u32 $0x70, s22;
	s23 =	sshrl.u32 s23, $0x2  }
0x32: {  	s23 =	sor.u32 s24, s23  }
0x33: {  	[tilespmem:s23+$0x100] =	vst v0  }
0x34: {  	[spmem:s5] =	stream.linear.scatter [tilespmem:s16], [sflag:$0x2], $0x4000, $0x38;
	[tilespmem:$0x17D00] =	vst v63  }
0x35: {  	_ =	swait.ge [sflag:s17], $0x4000  }
0x36: {  	[sflag:s17] =	ssyncset.done $0x0  }
0x37: {  	[sflag:s17] =	ssyncadd.s32 $0xFFFFC000  }
0x38: {  	[spmem:s9] =	stream.linear.scatter [tilespmem:s16], [sflag:$0x2], $0x4000, $0x38;
	[tilespmem:$0x17D00] =	vst v63  }
0x39: {  	_ =	swait.ge [sflag:s17], $0x4000  }
0x3a: {  	[sflag:s17] =	ssyncset.done $0x0  }
0x3b: {  	[sflag:s17] =	ssyncadd.s32 $0xFFFFC000  }
0x3c: {  	[spmem:s10] =	stream.linear.scatter [tilespmem:s16], [sflag:$0x2], $0x4000, $0x38;
	[tilespmem:$0x17D00] =	vst v63  }
0x3d: {  	_ =	swait.ge [sflag:s17], $0x4000  }
0x3e: {  	[sflag:s17] =	ssyncset.done $0x0  }
0x3f: {  	[sflag:s17] =	ssyncadd.s32 $0xFFFFC000  }
0x40: {  	[spmem:s11] =	stream.linear.scatter [tilespmem:s16], [sflag:$0x2], $0x4000, $0x38;
	[tilespmem:$0x17D00] =	vst v63  }
0x41: {  	_ =	swait.ge [sflag:s17], $0x4000  }
0x42: {  	[sflag:s17] =	ssyncset.done $0x0  }
0x43: {  	[sflag:s17] =	ssyncadd.s32 $0xFFFFC000  }
0x44: {  	[spmem:s6] =	stream.linear.scatter [tilespmem:s16], [sflag:$0x2], $0x3C00, $0x38;
	[tilespmem:$0x17D00] =	vst v63  }
.Ltmp3:
0x45: {  	_ =	swait.ge [sflag:s17], $0x3C00;
	(pc) =	sbr.rel @!p0 .LBB2_4-.Ltmp3, $3  }
0x46: {  	[sflag:s17] =	ssyncset.done $0x0  }
0x47: {  	[sflag:s17] =	ssyncadd.s32 $0xFFFFC400  }
0x48: {  	[bflag:$0x0] =	sbarrier.arrive $0xFFFF;
	_ =	sdelay $0x1  }
0x49: {  	s21 =	sadd.s32 $0x0, s15  }
0x4a: {  	[tilespmem:s3], [sflag:$0x2] =	stream.linear.gather [hbm4b:s21+s3], $0x80, $0x38;
	[tilespmem:$0x17D00] =	vst v63  }
0x4b: {  	_ =	swait.ge [sflag:s17], $0x80  }
0x4c: {  	[sflag:s17] =	ssyncset.done $0x0  }
0x4d: {  	s31 =	sadd.s32 $0x0, s14;
	[sflag:s17] =	ssyncadd.s32 $0xFFFFFF80  }
0x4e: {  	[tilespmem:s18], [sflag:$0x2] =	stream.linear.gather [hbm4b:s31+s3], $0x80, $0x38;
	[tilespmem:$0x17D00] =	vst v63  }
0x4f: {  	_ =	swait.ge [sflag:s17], $0x80  }
0x50: {  	[sflag:s17] =	ssyncset.done $0x0  }
0x51: {  	[sflag:s17] =	ssyncadd.s32 $0xFFFFFF80  }
0x52: {  	[tilespmem:s16], [sflag:$0x1] =	stream.indirect.gather [hbm4b:s4+s18], $0x80, s3, s18, $0xb8;
	[tilespmem:$0x17D00] =	vst v63  }
0x53: {  	_ =	swait.ge [sflag:s19], $0x4000  }
0x54: {  	[sflag:s19] =	ssyncset.done $0x0  }
0x55: {  	[sflag:s19] =	ssyncadd.s32 $0xFFFFC000  }
0x56: {  	[spmem:s1] =	stream.indirect.scatter.add.f32 [tilespmem:s16], [sflag:$0x2], $0x80, s18, s18, $0xb8;
	[tilespmem:$0x17D00] =	vst v63  }
0x57: {  	_ =	swait.ge [sflag:s17], $0x4000  }
0x58: {  	s22 =	simm.s32 $0x20;
	s21 =	simm.s32 $0x10;
	[sflag:s17] =	ssyncset.done $0x0  }
.LBB2_8:
0x59: {  	s23 =	sadd.s32 s21, s15  }
0x5a: {  	[sflag:s17] =	ssyncadd.s32 $0xFFFFC000;
	s24 =	smov.u32 s22;
	s25 =	sadd.s32 $0x10, s22  }
0x5b: {  	[tilespmem:s3], [sflag:$0x2] =	stream.linear.gather [hbm4b:s23+s3], $0x80, $0x38;
	[tilespmem:$0x17D00] =	vst v63  }
0x5c: {  	p1 =	sne.s32 s22, $0x3C0;
	_ =	swait.ge [sflag:s17], $0x80  }
0x5d: {  	[sflag:s17] =	ssyncset.done $0x0  }
0x5e: {  	s22 =	sadd.s32 s21, s14;
	s21 =	smov.u32 s24;
	[sflag:s17] =	ssyncadd.s32 $0xFFFFFF80  }
0x5f: {  	[tilespmem:s18], [sflag:$0x2] =	stream.linear.gather [hbm4b:s22+s3], $0x80, $0x38;
	[tilespmem:$0x17D00] =	vst v63  }
0x60: {  	_ =	swait.ge [sflag:s17], $0x80  }
0x61: {  	[sflag:s17] =	ssyncset.done $0x0  }
0x62: {  	[sflag:s17] =	ssyncadd.s32 $0xFFFFFF80  }
0x63: {  	[tilespmem:s16], [sflag:$0x1] =	stream.indirect.gather [hbm4b:s4+s18], $0x80, s3, s18, $0xb8;
	[tilespmem:$0x17D00] =	vst v63  }
0x64: {  	_ =	swait.ge [sflag:s19], $0x4000  }
.Ltmp4:
0x65: {  	[sflag:s19] =	ssyncset.done $0x0;
	(pc) =	sbr.rel @p1 .LBB2_8-.Ltmp4, $4  }
0x66: {  	[sflag:s19] =	ssyncadd.s32 $0xFFFFC000  }
0x67: {  	[spmem:s1] =	stream.indirect.scatter.add.f32 [tilespmem:s16], [sflag:$0x2], $0x80, s18, s18, $0xb8;
	[tilespmem:$0x17D00] =	vst v63  }
0x68: {  	_ =	swait.ge [sflag:s17], $0x4000  }
0x69: {  	s22 =	smov.u32 s25;
	[sflag:s17] =	ssyncset.done $0x0  }
0x6a: {  	s22 =	sadd.s32 s21, s15;
	[sflag:s17] =	ssyncadd.s32 $0xFFFFC000  }
0x6b: {  	[tilespmem:s3], [sflag:$0x2] =	stream.linear.gather [hbm4b:s22+s3], $0x80, $0x38;
	[tilespmem:$0x17D00] =	vst v63  }
0x6c: {  	_ =	swait.ge [sflag:s17], $0x80  }
0x6d: {  	[sflag:s17] =	ssyncset.done $0x0  }
0x6e: {  	s31 =	sadd.s32 s21, s14;
	[sflag:s17] =	ssyncadd.s32 $0xFFFFFF80  }
0x6f: {  	[tilespmem:s18], [sflag:$0x2] =	stream.linear.gather [hbm4b:s31+s3], $0x80, $0x38;
	[tilespmem:$0x17D00] =	vst v63  }
0x70: {  	_ =	swait.ge [sflag:s17], $0x80  }
0x71: {  	[sflag:s17] =	ssyncset.done $0x0  }
0x72: {  	[sflag:s17] =	ssyncadd.s32 $0xFFFFFF80  }
0x73: {  	[tilespmem:s16], [sflag:$0x1] =	stream.indirect.gather [hbm4b:s4+s18], $0x80, s3, s18, $0xb8;
	[tilespmem:$0x17D00] =	vst v63  }
0x74: {  	_ =	swait.ge [sflag:s19], $0x4000  }
0x75: {  	[sflag:s19] =	ssyncset.done $0x0  }
.Ltmp5:
0x76: {  	[sflag:s19] =	ssyncadd.s32 $0xFFFFC000;
	(pc) =	sbr.rel .LBB2_10-.Ltmp5, $4  }
0x77: {  	[spmem:s1] =	stream.indirect.scatter.add.f32 [tilespmem:s16], [sflag:$0x2], $0x80, s18, s18, $0xb8;
	[tilespmem:$0x17D00] =	vst v63  }
0x78: {  	_ =	swait.ge [sflag:s17], $0x4000  }
0x79: {  	[sflag:s17] =	ssyncset.done $0x0  }
0x7a: {  	[sflag:s17] =	ssyncadd.s32 $0xFFFFC000  }
.LBB2_4:
0x7b: {  	s21 =	sadd.s32 $0x0, s13  }
0x7c: {  	[tilespmem:s3], [sflag:$0x2] =	stream.linear.gather [hbm4b:s21+s3], $0x80, $0x38;
	[tilespmem:$0x17D00] =	vst v63  }
0x7d: {  	_ =	swait.ge [sflag:s17], $0x80  }
0x7e: {  	[sflag:s17] =	ssyncset.done $0x0  }
0x7f: {  	s31 =	sadd.s32 $0x0, s12;
	[sflag:s17] =	ssyncadd.s32 $0xFFFFFF80  }
0x80: {  	[tilespmem:s18], [sflag:$0x2] =	stream.linear.gather [hbm4b:s31+s3], $0x80, $0x38;
	[tilespmem:$0x17D00] =	vst v63  }
0x81: {  	_ =	swait.ge [sflag:s17], $0x80  }
0x82: {  	[sflag:s17] =	ssyncset.done $0x0  }
0x83: {  	[sflag:s17] =	ssyncadd.s32 $0xFFFFFF80  }
0x84: {  	[tilespmem:s16], [sflag:$0x1] =	stream.indirect.gather [hbm4b:s4+s18], $0x80, s3, s18, $0xb8;
	[tilespmem:$0x17D00] =	vst v63  }
0x85: {  	_ =	swait.ge [sflag:s19], $0x4000  }
0x86: {  	[sflag:s19] =	ssyncset.done $0x0  }
0x87: {  	[sflag:s19] =	ssyncadd.s32 $0xFFFFC000  }
0x88: {  	[spmem:s1] =	stream.indirect.scatter.add.f32 [tilespmem:s16], [sflag:$0x2], $0x80, s18, s18, $0xb8;
	[tilespmem:$0x17D00] =	vst v63  }
0x89: {  	_ =	swait.ge [sflag:s17], $0x4000  }
0x8a: {  	s22 =	simm.s32 $0x20;
	s21 =	simm.s32 $0x10;
	[sflag:s17] =	ssyncset.done $0x0  }
.LBB2_5:
0x8b: {  	s23 =	sadd.s32 s21, s13  }
0x8c: {  	[sflag:s17] =	ssyncadd.s32 $0xFFFFC000;
	s24 =	smov.u32 s22;
	s25 =	sadd.s32 $0x10, s22  }
0x8d: {  	[tilespmem:s3], [sflag:$0x2] =	stream.linear.gather [hbm4b:s23+s3], $0x80, $0x38;
	[tilespmem:$0x17D00] =	vst v63  }
0x8e: {  	p1 =	seq.s32 s22, $0x600;
	_ =	swait.ge [sflag:s17], $0x80  }
0x8f: {  	[sflag:s17] =	ssyncset.done $0x0  }
0x90: {  	s22 =	sadd.s32 s21, s12;
	s21 =	smov.u32 s24;
	[sflag:s17] =	ssyncadd.s32 $0xFFFFFF80  }
0x91: {  	[tilespmem:s18], [sflag:$0x2] =	stream.linear.gather [hbm4b:s22+s3], $0x80, $0x38;
	[tilespmem:$0x17D00] =	vst v63  }
0x92: {  	_ =	swait.ge [sflag:s17], $0x80  }
0x93: {  	[sflag:s17] =	ssyncset.done $0x0  }
0x94: {  	[sflag:s17] =	ssyncadd.s32 $0xFFFFFF80  }
0x95: {  	[tilespmem:s16], [sflag:$0x1] =	stream.indirect.gather [hbm4b:s4+s18], $0x80, s3, s18, $0xb8;
	[tilespmem:$0x17D00] =	vst v63  }
0x96: {  	_ =	swait.ge [sflag:s19], $0x4000  }
.Ltmp6:
0x97: {  	[sflag:s19] =	ssyncset.done $0x0;
	(pc) =	sbr.rel @!p1 .LBB2_5-.Ltmp6, $4  }
0x98: {  	[sflag:s19] =	ssyncadd.s32 $0xFFFFC000  }
0x99: {  	[spmem:s1] =	stream.indirect.scatter.add.f32 [tilespmem:s16], [sflag:$0x2], $0x80, s18, s18, $0xb8;
	[tilespmem:$0x17D00] =	vst v63  }
0x9a: {  	_ =	swait.ge [sflag:s17], $0x4000  }
0x9b: {  	s22 =	smov.u32 s25;
	[sflag:s17] =	ssyncset.done $0x0  }
.Ltmp7:
0x9c: {  	_ = 	snop;
	(pc) =	sbr.rel .LBB2_6-.Ltmp7, $1  }
0x9d: {  	_ =	sdelay $0x3  }
.LBB2_11:
0x9e: {  	_ =	sfence.sel $0x180000  }
0x9f: {  	[bflag:$0x0] =	sbarrier.arrive $0xFFFF  }
0xa0: {  	p0 =	sne.s32 s2, $0x0;
	_ =	strace $0x90000050  }
0xa1: {  	s0 =	sadd.s32 @!p0 $0x100000, s0;
	[bflag:$0x2] =	sbarrier.arrive $0xFFFF  }
0xa2: {  	[sflag:s0] =	ssyncadd.tile.s32 @!p0 $0x1;
	_ =	shalt  }
.Lfunc_end2:
_tile_overlayer_lowered:
.L_overlay_start_2:
0xa3: {  	(tag) =	ssettag $0x2  }
0xa4: {  	s0 =	rddreg [dreg:$0x0];
	s2 =	stileid.u32  }
0xa5: {  	s1 =	rddreg [dreg:$0x1];
	p0 =	sne.s32 s2, $0x0  }
0xa6: {  	s3 =	rddreg [dreg:$0x2];
	[bflag:$0x3] =	sbarrier.arrive $0xFFFF;
	s2 =	simm.s32 @!p0 $0x1C02  }
0xa7: {  	[timem:s3], [sflag:s2] =	dma.local @!p0 [hbm:s0], s1  }
0xa8: {  	s0 =	simm.s32 @!p0 $0x2  }
0xa9: {  	_ =	swait.ge @!p0 [sflag:s0], s1  }
0xaa: {  	s1 =	ssub.s32 @!p0 $0x0, s1;
	[sflag:s0] =	ssyncset.done @!p0 $0x0  }
0xab: {  	[sflag:s0] =	ssyncadd.s32 @!p0 s1  }
0xac: {  	[bflag:$0x3] =	sbarrier.arrive $0xFFFF  }
0xad: {  	_ =	shalt  }

</sc_bundles>
